<compile_context>
chip_gen: v7x
topology: tpu7x:2x2x1
jax: 0.10.2.dev20260603
libtpu: 0.0.44.dev20260713+nightly
codegen_flags: <defaults>
</compile_context>

<pallas_src>
import dataclasses

import jax
import jax.numpy as jnp
from jax import lax
from jax.experimental import pallas as pl
from jax.experimental.pallas import tpu as pltpu
from jax.experimental.pallas import tpu_sc as plsc

N = 10000
E = 320000
IN_DIM = 128
OUT_DIM = 128
NUM_REL = 20
NUM_BASES = 10

NUM_CORES = 2
NUM_TILES = 16
LANES = 16
NUM_WORKERS = NUM_CORES * NUM_TILES

CH = 80
EDGES_PER_WORKER = E // NUM_WORKERS
MAIN_CHUNKS = EDGES_PER_WORKER // CH
CCH = 128
CNT_TOT_ROWS = E // CCH
CNT_ROWS = CNT_TOT_ROWS // NUM_TILES
CNT_EXTRA = CNT_TOT_ROWS - NUM_TILES * CNT_ROWS
CNT_PAD = 200704
CNT_PER_TILE = CNT_PAD // NUM_TILES
ZCNT = 3136
ROW_BLOCKS = N // CH

ROW_BLK = 2000
NUM_ROW_BLKS = N // ROW_BLK


def _tc_transform_body(comp_ref, w_ref, x_ref, root_ref, bias_ref,
                       y_ref, rout_ref):
    r = pl.program_id(1)
    w = w_ref[...]
    wr = comp_ref[r, 0] * w[0]
    for b in range(1, NUM_BASES):
        wr = wr + comp_ref[r, b] * w[b]
    y_ref[...] = jnp.dot(x_ref[...], wr,
                         preferred_element_type=jnp.float32)

    @pl.when(r == 0)
    def _():
        rout_ref[...] = jnp.dot(x_ref[...], root_ref[...],
                                preferred_element_type=jnp.float32) + bias_ref[...]


def _tc_transform(x, comp, weight, root, bias2d):
    return pl.pallas_call(
        _tc_transform_body,
        grid=(NUM_ROW_BLKS, NUM_REL),
        in_specs=[
            pl.BlockSpec((NUM_REL, NUM_BASES), lambda nb, r: (0, 0),
                         memory_space=pltpu.SMEM),
            pl.BlockSpec((NUM_BASES, IN_DIM, OUT_DIM), lambda nb, r: (0, 0, 0)),
            pl.BlockSpec((ROW_BLK, IN_DIM), lambda nb, r: (nb, 0)),
            pl.BlockSpec((IN_DIM, OUT_DIM), lambda nb, r: (0, 0)),
            pl.BlockSpec((1, OUT_DIM), lambda nb, r: (0, 0)),
        ],
        out_specs=[
            pl.BlockSpec((ROW_BLK, OUT_DIM),
                         lambda nb, r: (r * NUM_ROW_BLKS + nb, 0)),
            pl.BlockSpec((ROW_BLK, OUT_DIM), lambda nb, r: (nb, 0)),
        ],
        out_shape=[
            jax.ShapeDtypeStruct((NUM_REL * N, OUT_DIM), jnp.float32),
            jax.ShapeDtypeStruct((N, OUT_DIM), jnp.float32),
        ],
    )(comp, weight, x, root, bias2d)


def _sc_agg_body(y_hbm, pk_hbm, k2r_hbm, out_hbm,
                 counts_sh, acc_sh,
                 pk_v, cbuf_v, cnt_v, alpha_v, rows_v, zcnt_v, ones_v):
    c = lax.axis_index("c")
    s = lax.axis_index("s")
    wid = c * NUM_TILES + s

    zf32 = jnp.zeros((LANES,), jnp.float32)

    @pl.loop(0, ZCNT, step=LANES)
    def _(i):
        zcnt_v[pl.ds(i, LANES)] = zf32

    @pl.loop(0, CH)
    def _(i):
        for jj in range(0, OUT_DIM, LANES):
            rows_v[0][i, pl.ds(jj, LANES)] = zf32

    @pl.loop(0, CCH, step=LANES)
    def _(i):
        ones_v[pl.ds(i, LANES)] = jnp.ones((LANES,), jnp.float32)

    for rep in range(CNT_PER_TILE // ZCNT):
        pltpu.sync_copy(
            zcnt_v,
            counts_sh.at[pl.ds(s * CNT_PER_TILE + rep * ZCNT, ZCNT)])

    @pl.loop(0, 8)
    def _(j):
        blk = s + NUM_TILES * j

        @pl.when(blk < ROW_BLOCKS)
        def _():
            pltpu.sync_copy(rows_v[0], acc_sh.at[pl.ds(blk * CH, CH), :])

    plsc.subcore_barrier()

    def _phase1(ci0, ci1, ci2, ci3, ci4, ci5, cs0, cs1, cs2, cs3, cs4, cs5):
        cis = [ci0, ci1, ci2, ci3, ci4, ci5]
        css = [cs0, cs1, cs2, cs3, cs4, cs5]
        r0 = s * CNT_ROWS

        def ci(row, b):
            return pltpu.make_async_copy(k2r_hbm.at[row], cbuf_v[b], cis[b])

        def cs_start(b):
            pltpu.async_copy(ones_v, counts_sh.at[cbuf_v[b]], css[b],
                             add=True)

        def cs_wait(b):
            pltpu.make_async_copy(ones_v, counts_sh.at[cbuf_v[b]],
                                  css[b]).wait()

        ci(r0, 0).start()
        ci(r0 + 1, 1).start()

        @pl.loop(0, CNT_ROWS // 6)
        def _(k):
            for p in range(6):
                m = 6 * k + p
                ci(r0 + m, p).wait()
                cs_start(p)
                if p < 4:
                    @pl.when(k > 0)
                    def _():
                        cs_wait((p + 2) % 6)
                else:
                    cs_wait((p + 2) % 6)

                if p >= 4:
                    @pl.when(k < CNT_ROWS // 6 - 1)
                    def _():
                        ci(r0 + m + 2, (p + 2) % 6).start()
                else:
                    ci(r0 + m + 2, (p + 2) % 6).start()

        for m in range(CNT_ROWS - 4, CNT_ROWS):
            cs_wait(m % 6)

        @pl.when(s < CNT_EXTRA)
        def _():
            pltpu.sync_copy(k2r_hbm.at[NUM_TILES * CNT_ROWS + s], cbuf_v[0])
            pltpu.sync_copy(ones_v, counts_sh.at[cbuf_v[0]], add=True)

    pl.run_scoped(_phase1, *[pltpu.SemaphoreType.DMA(())
                             for _ in range(12)])

    plsc.subcore_barrier()

    def _phase2(p0, p1, p2, r0, r1, r2, s0, s1, s2):
        psem = [p0, p1, p2]
        rsem = [r0, r1, r2]
        ssem = [s0, s1, s2]
        g0 = wid * MAIN_CHUNKS

        def pkc(g, b):
            return pltpu.make_async_copy(pk_hbm.at[g], pk_v[b], psem[b])

        def rowc(b):
            return pltpu.make_async_copy(y_hbm.at[pk_v[b].at[0]], rows_v[b],
                                         rsem[b])

        def scat_start(b):
            pltpu.async_copy(rows_v[b], acc_sh.at[pk_v[b].at[2]], ssem[b],
                             add=True)

        def scat_wait(b):
            pltpu.make_async_copy(rows_v[b], acc_sh.at[pk_v[b].at[2]],
                                  ssem[b]).wait()

        def pre(b):
            rowc(b).start()
            pltpu.sync_copy(counts_sh.at[pk_v[b].at[1]], cnt_v)

            @pl.loop(0, CH, step=LANES)
            def _(j):
                cv = cnt_v[pl.ds(j, LANES)]
                alpha_v[b][pl.ds(j, LANES)] = 1.0 / jnp.maximum(cv, 1.0)

        def fin(b):
            rowc(b).wait()

            @plsc.parallel_loop(0, CH, unroll=4)
            def _(e):
                av = plsc.load_gather(alpha_v[b],
                                      [jnp.zeros((LANES,), jnp.int32) + e])
                for jj in range(0, OUT_DIM, LANES):
                    rows_v[b][e, pl.ds(jj, LANES)] = (
                        rows_v[b][e, pl.ds(jj, LANES)] * av)

            scat_start(b)

        pkc(g0, 0).start()
        pkc(g0, 0).wait()
        pre(0)
        pkc(g0 + 1, 1).start()

        @pl.loop(0, 41)
        def _(k):
            for p in range(3):
                m = 3 * k + p
                pn = (p + 1) % 3
                pnn = (p + 2) % 3
                pkc(g0 + m + 1, pn).wait()
                pre(pn)
                fin(p)
                if p == 0:
                    @pl.when(k > 0)
                    def _():
                        scat_wait(pnn)
                else:
                    scat_wait(pnn)
                pkc(g0 + m + 2, pnn).start()

        pkc(g0 + MAIN_CHUNKS - 1, 1).wait()
        pre(1)
        fin(0)
        scat_wait(2)
        fin(1)
        scat_wait(0)
        scat_wait(1)

    pl.run_scoped(_phase2, *[pltpu.SemaphoreType.DMA(())
                             for _ in range(9)])

    plsc.subcore_barrier()

    @pl.loop(0, 8)
    def _(j):
        blk = s + NUM_TILES * j

        @pl.when(blk < ROW_BLOCKS)
        def _():
            pltpu.sync_copy(acc_sh.at[pl.ds(blk * CH, CH), :],
                            out_hbm.at[c, pl.ds(blk * CH, CH), :])


def _sc_aggregate(y, pk, k2r):
    mesh = plsc.VectorSubcoreMesh(core_axis_name="c", subcore_axis_name="s")
    cp = pltpu.CompilerParams()
    if "needs_layout_passes" in pltpu.CompilerParams.__dataclass_fields__:
        cp = dataclasses.replace(cp, needs_layout_passes=False)
    kern = pl.kernel(
        _sc_agg_body,
        compiler_params=cp,
        out_type=jax.ShapeDtypeStruct((NUM_CORES, N, OUT_DIM), jnp.float32),
        mesh=mesh,
        scratch_types=[
            pltpu.VMEM_SHARED((CNT_PAD,), jnp.float32),
            pltpu.VMEM_SHARED((N, OUT_DIM), jnp.float32),
            [pltpu.VMEM((3, CH), jnp.int32) for _ in range(3)],
            [pltpu.VMEM((CCH,), jnp.int32) for _ in range(6)],
            pltpu.VMEM((CH,), jnp.float32),
            [pltpu.VMEM((CH,), jnp.float32) for _ in range(3)],
            [pltpu.VMEM((CH, OUT_DIM), jnp.float32) for _ in range(3)],
            pltpu.VMEM((ZCNT,), jnp.float32),
            pltpu.VMEM((CCH,), jnp.float32),
        ],
    )
    return kern(y, pk, k2r)


def _tc_combine_body(p_ref, rout_ref, out_ref):
    out_ref[...] = p_ref[0] + p_ref[1] + rout_ref[...]


def _tc_combine(partials, rout):
    return pl.pallas_call(
        _tc_combine_body,
        out_shape=jax.ShapeDtypeStruct((N, OUT_DIM), jnp.float32),
    )(partials, rout)


@jax.jit
def kernel(x, edge_index, edge_type, comp, weight, root, bias):
    src = edge_index[0]
    dst = edge_index[1]
    k1 = edge_type * N + src
    k2 = edge_type * N + dst
    pk = jnp.stack([k1.reshape(-1, CH), k2.reshape(-1, CH),
                    dst.reshape(-1, CH)], axis=1)
    k2r = k2.reshape(-1, CCH)
    y, rout = _tc_transform(x, comp, weight, root, bias.reshape(1, OUT_DIM))
    partials = _sc_aggregate(y, pk, k2r)
    return _tc_combine(partials, rout)

# --- scband reference (transcript-rebuilt; emitter-appended) ---
"""Pipeline reference for scband-conv-dgn-16286515986845 (READ-ONLY COPY).

The authoritative reference and input builder live on the scoring server;
editing this copy changes nothing except your own understanding.
"""

import jax, jax.numpy as jnp
import numpy as np

N = 10000
E = 320000
IN_DIM = 128
OUT_DIM = 128
NUM_REL = 20
NUM_BASES = 10


def setup_inputs(seed: int = 0) -> dict:
    key = jax.random.key(seed)
    ks = jax.random.split(key, 8)
    x = jax.random.normal(ks[0], (N, IN_DIM), dtype=jnp.float32)
    edge_index = jax.random.randint(ks[1], (2, E), 0, N, dtype=jnp.int32)
    edge_type = jax.random.randint(ks[2], (E,), 0, NUM_REL, dtype=jnp.int32)
    # RGCNConv(in=128, out=128, num_relations=20, num_bases=10) parameters
    comp = jax.random.normal(ks[3], (NUM_REL, NUM_BASES), dtype=jnp.float32) * 0.1
    weight = jax.random.normal(ks[4], (NUM_BASES, IN_DIM, OUT_DIM), dtype=jnp.float32) * (1.0 / np.sqrt(IN_DIM))
    root = jax.random.normal(ks[5], (IN_DIM, OUT_DIM), dtype=jnp.float32) * (1.0 / np.sqrt(IN_DIM))
    bias = jnp.zeros((OUT_DIM,), dtype=jnp.float32)
    return {"x": x, "edge_index": edge_index, "edge_type": edge_type,
            "comp": comp, "weight": weight, "root": root, "bias": bias}


def reference(x, edge_index, edge_type, comp, weight, root, bias):
    # Single-layer ConvDGN with type='rgcn', empty hidden_sizes_list:
    # forward runs one RGCNConv on ((x, x_target=x), edge_index, edge_type).
    # num_conv == 1 so no relu/dropout after the last (only) layer.
    n = x.shape[0]
    # basis decomposition: W_r = sum_b comp[r, b] * weight[b]
    Wr = jnp.einsum('rb,bio->rio', comp, weight)  # [R, in, out]
    src = edge_index[0]
    dst = edge_index[1]
    x_src = jnp.take(x, src, axis=0)  # gather [E, in]
    out = jnp.zeros((n, Wr.shape[2]), dtype=x.dtype)
    for r in range(NUM_REL):
        m = (edge_type == r).astype(x.dtype)  # [E]
        s = jax.ops.segment_sum(x_src * m[:, None], dst, num_segments=n)  # [n, in]
        c = jax.ops.segment_sum(m, dst, num_segments=n)  # [n]
        h = s / jnp.maximum(c, 1.0)[:, None]  # per-relation mean aggregation (PyG aggr='mean')
        out = out + h @ Wr[r]
    out = out + x @ root + bias  # root transform of x_target (= x) plus bias
    return out

if __name__ == "__main__":
    import jax
    _d = setup_inputs()
    print(jax.jit(kernel)(*tuple(_d.values())))

</pallas_src>

<mosaic_0001>
#map = affine_map<(d0, d1) -> (0, 0)>
#map1 = affine_map<(d0, d1) -> (0, 0, 0)>
module attributes {stable_mosaic.version = 14 : i64} {
  func.func @_sc_agg_body(%arg0: i32, %arg1: i32, %arg2: memref<200000x128xf32, #tpu.memory_space<hbm>>, %arg3: memref<4000x3x80xi32, #tpu.memory_space<hbm>>, %arg4: memref<2500x128xi32, #tpu.memory_space<hbm>>, %arg5: memref<2x10000x128xf32, #tpu.memory_space<hbm>>, %arg6: memref<200704xf32, #tpu.memory_space<vmem_shared>>, %arg7: memref<10000x128xf32, #tpu.memory_space<vmem_shared>>, %arg8: memref<3x80xi32, #tpu.memory_space<vmem>>, %arg9: memref<3x80xi32, #tpu.memory_space<vmem>>, %arg10: memref<3x80xi32, #tpu.memory_space<vmem>>, %arg11: memref<128xi32, #tpu.memory_space<vmem>>, %arg12: memref<128xi32, #tpu.memory_space<vmem>>, %arg13: memref<128xi32, #tpu.memory_space<vmem>>, %arg14: memref<128xi32, #tpu.memory_space<vmem>>, %arg15: memref<128xi32, #tpu.memory_space<vmem>>, %arg16: memref<128xi32, #tpu.memory_space<vmem>>, %arg17: memref<80xf32, #tpu.memory_space<vmem>>, %arg18: memref<80xf32, #tpu.memory_space<vmem>>, %arg19: memref<80xf32, #tpu.memory_space<vmem>>, %arg20: memref<80xf32, #tpu.memory_space<vmem>>, %arg21: memref<80x128xf32, #tpu.memory_space<vmem>>, %arg22: memref<80x128xf32, #tpu.memory_space<vmem>>, %arg23: memref<80x128xf32, #tpu.memory_space<vmem>>, %arg24: memref<3136xf32, #tpu.memory_space<vmem>>, %arg25: memref<128xf32, #tpu.memory_space<vmem>>) attributes {dimension_semantics = [#tpu.dimension_semantics<core_parallel>, #tpu.dimension_semantics<subcore_parallel>], iteration_bounds = array<i64: 2, 16>, scalar_prefetch = 0 : i64, scratch_operands = 20 : i64, tpu.core_type = #tpu.core_type<sc_vector_subcore>, window_params = [{transform_indices = #map}, {transform_indices = #map1}, {transform_indices = #map}, {transform_indices = #map1}]} {
    %mul3A = arith.constant 16 : i32
    %mul3A_0 = arith.muli %arg0, %mul3A : i32
    %add3A = arith.addi %mul3A_0, %arg1 : i32
    %broadcast_in_dim3A = arith.constant 0.000000e+00 : f32
    %broadcast_in_dim3A_1 = vector.broadcast %broadcast_in_dim3A : f32 to vector<16xf32>
    %scan3A = arith.constant 0 : i32
    %scan3A_2 = arith.constant 196 : i32
    %scan3A_3 = arith.addi %scan3A, %scan3A_2 : i32
    %scan3A_4 = arith.constant 1 : i32
    scf.for %scan3A_44 = %scan3A to %scan3A_3 step %scan3A_4  : i32 {
      %mul3A_45 = arith.constant 16 : i32
      %mul3A_46 = arith.muli %scan3A_44, %mul3A_45 : i32
      %add3A_47 = arith.constant 0 : i32
      %add3A_48 = arith.addi %add3A_47, %mul3A_46 : i32
      %swap3A = arith.index_cast %add3A_48 : i32 to index
      %swap3A_49 = tpu.vector_load %arg24[%swap3A] {strides = array<i32>} : memref<3136xf32, #tpu.memory_space<vmem>>, vector<16xf32>,
      tpu.vector_store %arg24[%swap3A], %broadcast_in_dim3A_1 {strides = array<i32>} : memref<3136xf32, #tpu.memory_space<vmem>>, vector<16xf32>,
    }
    %scan3A_5 = arith.constant 196 : i32
    %scan3A_6 = arith.constant 0 : i32
    %scan3A_7 = arith.constant 80 : i32
    %scan3A_8 = arith.addi %scan3A_6, %scan3A_7 : i32
    %scan3A_9 = arith.constant 1 : i32
    scf.for %scan3A_44 = %scan3A_6 to %scan3A_8 step %scan3A_9  : i32 {
      %mul3A_45 = arith.constant 1 : i32
      %mul3A_46 = arith.muli %scan3A_44, %mul3A_45 : i32
      %add3A_47 = arith.constant 0 : i32
      %add3A_48 = arith.addi %add3A_47, %mul3A_46 : i32
      %swap3A = arith.index_cast %add3A_48 : i32 to index
      %swap3A_49 = arith.constant 0 : index
      %swap3A_50 = tpu.vector_load %arg21[%swap3A, %swap3A_49] {strides = array<i32>} : memref<80x128xf32, #tpu.memory_space<vmem>>, vector<16xf32>,
      tpu.vector_store %arg21[%swap3A, %swap3A_49], %broadcast_in_dim3A_1 {strides = array<i32>} : memref<80x128xf32, #tpu.memory_space<vmem>>, vector<16xf32>,
      %swap3A_51 = arith.index_cast %add3A_48 : i32 to index
      %swap3A_52 = arith.constant 16 : index
      %swap3A_53 = tpu.vector_load %arg21[%swap3A_51, %swap3A_52] {strides = array<i32>} : memref<80x128xf32, #tpu.memory_space<vmem>>, vector<16xf32>,
      tpu.vector_store %arg21[%swap3A_51, %swap3A_52], %broadcast_in_dim3A_1 {strides = array<i32>} : memref<80x128xf32, #tpu.memory_space<vmem>>, vector<16xf32>,
      %swap3A_54 = arith.index_cast %add3A_48 : i32 to index
      %swap3A_55 = arith.constant 32 : index
      %swap3A_56 = tpu.vector_load %arg21[%swap3A_54, %swap3A_55] {strides = array<i32>} : memref<80x128xf32, #tpu.memory_space<vmem>>, vector<16xf32>,
      tpu.vector_store %arg21[%swap3A_54, %swap3A_55], %broadcast_in_dim3A_1 {strides = array<i32>} : memref<80x128xf32, #tpu.memory_space<vmem>>, vector<16xf32>,
      %swap3A_57 = arith.index_cast %add3A_48 : i32 to index
      %swap3A_58 = arith.constant 48 : index
      %swap3A_59 = tpu.vector_load %arg21[%swap3A_57, %swap3A_58] {strides = array<i32>} : memref<80x128xf32, #tpu.memory_space<vmem>>, vector<16xf32>,
      tpu.vector_store %arg21[%swap3A_57, %swap3A_58], %broadcast_in_dim3A_1 {strides = array<i32>} : memref<80x128xf32, #tpu.memory_space<vmem>>, vector<16xf32>,
      %swap3A_60 = arith.index_cast %add3A_48 : i32 to index
      %swap3A_61 = arith.constant 64 : index
      %swap3A_62 = tpu.vector_load %arg21[%swap3A_60, %swap3A_61] {strides = array<i32>} : memref<80x128xf32, #tpu.memory_space<vmem>>, vector<16xf32>,
      tpu.vector_store %arg21[%swap3A_60, %swap3A_61], %broadcast_in_dim3A_1 {strides = array<i32>} : memref<80x128xf32, #tpu.memory_space<vmem>>, vector<16xf32>,
      %swap3A_63 = arith.index_cast %add3A_48 : i32 to index
      %swap3A_64 = arith.constant 80 : index
      %swap3A_65 = tpu.vector_load %arg21[%swap3A_63, %swap3A_64] {strides = array<i32>} : memref<80x128xf32, #tpu.memory_space<vmem>>, vector<16xf32>,
      tpu.vector_store %arg21[%swap3A_63, %swap3A_64], %broadcast_in_dim3A_1 {strides = array<i32>} : memref<80x128xf32, #tpu.memory_space<vmem>>, vector<16xf32>,
      %swap3A_66 = arith.index_cast %add3A_48 : i32 to index
      %swap3A_67 = arith.constant 96 : index
      %swap3A_68 = tpu.vector_load %arg21[%swap3A_66, %swap3A_67] {strides = array<i32>} : memref<80x128xf32, #tpu.memory_space<vmem>>, vector<16xf32>,
      tpu.vector_store %arg21[%swap3A_66, %swap3A_67], %broadcast_in_dim3A_1 {strides = array<i32>} : memref<80x128xf32, #tpu.memory_space<vmem>>, vector<16xf32>,
      %swap3A_69 = arith.index_cast %add3A_48 : i32 to index
      %swap3A_70 = arith.constant 112 : index
      %swap3A_71 = tpu.vector_load %arg21[%swap3A_69, %swap3A_70] {strides = array<i32>} : memref<80x128xf32, #tpu.memory_space<vmem>>, vector<16xf32>,
      tpu.vector_store %arg21[%swap3A_69, %swap3A_70], %broadcast_in_dim3A_1 {strides = array<i32>} : memref<80x128xf32, #tpu.memory_space<vmem>>, vector<16xf32>,
    }
    %scan3A_10 = arith.constant 80 : i32
    %scan3A_11 = arith.constant 0 : i32
    %scan3A_12 = arith.constant 8 : i32
    %scan3A_13 = arith.addi %scan3A_11, %scan3A_12 : i32
    %scan3A_14 = arith.constant 1 : i32
    scf.for %scan3A_44 = %scan3A_11 to %scan3A_13 step %scan3A_14  : i32 {
      %mul3A_45 = arith.constant 16 : i32
      %mul3A_46 = arith.muli %scan3A_44, %mul3A_45 : i32
      %add3A_47 = arith.constant 0 : i32
      %add3A_48 = arith.addi %add3A_47, %mul3A_46 : i32
      %broadcast_in_dim3A_49 = arith.constant 1.000000e+00 : f32
      %broadcast_in_dim3A_50 = vector.broadcast %broadcast_in_dim3A_49 : f32 to vector<16xf32>
      %swap3A = arith.index_cast %add3A_48 : i32 to index
      %swap3A_51 = tpu.vector_load %arg25[%swap3A] {strides = array<i32>} : memref<128xf32, #tpu.memory_space<vmem>>, vector<16xf32>,
      tpu.vector_store %arg25[%swap3A], %broadcast_in_dim3A_50 {strides = array<i32>} : memref<128xf32, #tpu.memory_space<vmem>>, vector<16xf32>,
    }
    %scan3A_15 = arith.constant 8 : i32
    %mul3A_16 = arith.constant 12544 : i32
    %mul3A_17 = arith.muli %arg1, %mul3A_16 : i32
    %add3A_18 = arith.constant 0 : i32
    %add3A_19 = arith.addi %mul3A_17, %add3A_18 : i32
    "tpu.region"() ({
      %run_scoped3A = tpu.sem_alloc : memref<!tpu.dma_semaphore, #tpu.memory_space<semaphore_mem>>
      %dma_start3A = tpu.memref_slice %arg6[%add3A_19] : memref<200704xf32, #tpu.memory_space<vmem_shared>> -> memref<3136xf32, #tpu.memory_space<vmem_shared>>
      %dma_start3A_44 = tpu.memref_slice %arg6[%add3A_19] : memref<200704xf32, #tpu.memory_space<vmem_shared>> -> memref<3136xf32, #tpu.memory_space<vmem_shared>>
      tpu.enqueue_dma source(%arg24 : memref<3136xf32, #tpu.memory_space<vmem>>) target(%dma_start3A_44 : memref<3136xf32, #tpu.memory_space<vmem_shared>>) target_semaphore(%run_scoped3A : memref<!tpu.dma_semaphore, #tpu.memory_space<semaphore_mem>>)
      %dma_wait3A = tpu.memref_slice %arg6[%add3A_19] : memref<200704xf32, #tpu.memory_space<vmem_shared>> -> memref<3136xf32, #tpu.memory_space<vmem_shared>>
      %dma_wait3A_45 = tpu.memref_slice %arg6[%add3A_19] : memref<200704xf32, #tpu.memory_space<vmem_shared>> -> memref<3136xf32, #tpu.memory_space<vmem_shared>>
      tpu.wait_dma2 semaphore(%run_scoped3A : memref<!tpu.dma_semaphore, #tpu.memory_space<semaphore_mem>>) src(%arg24 : memref<3136xf32, #tpu.memory_space<vmem>>) dst(%dma_wait3A_45 : memref<3136xf32, #tpu.memory_space<vmem_shared>>)
      tpu.yield
    }) : () -> ()
    %mul3A_20 = arith.constant 12544 : i32
    %mul3A_21 = arith.muli %arg1, %mul3A_20 : i32
    %add3A_22 = arith.constant 3136 : i32
    %add3A_23 = arith.addi %mul3A_21, %add3A_22 : i32
    "tpu.region"() ({
      %run_scoped3A = tpu.sem_alloc : memref<!tpu.dma_semaphore, #tpu.memory_space<semaphore_mem>>
      %dma_start3A = tpu.memref_slice %arg6[%add3A_23] : memref<200704xf32, #tpu.memory_space<vmem_shared>> -> memref<3136xf32, #tpu.memory_space<vmem_shared>>
      %dma_start3A_44 = tpu.memref_slice %arg6[%add3A_23] : memref<200704xf32, #tpu.memory_space<vmem_shared>> -> memref<3136xf32, #tpu.memory_space<vmem_shared>>
      tpu.enqueue_dma source(%arg24 : memref<3136xf32, #tpu.memory_space<vmem>>) target(%dma_start3A_44 : memref<3136xf32, #tpu.memory_space<vmem_shared>>) target_semaphore(%run_scoped3A : memref<!tpu.dma_semaphore, #tpu.memory_space<semaphore_mem>>)
      %dma_wait3A = tpu.memref_slice %arg6[%add3A_23] : memref<200704xf32, #tpu.memory_space<vmem_shared>> -> memref<3136xf32, #tpu.memory_space<vmem_shared>>
      %dma_wait3A_45 = tpu.memref_slice %arg6[%add3A_23] : memref<200704xf32, #tpu.memory_space<vmem_shared>> -> memref<3136xf32, #tpu.memory_space<vmem_shared>>
      tpu.wait_dma2 semaphore(%run_scoped3A : memref<!tpu.dma_semaphore, #tpu.memory_space<semaphore_mem>>) src(%arg24 : memref<3136xf32, #tpu.memory_space<vmem>>) dst(%dma_wait3A_45 : memref<3136xf32, #tpu.memory_space<vmem_shared>>)
      tpu.yield
    }) : () -> ()
    %mul3A_24 = arith.constant 12544 : i32
    %mul3A_25 = arith.muli %arg1, %mul3A_24 : i32
    %add3A_26 = arith.constant 6272 : i32
    %add3A_27 = arith.addi %mul3A_25, %add3A_26 : i32
    "tpu.region"() ({
      %run_scoped3A = tpu.sem_alloc : memref<!tpu.dma_semaphore, #tpu.memory_space<semaphore_mem>>
      %dma_start3A = tpu.memref_slice %arg6[%add3A_27] : memref<200704xf32, #tpu.memory_space<vmem_shared>> -> memref<3136xf32, #tpu.memory_space<vmem_shared>>
      %dma_start3A_44 = tpu.memref_slice %arg6[%add3A_27] : memref<200704xf32, #tpu.memory_space<vmem_shared>> -> memref<3136xf32, #tpu.memory_space<vmem_shared>>
      tpu.enqueue_dma source(%arg24 : memref<3136xf32, #tpu.memory_space<vmem>>) target(%dma_start3A_44 : memref<3136xf32, #tpu.memory_space<vmem_shared>>) target_semaphore(%run_scoped3A : memref<!tpu.dma_semaphore, #tpu.memory_space<semaphore_mem>>)
      %dma_wait3A = tpu.memref_slice %arg6[%add3A_27] : memref<200704xf32, #tpu.memory_space<vmem_shared>> -> memref<3136xf32, #tpu.memory_space<vmem_shared>>
      %dma_wait3A_45 = tpu.memref_slice %arg6[%add3A_27] : memref<200704xf32, #tpu.memory_space<vmem_shared>> -> memref<3136xf32, #tpu.memory_space<vmem_shared>>
      tpu.wait_dma2 semaphore(%run_scoped3A : memref<!tpu.dma_semaphore, #tpu.memory_space<semaphore_mem>>) src(%arg24 : memref<3136xf32, #tpu.memory_space<vmem>>) dst(%dma_wait3A_45 : memref<3136xf32, #tpu.memory_space<vmem_shared>>)
      tpu.yield
    }) : () -> ()
    %mul3A_28 = arith.constant 12544 : i32
    %mul3A_29 = arith.muli %arg1, %mul3A_28 : i32
    %add3A_30 = arith.constant 9408 : i32
    %add3A_31 = arith.addi %mul3A_29, %add3A_30 : i32
    "tpu.region"() ({
      %run_scoped3A = tpu.sem_alloc : memref<!tpu.dma_semaphore, #tpu.memory_space<semaphore_mem>>
      %dma_start3A = tpu.memref_slice %arg6[%add3A_31] : memref<200704xf32, #tpu.memory_space<vmem_shared>> -> memref<3136xf32, #tpu.memory_space<vmem_shared>>
      %dma_start3A_44 = tpu.memref_slice %arg6[%add3A_31] : memref<200704xf32, #tpu.memory_space<vmem_shared>> -> memref<3136xf32, #tpu.memory_space<vmem_shared>>
      tpu.enqueue_dma source(%arg24 : memref<3136xf32, #tpu.memory_space<vmem>>) target(%dma_start3A_44 : memref<3136xf32, #tpu.memory_space<vmem_shared>>) target_semaphore(%run_scoped3A : memref<!tpu.dma_semaphore, #tpu.memory_space<semaphore_mem>>)
      %dma_wait3A = tpu.memref_slice %arg6[%add3A_31] : memref<200704xf32, #tpu.memory_space<vmem_shared>> -> memref<3136xf32, #tpu.memory_space<vmem_shared>>
      %dma_wait3A_45 = tpu.memref_slice %arg6[%add3A_31] : memref<200704xf32, #tpu.memory_space<vmem_shared>> -> memref<3136xf32, #tpu.memory_space<vmem_shared>>
      tpu.wait_dma2 semaphore(%run_scoped3A : memref<!tpu.dma_semaphore, #tpu.memory_space<semaphore_mem>>) src(%arg24 : memref<3136xf32, #tpu.memory_space<vmem>>) dst(%dma_wait3A_45 : memref<3136xf32, #tpu.memory_space<vmem_shared>>)
      tpu.yield
    }) : () -> ()
    %scan3A_32 = arith.constant 0 : i32
    %scan3A_33 = arith.constant 8 : i32
    %scan3A_34 = arith.addi %scan3A_32, %scan3A_33 : i32
    %scan3A_35 = arith.constant 1 : i32
    scf.for %scan3A_44 = %scan3A_32 to %scan3A_34 step %scan3A_35  : i32 {
      %mul3A_45 = arith.constant 1 : i32
      %mul3A_46 = arith.muli %scan3A_44, %mul3A_45 : i32
      %add3A_47 = arith.constant 0 : i32
      %add3A_48 = arith.addi %add3A_47, %mul3A_46 : i32
      %mul3A_49 = arith.constant 16 : i32
      %mul3A_50 = arith.muli %mul3A_49, %add3A_48 : i32
      %add3A_51 = arith.addi %arg1, %mul3A_50 : i32
      %lt3A = arith.constant 125 : i32
      %lt3A_52 = arith.cmpi slt, %add3A_51, %lt3A : i32
      %convert_element_type3A = arith.extui %lt3A_52 : i1 to i32
      %cond3A = arith.constant 0 : i32
      %cond3A_53 = arith.cmpi ne, %convert_element_type3A, %cond3A : i32
      scf.if %cond3A_53 {
        %mul3A_54 = arith.constant 80 : i32
        %mul3A_55 = arith.muli %add3A_51, %mul3A_54 : i32
        "tpu.region"() ({
          %run_scoped3A = tpu.sem_alloc : memref<!tpu.dma_semaphore, #tpu.memory_space<semaphore_mem>>
          %dma_start3A = arith.constant 0 : i32
          %dma_start3A_56 = tpu.memref_slice %arg7[%mul3A_55, %dma_start3A] : memref<10000x128xf32, #tpu.memory_space<vmem_shared>> -> memref<80x128xf32, #tpu.memory_space<vmem_shared>>
          %dma_start3A_57 = arith.constant 0 : i32
          %dma_start3A_58 = tpu.memref_slice %arg7[%mul3A_55, %dma_start3A_57] : memref<10000x128xf32, #tpu.memory_space<vmem_shared>> -> memref<80x128xf32, #tpu.memory_space<vmem_shared>>
          tpu.enqueue_dma source(%arg21 : memref<80x128xf32, #tpu.memory_space<vmem>>) target(%dma_start3A_58 : memref<80x128xf32, #tpu.memory_space<vmem_shared>>) target_semaphore(%run_scoped3A : memref<!tpu.dma_semaphore, #tpu.memory_space<semaphore_mem>>)
          %dma_wait3A = arith.constant 0 : i32
          %dma_wait3A_59 = tpu.memref_slice %arg7[%mul3A_55, %dma_wait3A] : memref<10000x128xf32, #tpu.memory_space<vmem_shared>> -> memref<80x128xf32, #tpu.memory_space<vmem_shared>>
          %dma_wait3A_60 = arith.constant 0 : i32
          %dma_wait3A_61 = tpu.memref_slice %arg7[%mul3A_55, %dma_wait3A_60] : memref<10000x128xf32, #tpu.memory_space<vmem_shared>> -> memref<80x128xf32, #tpu.memory_space<vmem_shared>>
          tpu.wait_dma2 semaphore(%run_scoped3A : memref<!tpu.dma_semaphore, #tpu.memory_space<semaphore_mem>>) src(%arg21 : memref<80x128xf32, #tpu.memory_space<vmem>>) dst(%dma_wait3A_61 : memref<80x128xf32, #tpu.memory_space<vmem_shared>>)
          tpu.yield
        }) : () -> ()
      } else {
      }
    }
    %scan3A_36 = arith.constant 8 : i32
    %barrier3A = arith.constant 0 : index
    tpu.barrier barrier_id(%barrier3A)
    "tpu.region"() ({
      %run_scoped3A = tpu.sem_alloc : memref<!tpu.dma_semaphore, #tpu.memory_space<semaphore_mem>>
      %run_scoped3A_44 = tpu.sem_alloc : memref<!tpu.dma_semaphore, #tpu.memory_space<semaphore_mem>>
      %run_scoped3A_45 = tpu.sem_alloc : memref<!tpu.dma_semaphore, #tpu.memory_space<semaphore_mem>>
      %run_scoped3A_46 = tpu.sem_alloc : memref<!tpu.dma_semaphore, #tpu.memory_space<semaphore_mem>>
      %run_scoped3A_47 = tpu.sem_alloc : memref<!tpu.dma_semaphore, #tpu.memory_space<semaphore_mem>>
      %run_scoped3A_48 = tpu.sem_alloc : memref<!tpu.dma_semaphore, #tpu.memory_space<semaphore_mem>>
      %run_scoped3A_49 = tpu.sem_alloc : memref<!tpu.dma_semaphore, #tpu.memory_space<semaphore_mem>>
      %run_scoped3A_50 = tpu.sem_alloc : memref<!tpu.dma_semaphore, #tpu.memory_space<semaphore_mem>>
      %run_scoped3A_51 = tpu.sem_alloc : memref<!tpu.dma_semaphore, #tpu.memory_space<semaphore_mem>>
      %run_scoped3A_52 = tpu.sem_alloc : memref<!tpu.dma_semaphore, #tpu.memory_space<semaphore_mem>>
      %run_scoped3A_53 = tpu.sem_alloc : memref<!tpu.dma_semaphore, #tpu.memory_space<semaphore_mem>>
      %run_scoped3A_54 = tpu.sem_alloc : memref<!tpu.dma_semaphore, #tpu.memory_space<semaphore_mem>>
      %mul3A_55 = arith.constant 156 : i32
      %mul3A_56 = arith.muli %arg1, %mul3A_55 : i32
      %dma_start3A = arith.constant 0 : i32
      %dma_start3A_57 = tpu.memref_slice %arg4[%mul3A_56, %dma_start3A] : memref<2500x128xi32, #tpu.memory_space<hbm>> -> memref<1x128xi32, #tpu.memory_space<hbm>>
      %dma_start3A_58 = tpu.memref_squeeze %dma_start3A_57 : memref<1x128xi32, #tpu.memory_space<hbm>> -> memref<128xi32, #tpu.memory_space<hbm>>
      %dma_start3A_59 = arith.constant 0 : i32
      %dma_start3A_60 = tpu.memref_slice %arg4[%mul3A_56, %dma_start3A_59] : memref<2500x128xi32, #tpu.memory_space<hbm>> -> memref<1x128xi32, #tpu.memory_space<hbm>>
      %dma_start3A_61 = tpu.memref_squeeze %dma_start3A_60 : memref<1x128xi32, #tpu.memory_space<hbm>> -> memref<128xi32, #tpu.memory_space<hbm>>
      tpu.enqueue_dma source(%dma_start3A_61 : memref<128xi32, #tpu.memory_space<hbm>>) target(%arg11 : memref<128xi32, #tpu.memory_space<vmem>>) target_semaphore(%run_scoped3A : memref<!tpu.dma_semaphore, #tpu.memory_space<semaphore_mem>>)
      %add3A_62 = arith.constant 1 : i32
      %add3A_63 = arith.addi %mul3A_56, %add3A_62 : i32
      %dma_start3A_64 = arith.constant 0 : i32
      %dma_start3A_65 = tpu.memref_slice %arg4[%add3A_63, %dma_start3A_64] : memref<2500x128xi32, #tpu.memory_space<hbm>> -> memref<1x128xi32, #tpu.memory_space<hbm>>
      %dma_start3A_66 = tpu.memref_squeeze %dma_start3A_65 : memref<1x128xi32, #tpu.memory_space<hbm>> -> memref<128xi32, #tpu.memory_space<hbm>>
      %dma_start3A_67 = arith.constant 0 : i32
      %dma_start3A_68 = tpu.memref_slice %arg4[%add3A_63, %dma_start3A_67] : memref<2500x128xi32, #tpu.memory_space<hbm>> -> memref<1x128xi32, #tpu.memory_space<hbm>>
      %dma_start3A_69 = tpu.memref_squeeze %dma_start3A_68 : memref<1x128xi32, #tpu.memory_space<hbm>> -> memref<128xi32, #tpu.memory_space<hbm>>
      tpu.enqueue_dma source(%dma_start3A_69 : memref<128xi32, #tpu.memory_space<hbm>>) target(%arg12 : memref<128xi32, #tpu.memory_space<vmem>>) target_semaphore(%run_scoped3A_44 : memref<!tpu.dma_semaphore, #tpu.memory_space<semaphore_mem>>)
      %scan3A_70 = arith.constant 0 : i32
      %scan3A_71 = arith.constant 26 : i32
      %scan3A_72 = arith.addi %scan3A_70, %scan3A_71 : i32
      %scan3A_73 = arith.constant 1 : i32
      scf.for %scan3A_84 = %scan3A_70 to %scan3A_72 step %scan3A_73  : i32 {
        %mul3A_85 = arith.constant 1 : i32
        %mul3A_86 = arith.muli %scan3A_84, %mul3A_85 : i32
        %add3A_87 = arith.constant 0 : i32
        %add3A_88 = arith.addi %add3A_87, %mul3A_86 : i32
        %mul3A_89 = arith.constant 6 : i32
        %mul3A_90 = arith.muli %mul3A_89, %add3A_88 : i32
        %add3A_91 = arith.constant 0 : i32
        %add3A_92 = arith.addi %mul3A_90, %add3A_91 : i32
        %add3A_93 = arith.addi %mul3A_56, %add3A_92 : i32
        %dma_wait3A_94 = arith.constant 0 : i32
        %dma_wait3A_95 = tpu.memref_slice %arg4[%add3A_93, %dma_wait3A_94] : memref<2500x128xi32, #tpu.memory_space<hbm>> -> memref<1x128xi32, #tpu.memory_space<hbm>>
        %dma_wait3A_96 = tpu.memref_squeeze %dma_wait3A_95 : memref<1x128xi32, #tpu.memory_space<hbm>> -> memref<128xi32, #tpu.memory_space<hbm>>
        %dma_wait3A_97 = arith.constant 0 : i32
        %dma_wait3A_98 = tpu.memref_slice %arg4[%add3A_93, %dma_wait3A_97] : memref<2500x128xi32, #tpu.memory_space<hbm>> -> memref<1x128xi32, #tpu.memory_space<hbm>>
        %dma_wait3A_99 = tpu.memref_squeeze %dma_wait3A_98 : memref<1x128xi32, #tpu.memory_space<hbm>> -> memref<128xi32, #tpu.memory_space<hbm>>
        tpu.wait_dma2 semaphore(%run_scoped3A : memref<!tpu.dma_semaphore, #tpu.memory_space<semaphore_mem>>) src(%dma_wait3A_99 : memref<128xi32, #tpu.memory_space<hbm>>) dst(%arg11 : memref<128xi32, #tpu.memory_space<vmem>>)
        %dma_start3A_100 = arith.constant 0 : i32
        %dma_start3A_101 = tpu.memref_slice %arg6[%dma_start3A_100] : memref<200704xf32, #tpu.memory_space<vmem_shared>> -> memref<200704xf32, #tpu.memory_space<vmem_shared>>
        tpu.enqueue_indirect_dma source(%arg25 : memref<128xf32, #tpu.memory_space<vmem>>) target(%dma_start3A_101 : memref<200704xf32, #tpu.memory_space<vmem_shared>>) offsets(%arg11 : memref<128xi32, #tpu.memory_space<vmem>>) semaphore(%run_scoped3A_49 : memref<!tpu.dma_semaphore, #tpu.memory_space<semaphore_mem>>) {add = true}
        %gt3A = arith.constant 0 : i32
        %gt3A_102 = arith.cmpi sgt, %add3A_88, %gt3A : i32
        %convert_element_type3A_103 = arith.extui %gt3A_102 : i1 to i32
        %cond3A_104 = arith.constant 0 : i32
        %cond3A_105 = arith.cmpi ne, %convert_element_type3A_103, %cond3A_104 : i32
        scf.if %cond3A_105 {
          %dma_wait3A_236 = arith.constant 0 : i32
          %dma_wait3A_237 = tpu.memref_slice %arg6[%dma_wait3A_236] : memref<200704xf32, #tpu.memory_space<vmem_shared>> -> memref<200704xf32, #tpu.memory_space<vmem_shared>>
          tpu.wait_indirect_dma semaphore(%run_scoped3A_51 : memref<!tpu.dma_semaphore, #tpu.memory_space<semaphore_mem>>) src(%arg25 : memref<128xf32, #tpu.memory_space<vmem>>) dst(%dma_wait3A_237 : memref<200704xf32, #tpu.memory_space<vmem_shared>>)
        } else {
        }
        %add3A_106 = arith.addi %mul3A_56, %add3A_92 : i32
        %add3A_107 = arith.constant 2 : i32
        %add3A_108 = arith.addi %add3A_106, %add3A_107 : i32
        %dma_start3A_109 = arith.constant 0 : i32
        %dma_start3A_110 = tpu.memref_slice %arg4[%add3A_108, %dma_start3A_109] : memref<2500x128xi32, #tpu.memory_space<hbm>> -> memref<1x128xi32, #tpu.memory_space<hbm>>
        %dma_start3A_111 = tpu.memref_squeeze %dma_start3A_110 : memref<1x128xi32, #tpu.memory_space<hbm>> -> memref<128xi32, #tpu.memory_space<hbm>>
        %dma_start3A_112 = arith.constant 0 : i32
        %dma_start3A_113 = tpu.memref_slice %arg4[%add3A_108, %dma_start3A_112] : memref<2500x128xi32, #tpu.memory_space<hbm>> -> memref<1x128xi32, #tpu.memory_space<hbm>>
        %dma_start3A_114 = tpu.memref_squeeze %dma_start3A_113 : memref<1x128xi32, #tpu.memory_space<hbm>> -> memref<128xi32, #tpu.memory_space<hbm>>
        tpu.enqueue_dma source(%dma_start3A_114 : memref<128xi32, #tpu.memory_space<hbm>>) target(%arg13 : memref<128xi32, #tpu.memory_space<vmem>>) target_semaphore(%run_scoped3A_45 : memref<!tpu.dma_semaphore, #tpu.memory_space<semaphore_mem>>)
        %mul3A_115 = arith.constant 6 : i32
        %mul3A_116 = arith.muli %mul3A_115, %add3A_88 : i32
        %add3A_117 = arith.constant 1 : i32
        %add3A_118 = arith.addi %mul3A_116, %add3A_117 : i32
        %add3A_119 = arith.addi %mul3A_56, %add3A_118 : i32
        %dma_wait3A_120 = arith.constant 0 : i32
        %dma_wait3A_121 = tpu.memref_slice %arg4[%add3A_119, %dma_wait3A_120] : memref<2500x128xi32, #tpu.memory_space<hbm>> -> memref<1x128xi32, #tpu.memory_space<hbm>>
        %dma_wait3A_122 = tpu.memref_squeeze %dma_wait3A_121 : memref<1x128xi32, #tpu.memory_space<hbm>> -> memref<128xi32, #tpu.memory_space<hbm>>
        %dma_wait3A_123 = arith.constant 0 : i32
        %dma_wait3A_124 = tpu.memref_slice %arg4[%add3A_119, %dma_wait3A_123] : memref<2500x128xi32, #tpu.memory_space<hbm>> -> memref<1x128xi32, #tpu.memory_space<hbm>>
        %dma_wait3A_125 = tpu.memref_squeeze %dma_wait3A_124 : memref<1x128xi32, #tpu.memory_space<hbm>> -> memref<128xi32, #tpu.memory_space<hbm>>
        tpu.wait_dma2 semaphore(%run_scoped3A_44 : memref<!tpu.dma_semaphore, #tpu.memory_space<semaphore_mem>>) src(%dma_wait3A_125 : memref<128xi32, #tpu.memory_space<hbm>>) dst(%arg12 : memref<128xi32, #tpu.memory_space<vmem>>)
        %dma_start3A_126 = arith.constant 0 : i32
        %dma_start3A_127 = tpu.memref_slice %arg6[%dma_start3A_126] : memref<200704xf32, #tpu.memory_space<vmem_shared>> -> memref<200704xf32, #tpu.memory_space<vmem_shared>>
        tpu.enqueue_indirect_dma source(%arg25 : memref<128xf32, #tpu.memory_space<vmem>>) target(%dma_start3A_127 : memref<200704xf32, #tpu.memory_space<vmem_shared>>) offsets(%arg12 : memref<128xi32, #tpu.memory_space<vmem>>) semaphore(%run_scoped3A_50 : memref<!tpu.dma_semaphore, #tpu.memory_space<semaphore_mem>>) {add = true}
        %gt3A_128 = arith.constant 0 : i32
        %gt3A_129 = arith.cmpi sgt, %add3A_88, %gt3A_128 : i32
        %convert_element_type3A_130 = arith.extui %gt3A_129 : i1 to i32
        %cond3A_131 = arith.constant 0 : i32
        %cond3A_132 = arith.cmpi ne, %convert_element_type3A_130, %cond3A_131 : i32
        scf.if %cond3A_132 {
          %dma_wait3A_236 = arith.constant 0 : i32
          %dma_wait3A_237 = tpu.memref_slice %arg6[%dma_wait3A_236] : memref<200704xf32, #tpu.memory_space<vmem_shared>> -> memref<200704xf32, #tpu.memory_space<vmem_shared>>
          tpu.wait_indirect_dma semaphore(%run_scoped3A_52 : memref<!tpu.dma_semaphore, #tpu.memory_space<semaphore_mem>>) src(%arg25 : memref<128xf32, #tpu.memory_space<vmem>>) dst(%dma_wait3A_237 : memref<200704xf32, #tpu.memory_space<vmem_shared>>)
        } else {
        }
        %add3A_133 = arith.addi %mul3A_56, %add3A_118 : i32
        %add3A_134 = arith.constant 2 : i32
        %add3A_135 = arith.addi %add3A_133, %add3A_134 : i32
        %dma_start3A_136 = arith.constant 0 : i32
        %dma_start3A_137 = tpu.memref_slice %arg4[%add3A_135, %dma_start3A_136] : memref<2500x128xi32, #tpu.memory_space<hbm>> -> memref<1x128xi32, #tpu.memory_space<hbm>>
        %dma_start3A_138 = tpu.memref_squeeze %dma_start3A_137 : memref<1x128xi32, #tpu.memory_space<hbm>> -> memref<128xi32, #tpu.memory_space<hbm>>
        %dma_start3A_139 = arith.constant 0 : i32
        %dma_start3A_140 = tpu.memref_slice %arg4[%add3A_135, %dma_start3A_139] : memref<2500x128xi32, #tpu.memory_space<hbm>> -> memref<1x128xi32, #tpu.memory_space<hbm>>
        %dma_start3A_141 = tpu.memref_squeeze %dma_start3A_140 : memref<1x128xi32, #tpu.memory_space<hbm>> -> memref<128xi32, #tpu.memory_space<hbm>>
        tpu.enqueue_dma source(%dma_start3A_141 : memref<128xi32, #tpu.memory_space<hbm>>) target(%arg14 : memref<128xi32, #tpu.memory_space<vmem>>) target_semaphore(%run_scoped3A_46 : memref<!tpu.dma_semaphore, #tpu.memory_space<semaphore_mem>>)
        %mul3A_142 = arith.constant 6 : i32
        %mul3A_143 = arith.muli %mul3A_142, %add3A_88 : i32
        %add3A_144 = arith.constant 2 : i32
        %add3A_145 = arith.addi %mul3A_143, %add3A_144 : i32
        %add3A_146 = arith.addi %mul3A_56, %add3A_145 : i32
        %dma_wait3A_147 = arith.constant 0 : i32
        %dma_wait3A_148 = tpu.memref_slice %arg4[%add3A_146, %dma_wait3A_147] : memref<2500x128xi32, #tpu.memory_space<hbm>> -> memref<1x128xi32, #tpu.memory_space<hbm>>
        %dma_wait3A_149 = tpu.memref_squeeze %dma_wait3A_148 : memref<1x128xi32, #tpu.memory_space<hbm>> -> memref<128xi32, #tpu.memory_space<hbm>>
        %dma_wait3A_150 = arith.constant 0 : i32
        %dma_wait3A_151 = tpu.memref_slice %arg4[%add3A_146, %dma_wait3A_150] : memref<2500x128xi32, #tpu.memory_space<hbm>> -> memref<1x128xi32, #tpu.memory_space<hbm>>
        %dma_wait3A_152 = tpu.memref_squeeze %dma_wait3A_151 : memref<1x128xi32, #tpu.memory_space<hbm>> -> memref<128xi32, #tpu.memory_space<hbm>>
        tpu.wait_dma2 semaphore(%run_scoped3A_45 : memref<!tpu.dma_semaphore, #tpu.memory_space<semaphore_mem>>) src(%dma_wait3A_152 : memref<128xi32, #tpu.memory_space<hbm>>) dst(%arg13 : memref<128xi32, #tpu.memory_space<vmem>>)
        %dma_start3A_153 = arith.constant 0 : i32
        %dma_start3A_154 = tpu.memref_slice %arg6[%dma_start3A_153] : memref<200704xf32, #tpu.memory_space<vmem_shared>> -> memref<200704xf32, #tpu.memory_space<vmem_shared>>
        tpu.enqueue_indirect_dma source(%arg25 : memref<128xf32, #tpu.memory_space<vmem>>) target(%dma_start3A_154 : memref<200704xf32, #tpu.memory_space<vmem_shared>>) offsets(%arg13 : memref<128xi32, #tpu.memory_space<vmem>>) semaphore(%run_scoped3A_51 : memref<!tpu.dma_semaphore, #tpu.memory_space<semaphore_mem>>) {add = true}
        %gt3A_155 = arith.constant 0 : i32
        %gt3A_156 = arith.cmpi sgt, %add3A_88, %gt3A_155 : i32
        %convert_element_type3A_157 = arith.extui %gt3A_156 : i1 to i32
        %cond3A_158 = arith.constant 0 : i32
        %cond3A_159 = arith.cmpi ne, %convert_element_type3A_157, %cond3A_158 : i32
        scf.if %cond3A_159 {
          %dma_wait3A_236 = arith.constant 0 : i32
          %dma_wait3A_237 = tpu.memref_slice %arg6[%dma_wait3A_236] : memref<200704xf32, #tpu.memory_space<vmem_shared>> -> memref<200704xf32, #tpu.memory_space<vmem_shared>>
          tpu.wait_indirect_dma semaphore(%run_scoped3A_53 : memref<!tpu.dma_semaphore, #tpu.memory_space<semaphore_mem>>) src(%arg25 : memref<128xf32, #tpu.memory_space<vmem>>) dst(%dma_wait3A_237 : memref<200704xf32, #tpu.memory_space<vmem_shared>>)
        } else {
        }
        %add3A_160 = arith.addi %mul3A_56, %add3A_145 : i32
        %add3A_161 = arith.constant 2 : i32
        %add3A_162 = arith.addi %add3A_160, %add3A_161 : i32
        %dma_start3A_163 = arith.constant 0 : i32
        %dma_start3A_164 = tpu.memref_slice %arg4[%add3A_162, %dma_start3A_163] : memref<2500x128xi32, #tpu.memory_space<hbm>> -> memref<1x128xi32, #tpu.memory_space<hbm>>
        %dma_start3A_165 = tpu.memref_squeeze %dma_start3A_164 : memref<1x128xi32, #tpu.memory_space<hbm>> -> memref<128xi32, #tpu.memory_space<hbm>>
        %dma_start3A_166 = arith.constant 0 : i32
        %dma_start3A_167 = tpu.memref_slice %arg4[%add3A_162, %dma_start3A_166] : memref<2500x128xi32, #tpu.memory_space<hbm>> -> memref<1x128xi32, #tpu.memory_space<hbm>>
        %dma_start3A_168 = tpu.memref_squeeze %dma_start3A_167 : memref<1x128xi32, #tpu.memory_space<hbm>> -> memref<128xi32, #tpu.memory_space<hbm>>
        tpu.enqueue_dma source(%dma_start3A_168 : memref<128xi32, #tpu.memory_space<hbm>>) target(%arg15 : memref<128xi32, #tpu.memory_space<vmem>>) target_semaphore(%run_scoped3A_47 : memref<!tpu.dma_semaphore, #tpu.memory_space<semaphore_mem>>)
        %mul3A_169 = arith.constant 6 : i32
        %mul3A_170 = arith.muli %mul3A_169, %add3A_88 : i32
        %add3A_171 = arith.constant 3 : i32
        %add3A_172 = arith.addi %mul3A_170, %add3A_171 : i32
        %add3A_173 = arith.addi %mul3A_56, %add3A_172 : i32
        %dma_wait3A_174 = arith.constant 0 : i32
        %dma_wait3A_175 = tpu.memref_slice %arg4[%add3A_173, %dma_wait3A_174] : memref<2500x128xi32, #tpu.memory_space<hbm>> -> memref<1x128xi32, #tpu.memory_space<hbm>>
        %dma_wait3A_176 = tpu.memref_squeeze %dma_wait3A_175 : memref<1x128xi32, #tpu.memory_space<hbm>> -> memref<128xi32, #tpu.memory_space<hbm>>
        %dma_wait3A_177 = arith.constant 0 : i32
        %dma_wait3A_178 = tpu.memref_slice %arg4[%add3A_173, %dma_wait3A_177] : memref<2500x128xi32, #tpu.memory_space<hbm>> -> memref<1x128xi32, #tpu.memory_space<hbm>>
        %dma_wait3A_179 = tpu.memref_squeeze %dma_wait3A_178 : memref<1x128xi32, #tpu.memory_space<hbm>> -> memref<128xi32, #tpu.memory_space<hbm>>
        tpu.wait_dma2 semaphore(%run_scoped3A_46 : memref<!tpu.dma_semaphore, #tpu.memory_space<semaphore_mem>>) src(%dma_wait3A_179 : memref<128xi32, #tpu.memory_space<hbm>>) dst(%arg14 : memref<128xi32, #tpu.memory_space<vmem>>)
        %dma_start3A_180 = arith.constant 0 : i32
        %dma_start3A_181 = tpu.memref_slice %arg6[%dma_start3A_180] : memref<200704xf32, #tpu.memory_space<vmem_shared>> -> memref<200704xf32, #tpu.memory_space<vmem_shared>>
        tpu.enqueue_indirect_dma source(%arg25 : memref<128xf32, #tpu.memory_space<vmem>>) target(%dma_start3A_181 : memref<200704xf32, #tpu.memory_space<vmem_shared>>) offsets(%arg14 : memref<128xi32, #tpu.memory_space<vmem>>) semaphore(%run_scoped3A_52 : memref<!tpu.dma_semaphore, #tpu.memory_space<semaphore_mem>>) {add = true}
        %gt3A_182 = arith.constant 0 : i32
        %gt3A_183 = arith.cmpi sgt, %add3A_88, %gt3A_182 : i32
        %convert_element_type3A_184 = arith.extui %gt3A_183 : i1 to i32
        %cond3A_185 = arith.constant 0 : i32
        %cond3A_186 = arith.cmpi ne, %convert_element_type3A_184, %cond3A_185 : i32
        scf.if %cond3A_186 {
          %dma_wait3A_236 = arith.constant 0 : i32
          %dma_wait3A_237 = tpu.memref_slice %arg6[%dma_wait3A_236] : memref<200704xf32, #tpu.memory_space<vmem_shared>> -> memref<200704xf32, #tpu.memory_space<vmem_shared>>
          tpu.wait_indirect_dma semaphore(%run_scoped3A_54 : memref<!tpu.dma_semaphore, #tpu.memory_space<semaphore_mem>>) src(%arg25 : memref<128xf32, #tpu.memory_space<vmem>>) dst(%dma_wait3A_237 : memref<200704xf32, #tpu.memory_space<vmem_shared>>)
        } else {
        }
        %add3A_187 = arith.addi %mul3A_56, %add3A_172 : i32
        %add3A_188 = arith.constant 2 : i32
        %add3A_189 = arith.addi %add3A_187, %add3A_188 : i32
        %dma_start3A_190 = arith.constant 0 : i32
        %dma_start3A_191 = tpu.memref_slice %arg4[%add3A_189, %dma_start3A_190] : memref<2500x128xi32, #tpu.memory_space<hbm>> -> memref<1x128xi32, #tpu.memory_space<hbm>>
        %dma_start3A_192 = tpu.memref_squeeze %dma_start3A_191 : memref<1x128xi32, #tpu.memory_space<hbm>> -> memref<128xi32, #tpu.memory_space<hbm>>
        %dma_start3A_193 = arith.constant 0 : i32
        %dma_start3A_194 = tpu.memref_slice %arg4[%add3A_189, %dma_start3A_193] : memref<2500x128xi32, #tpu.memory_space<hbm>> -> memref<1x128xi32, #tpu.memory_space<hbm>>
        %dma_start3A_195 = tpu.memref_squeeze %dma_start3A_194 : memref<1x128xi32, #tpu.memory_space<hbm>> -> memref<128xi32, #tpu.memory_space<hbm>>
        tpu.enqueue_dma source(%dma_start3A_195 : memref<128xi32, #tpu.memory_space<hbm>>) target(%arg16 : memref<128xi32, #tpu.memory_space<vmem>>) target_semaphore(%run_scoped3A_48 : memref<!tpu.dma_semaphore, #tpu.memory_space<semaphore_mem>>)
        %mul3A_196 = arith.constant 6 : i32
        %mul3A_197 = arith.muli %mul3A_196, %add3A_88 : i32
        %add3A_198 = arith.constant 4 : i32
        %add3A_199 = arith.addi %mul3A_197, %add3A_198 : i32
        %add3A_200 = arith.addi %mul3A_56, %add3A_199 : i32
        %dma_wait3A_201 = arith.constant 0 : i32
        %dma_wait3A_202 = tpu.memref_slice %arg4[%add3A_200, %dma_wait3A_201] : memref<2500x128xi32, #tpu.memory_space<hbm>> -> memref<1x128xi32, #tpu.memory_space<hbm>>
        %dma_wait3A_203 = tpu.memref_squeeze %dma_wait3A_202 : memref<1x128xi32, #tpu.memory_space<hbm>> -> memref<128xi32, #tpu.memory_space<hbm>>
        %dma_wait3A_204 = arith.constant 0 : i32
        %dma_wait3A_205 = tpu.memref_slice %arg4[%add3A_200, %dma_wait3A_204] : memref<2500x128xi32, #tpu.memory_space<hbm>> -> memref<1x128xi32, #tpu.memory_space<hbm>>
        %dma_wait3A_206 = tpu.memref_squeeze %dma_wait3A_205 : memref<1x128xi32, #tpu.memory_space<hbm>> -> memref<128xi32, #tpu.memory_space<hbm>>
        tpu.wait_dma2 semaphore(%run_scoped3A_47 : memref<!tpu.dma_semaphore, #tpu.memory_space<semaphore_mem>>) src(%dma_wait3A_206 : memref<128xi32, #tpu.memory_space<hbm>>) dst(%arg15 : memref<128xi32, #tpu.memory_space<vmem>>)
        %dma_start3A_207 = arith.constant 0 : i32
        %dma_start3A_208 = tpu.memref_slice %arg6[%dma_start3A_207] : memref<200704xf32, #tpu.memory_space<vmem_shared>> -> memref<200704xf32, #tpu.memory_space<vmem_shared>>
        tpu.enqueue_indirect_dma source(%arg25 : memref<128xf32, #tpu.memory_space<vmem>>) target(%dma_start3A_208 : memref<200704xf32, #tpu.memory_space<vmem_shared>>) offsets(%arg15 : memref<128xi32, #tpu.memory_space<vmem>>) semaphore(%run_scoped3A_53 : memref<!tpu.dma_semaphore, #tpu.memory_space<semaphore_mem>>) {add = true}
        %dma_wait3A_209 = arith.constant 0 : i32
        %dma_wait3A_210 = tpu.memref_slice %arg6[%dma_wait3A_209] : memref<200704xf32, #tpu.memory_space<vmem_shared>> -> memref<200704xf32, #tpu.memory_space<vmem_shared>>
        tpu.wait_indirect_dma semaphore(%run_scoped3A_49 : memref<!tpu.dma_semaphore, #tpu.memory_space<semaphore_mem>>) src(%arg25 : memref<128xf32, #tpu.memory_space<vmem>>) dst(%dma_wait3A_210 : memref<200704xf32, #tpu.memory_space<vmem_shared>>)
        %lt3A_211 = arith.constant 25 : i32
        %lt3A_212 = arith.cmpi slt, %add3A_88, %lt3A_211 : i32
        %convert_element_type3A_213 = arith.extui %lt3A_212 : i1 to i32
        %cond3A_214 = arith.constant 0 : i32
        %cond3A_215 = arith.cmpi ne, %convert_element_type3A_213, %cond3A_214 : i32
        scf.if %cond3A_215 {
          %add3A_236 = arith.addi %mul3A_56, %add3A_199 : i32
          %add3A_237 = arith.constant 2 : i32
          %add3A_238 = arith.addi %add3A_236, %add3A_237 : i32
          %dma_start3A_239 = arith.constant 0 : i32
          %dma_start3A_240 = tpu.memref_slice %arg4[%add3A_238, %dma_start3A_239] : memref<2500x128xi32, #tpu.memory_space<hbm>> -> memref<1x128xi32, #tpu.memory_space<hbm>>
          %dma_start3A_241 = tpu.memref_squeeze %dma_start3A_240 : memref<1x128xi32, #tpu.memory_space<hbm>> -> memref<128xi32, #tpu.memory_space<hbm>>
          %dma_start3A_242 = arith.constant 0 : i32
          %dma_start3A_243 = tpu.memref_slice %arg4[%add3A_238, %dma_start3A_242] : memref<2500x128xi32, #tpu.memory_space<hbm>> -> memref<1x128xi32, #tpu.memory_space<hbm>>
          %dma_start3A_244 = tpu.memref_squeeze %dma_start3A_243 : memref<1x128xi32, #tpu.memory_space<hbm>> -> memref<128xi32, #tpu.memory_space<hbm>>
          tpu.enqueue_dma source(%dma_start3A_244 : memref<128xi32, #tpu.memory_space<hbm>>) target(%arg11 : memref<128xi32, #tpu.memory_space<vmem>>) target_semaphore(%run_scoped3A : memref<!tpu.dma_semaphore, #tpu.memory_space<semaphore_mem>>)
        } else {
        }
        %mul3A_216 = arith.constant 6 : i32
        %mul3A_217 = arith.muli %mul3A_216, %add3A_88 : i32
        %add3A_218 = arith.constant 5 : i32
        %add3A_219 = arith.addi %mul3A_217, %add3A_218 : i32
        %add3A_220 = arith.addi %mul3A_56, %add3A_219 : i32
        %dma_wait3A_221 = arith.constant 0 : i32
        %dma_wait3A_222 = tpu.memref_slice %arg4[%add3A_220, %dma_wait3A_221] : memref<2500x128xi32, #tpu.memory_space<hbm>> -> memref<1x128xi32, #tpu.memory_space<hbm>>
        %dma_wait3A_223 = tpu.memref_squeeze %dma_wait3A_222 : memref<1x128xi32, #tpu.memory_space<hbm>> -> memref<128xi32, #tpu.memory_space<hbm>>
        %dma_wait3A_224 = arith.constant 0 : i32
        %dma_wait3A_225 = tpu.memref_slice %arg4[%add3A_220, %dma_wait3A_224] : memref<2500x128xi32, #tpu.memory_space<hbm>> -> memref<1x128xi32, #tpu.memory_space<hbm>>
        %dma_wait3A_226 = tpu.memref_squeeze %dma_wait3A_225 : memref<1x128xi32, #tpu.memory_space<hbm>> -> memref<128xi32, #tpu.memory_space<hbm>>
        tpu.wait_dma2 semaphore(%run_scoped3A_48 : memref<!tpu.dma_semaphore, #tpu.memory_space<semaphore_mem>>) src(%dma_wait3A_226 : memref<128xi32, #tpu.memory_space<hbm>>) dst(%arg16 : memref<128xi32, #tpu.memory_space<vmem>>)
        %dma_start3A_227 = arith.constant 0 : i32
        %dma_start3A_228 = tpu.memref_slice %arg6[%dma_start3A_227] : memref<200704xf32, #tpu.memory_space<vmem_shared>> -> memref<200704xf32, #tpu.memory_space<vmem_shared>>
        tpu.enqueue_indirect_dma source(%arg25 : memref<128xf32, #tpu.memory_space<vmem>>) target(%dma_start3A_228 : memref<200704xf32, #tpu.memory_space<vmem_shared>>) offsets(%arg16 : memref<128xi32, #tpu.memory_space<vmem>>) semaphore(%run_scoped3A_54 : memref<!tpu.dma_semaphore, #tpu.memory_space<semaphore_mem>>) {add = true}
        %dma_wait3A_229 = arith.constant 0 : i32
        %dma_wait3A_230 = tpu.memref_slice %arg6[%dma_wait3A_229] : memref<200704xf32, #tpu.memory_space<vmem_shared>> -> memref<200704xf32, #tpu.memory_space<vmem_shared>>
        tpu.wait_indirect_dma semaphore(%run_scoped3A_50 : memref<!tpu.dma_semaphore, #tpu.memory_space<semaphore_mem>>) src(%arg25 : memref<128xf32, #tpu.memory_space<vmem>>) dst(%dma_wait3A_230 : memref<200704xf32, #tpu.memory_space<vmem_shared>>)
        %lt3A_231 = arith.constant 25 : i32
        %lt3A_232 = arith.cmpi slt, %add3A_88, %lt3A_231 : i32
        %convert_element_type3A_233 = arith.extui %lt3A_232 : i1 to i32
        %cond3A_234 = arith.constant 0 : i32
        %cond3A_235 = arith.cmpi ne, %convert_element_type3A_233, %cond3A_234 : i32
        scf.if %cond3A_235 {
          %add3A_236 = arith.addi %mul3A_56, %add3A_219 : i32
          %add3A_237 = arith.constant 2 : i32
          %add3A_238 = arith.addi %add3A_236, %add3A_237 : i32
          %dma_start3A_239 = arith.constant 0 : i32
          %dma_start3A_240 = tpu.memref_slice %arg4[%add3A_238, %dma_start3A_239] : memref<2500x128xi32, #tpu.memory_space<hbm>> -> memref<1x128xi32, #tpu.memory_space<hbm>>
          %dma_start3A_241 = tpu.memref_squeeze %dma_start3A_240 : memref<1x128xi32, #tpu.memory_space<hbm>> -> memref<128xi32, #tpu.memory_space<hbm>>
          %dma_start3A_242 = arith.constant 0 : i32
          %dma_start3A_243 = tpu.memref_slice %arg4[%add3A_238, %dma_start3A_242] : memref<2500x128xi32, #tpu.memory_space<hbm>> -> memref<1x128xi32, #tpu.memory_space<hbm>>
          %dma_start3A_244 = tpu.memref_squeeze %dma_start3A_243 : memref<1x128xi32, #tpu.memory_space<hbm>> -> memref<128xi32, #tpu.memory_space<hbm>>
          tpu.enqueue_dma source(%dma_start3A_244 : memref<128xi32, #tpu.memory_space<hbm>>) target(%arg12 : memref<128xi32, #tpu.memory_space<vmem>>) target_semaphore(%run_scoped3A_44 : memref<!tpu.dma_semaphore, #tpu.memory_space<semaphore_mem>>)
        } else {
        }
      }
      %scan3A_74 = arith.constant 26 : i32
      %dma_wait3A = arith.constant 0 : i32
      %dma_wait3A_75 = tpu.memref_slice %arg6[%dma_wait3A] : memref<200704xf32, #tpu.memory_space<vmem_shared>> -> memref<200704xf32, #tpu.memory_space<vmem_shared>>
      tpu.wait_indirect_dma semaphore(%run_scoped3A_51 : memref<!tpu.dma_semaphore, #tpu.memory_space<semaphore_mem>>) src(%arg25 : memref<128xf32, #tpu.memory_space<vmem>>) dst(%dma_wait3A_75 : memref<200704xf32, #tpu.memory_space<vmem_shared>>)
      %dma_wait3A_76 = arith.constant 0 : i32
      %dma_wait3A_77 = tpu.memref_slice %arg6[%dma_wait3A_76] : memref<200704xf32, #tpu.memory_space<vmem_shared>> -> memref<200704xf32, #tpu.memory_space<vmem_shared>>
      tpu.wait_indirect_dma semaphore(%run_scoped3A_52 : memref<!tpu.dma_semaphore, #tpu.memory_space<semaphore_mem>>) src(%arg25 : memref<128xf32, #tpu.memory_space<vmem>>) dst(%dma_wait3A_77 : memref<200704xf32, #tpu.memory_space<vmem_shared>>)
      %dma_wait3A_78 = arith.constant 0 : i32
      %dma_wait3A_79 = tpu.memref_slice %arg6[%dma_wait3A_78] : memref<200704xf32, #tpu.memory_space<vmem_shared>> -> memref<200704xf32, #tpu.memory_space<vmem_shared>>
      tpu.wait_indirect_dma semaphore(%run_scoped3A_53 : memref<!tpu.dma_semaphore, #tpu.memory_space<semaphore_mem>>) src(%arg25 : memref<128xf32, #tpu.memory_space<vmem>>) dst(%dma_wait3A_79 : memref<200704xf32, #tpu.memory_space<vmem_shared>>)
      %dma_wait3A_80 = arith.constant 0 : i32
      %dma_wait3A_81 = tpu.memref_slice %arg6[%dma_wait3A_80] : memref<200704xf32, #tpu.memory_space<vmem_shared>> -> memref<200704xf32, #tpu.memory_space<vmem_shared>>
      tpu.wait_indirect_dma semaphore(%run_scoped3A_54 : memref<!tpu.dma_semaphore, #tpu.memory_space<semaphore_mem>>) src(%arg25 : memref<128xf32, #tpu.memory_space<vmem>>) dst(%dma_wait3A_81 : memref<200704xf32, #tpu.memory_space<vmem_shared>>)
      %lt3A = arith.constant 4 : i32
      %lt3A_82 = arith.cmpi slt, %arg1, %lt3A : i32
      %convert_element_type3A = arith.extui %lt3A_82 : i1 to i32
      %cond3A = arith.constant 0 : i32
      %cond3A_83 = arith.cmpi ne, %convert_element_type3A, %cond3A : i32
      scf.if %cond3A_83 {
        %add3A_84 = arith.constant 2496 : i32
        %add3A_85 = arith.addi %add3A_84, %arg1 : i32
        "tpu.region"() ({
          %run_scoped3A_86 = tpu.sem_alloc : memref<!tpu.dma_semaphore, #tpu.memory_space<semaphore_mem>>
          %dma_start3A_87 = arith.constant 0 : i32
          %dma_start3A_88 = tpu.memref_slice %arg4[%add3A_85, %dma_start3A_87] : memref<2500x128xi32, #tpu.memory_space<hbm>> -> memref<1x128xi32, #tpu.memory_space<hbm>>
          %dma_start3A_89 = tpu.memref_squeeze %dma_start3A_88 : memref<1x128xi32, #tpu.memory_space<hbm>> -> memref<128xi32, #tpu.memory_space<hbm>>
          %dma_start3A_90 = arith.constant 0 : i32
          %dma_start3A_91 = tpu.memref_slice %arg4[%add3A_85, %dma_start3A_90] : memref<2500x128xi32, #tpu.memory_space<hbm>> -> memref<1x128xi32, #tpu.memory_space<hbm>>
          %dma_start3A_92 = tpu.memref_squeeze %dma_start3A_91 : memref<1x128xi32, #tpu.memory_space<hbm>> -> memref<128xi32, #tpu.memory_space<hbm>>
          tpu.enqueue_dma source(%dma_start3A_92 : memref<128xi32, #tpu.memory_space<hbm>>) target(%arg11 : memref<128xi32, #tpu.memory_space<vmem>>) target_semaphore(%run_scoped3A_86 : memref<!tpu.dma_semaphore, #tpu.memory_space<semaphore_mem>>)
          %dma_wait3A_93 = arith.constant 0 : i32
          %dma_wait3A_94 = tpu.memref_slice %arg4[%add3A_85, %dma_wait3A_93] : memref<2500x128xi32, #tpu.memory_space<hbm>> -> memref<1x128xi32, #tpu.memory_space<hbm>>
          %dma_wait3A_95 = tpu.memref_squeeze %dma_wait3A_94 : memref<1x128xi32, #tpu.memory_space<hbm>> -> memref<128xi32, #tpu.memory_space<hbm>>
          %dma_wait3A_96 = arith.constant 0 : i32
          %dma_wait3A_97 = tpu.memref_slice %arg4[%add3A_85, %dma_wait3A_96] : memref<2500x128xi32, #tpu.memory_space<hbm>> -> memref<1x128xi32, #tpu.memory_space<hbm>>
          %dma_wait3A_98 = tpu.memref_squeeze %dma_wait3A_97 : memref<1x128xi32, #tpu.memory_space<hbm>> -> memref<128xi32, #tpu.memory_space<hbm>>
          tpu.wait_dma2 semaphore(%run_scoped3A_86 : memref<!tpu.dma_semaphore, #tpu.memory_space<semaphore_mem>>) src(%dma_wait3A_98 : memref<128xi32, #tpu.memory_space<hbm>>) dst(%arg11 : memref<128xi32, #tpu.memory_space<vmem>>)
          tpu.yield
        }) : () -> ()
        "tpu.region"() ({
          %run_scoped3A_86 = tpu.sem_alloc : memref<!tpu.dma_semaphore, #tpu.memory_space<semaphore_mem>>
          %dma_start3A_87 = arith.constant 0 : i32
          %dma_start3A_88 = tpu.memref_slice %arg6[%dma_start3A_87] : memref<200704xf32, #tpu.memory_space<vmem_shared>> -> memref<200704xf32, #tpu.memory_space<vmem_shared>>
          tpu.enqueue_indirect_dma source(%arg25 : memref<128xf32, #tpu.memory_space<vmem>>) target(%dma_start3A_88 : memref<200704xf32, #tpu.memory_space<vmem_shared>>) offsets(%arg11 : memref<128xi32, #tpu.memory_space<vmem>>) semaphore(%run_scoped3A_86 : memref<!tpu.dma_semaphore, #tpu.memory_space<semaphore_mem>>) {add = true}
          %dma_wait3A_89 = arith.constant 0 : i32
          %dma_wait3A_90 = tpu.memref_slice %arg6[%dma_wait3A_89] : memref<200704xf32, #tpu.memory_space<vmem_shared>> -> memref<200704xf32, #tpu.memory_space<vmem_shared>>
          tpu.wait_indirect_dma semaphore(%run_scoped3A_86 : memref<!tpu.dma_semaphore, #tpu.memory_space<semaphore_mem>>) src(%arg25 : memref<128xf32, #tpu.memory_space<vmem>>) dst(%dma_wait3A_90 : memref<200704xf32, #tpu.memory_space<vmem_shared>>)
          tpu.yield
        }) : () -> ()
      } else {
      }
      tpu.yield
    }) : () -> ()
    %barrier3A_37 = arith.constant 0 : index
    tpu.barrier barrier_id(%barrier3A_37)
    "tpu.region"() ({
      %run_scoped3A = tpu.sem_alloc : memref<!tpu.dma_semaphore, #tpu.memory_space<semaphore_mem>>
      %run_scoped3A_44 = tpu.sem_alloc : memref<!tpu.dma_semaphore, #tpu.memory_space<semaphore_mem>>
      %run_scoped3A_45 = tpu.sem_alloc : memref<!tpu.dma_semaphore, #tpu.memory_space<semaphore_mem>>
      %run_scoped3A_46 = tpu.sem_alloc : memref<!tpu.dma_semaphore, #tpu.memory_space<semaphore_mem>>
      %run_scoped3A_47 = tpu.sem_alloc : memref<!tpu.dma_semaphore, #tpu.memory_space<semaphore_mem>>
      %run_scoped3A_48 = tpu.sem_alloc : memref<!tpu.dma_semaphore, #tpu.memory_space<semaphore_mem>>
      %run_scoped3A_49 = tpu.sem_alloc : memref<!tpu.dma_semaphore, #tpu.memory_space<semaphore_mem>>
      %run_scoped3A_50 = tpu.sem_alloc : memref<!tpu.dma_semaphore, #tpu.memory_space<semaphore_mem>>
      %run_scoped3A_51 = tpu.sem_alloc : memref<!tpu.dma_semaphore, #tpu.memory_space<semaphore_mem>>
      %mul3A_52 = arith.constant 125 : i32
      %mul3A_53 = arith.muli %add3A, %mul3A_52 : i32
      %dma_start3A = arith.constant 0 : i32
      %dma_start3A_54 = arith.constant 0 : i32
      %dma_start3A_55 = tpu.memref_slice %arg3[%mul3A_53, %dma_start3A, %dma_start3A_54] : memref<4000x3x80xi32, #tpu.memory_space<hbm>> -> memref<1x3x80xi32, #tpu.memory_space<hbm>>
      %dma_start3A_56 = tpu.memref_squeeze %dma_start3A_55 : memref<1x3x80xi32, #tpu.memory_space<hbm>> -> memref<3x80xi32, #tpu.memory_space<hbm>>
      %dma_start3A_57 = arith.constant 0 : i32
      %dma_start3A_58 = arith.constant 0 : i32
      %dma_start3A_59 = tpu.memref_slice %arg3[%mul3A_53, %dma_start3A_57, %dma_start3A_58] : memref<4000x3x80xi32, #tpu.memory_space<hbm>> -> memref<1x3x80xi32, #tpu.memory_space<hbm>>
      %dma_start3A_60 = tpu.memref_squeeze %dma_start3A_59 : memref<1x3x80xi32, #tpu.memory_space<hbm>> -> memref<3x80xi32, #tpu.memory_space<hbm>>
      tpu.enqueue_dma source(%dma_start3A_60 : memref<3x80xi32, #tpu.memory_space<hbm>>) target(%arg8 : memref<3x80xi32, #tpu.memory_space<vmem>>) target_semaphore(%run_scoped3A : memref<!tpu.dma_semaphore, #tpu.memory_space<semaphore_mem>>)
      %dma_wait3A = arith.constant 0 : i32
      %dma_wait3A_61 = arith.constant 0 : i32
      %dma_wait3A_62 = tpu.memref_slice %arg3[%mul3A_53, %dma_wait3A, %dma_wait3A_61] : memref<4000x3x80xi32, #tpu.memory_space<hbm>> -> memref<1x3x80xi32, #tpu.memory_space<hbm>>
      %dma_wait3A_63 = tpu.memref_squeeze %dma_wait3A_62 : memref<1x3x80xi32, #tpu.memory_space<hbm>> -> memref<3x80xi32, #tpu.memory_space<hbm>>
      %dma_wait3A_64 = arith.constant 0 : i32
      %dma_wait3A_65 = arith.constant 0 : i32
      %dma_wait3A_66 = tpu.memref_slice %arg3[%mul3A_53, %dma_wait3A_64, %dma_wait3A_65] : memref<4000x3x80xi32, #tpu.memory_space<hbm>> -> memref<1x3x80xi32, #tpu.memory_space<hbm>>
      %dma_wait3A_67 = tpu.memref_squeeze %dma_wait3A_66 : memref<1x3x80xi32, #tpu.memory_space<hbm>> -> memref<3x80xi32, #tpu.memory_space<hbm>>
      tpu.wait_dma2 semaphore(%run_scoped3A : memref<!tpu.dma_semaphore, #tpu.memory_space<semaphore_mem>>) src(%dma_wait3A_67 : memref<3x80xi32, #tpu.memory_space<hbm>>) dst(%arg8 : memref<3x80xi32, #tpu.memory_space<vmem>>)
      %dma_start3A_68 = arith.constant 0 : i32
      %dma_start3A_69 = arith.constant 0 : i32
      %dma_start3A_70 = tpu.memref_slice %arg8[%dma_start3A_68, %dma_start3A_69] : memref<3x80xi32, #tpu.memory_space<vmem>> -> memref<1x80xi32, #tpu.memory_space<vmem>>
      %dma_start3A_71 = tpu.memref_squeeze %dma_start3A_70 : memref<1x80xi32, #tpu.memory_space<vmem>> -> memref<80xi32, #tpu.memory_space<vmem>>
      %dma_start3A_72 = arith.constant 0 : i32
      %dma_start3A_73 = arith.constant 0 : i32
      %dma_start3A_74 = tpu.memref_slice %arg2[%dma_start3A_72, %dma_start3A_73] : memref<200000x128xf32, #tpu.memory_space<hbm>> -> memref<200000x128xf32, #tpu.memory_space<hbm>>
      tpu.enqueue_indirect_dma source(%dma_start3A_74 : memref<200000x128xf32, #tpu.memory_space<hbm>>) target(%arg21 : memref<80x128xf32, #tpu.memory_space<vmem>>) offsets(%dma_start3A_71 : memref<80xi32, #tpu.memory_space<vmem>>) semaphore(%run_scoped3A_46 : memref<!tpu.dma_semaphore, #tpu.memory_space<semaphore_mem>>)
      %run_scoped3A_75 = arith.constant 1 : i32
      "tpu.region"() ({
        %run_scoped3A_174 = tpu.sem_alloc : memref<!tpu.dma_semaphore, #tpu.memory_space<semaphore_mem>>
        %dma_start3A_175 = arith.constant 0 : i32
        %dma_start3A_176 = tpu.memref_slice %arg8[%run_scoped3A_75, %dma_start3A_175] : memref<3x80xi32, #tpu.memory_space<vmem>> -> memref<1x80xi32, #tpu.memory_space<vmem>>
        %dma_start3A_177 = tpu.memref_squeeze %dma_start3A_176 : memref<1x80xi32, #tpu.memory_space<vmem>> -> memref<80xi32, #tpu.memory_space<vmem>>
        %dma_start3A_178 = arith.constant 0 : i32
        %dma_start3A_179 = tpu.memref_slice %arg6[%dma_start3A_178] : memref<200704xf32, #tpu.memory_space<vmem_shared>> -> memref<200704xf32, #tpu.memory_space<vmem_shared>>
        tpu.enqueue_indirect_dma source(%dma_start3A_179 : memref<200704xf32, #tpu.memory_space<vmem_shared>>) target(%arg17 : memref<80xf32, #tpu.memory_space<vmem>>) offsets(%dma_start3A_177 : memref<80xi32, #tpu.memory_space<vmem>>) semaphore(%run_scoped3A_174 : memref<!tpu.dma_semaphore, #tpu.memory_space<semaphore_mem>>)
        %dma_wait3A_180 = arith.constant 0 : i32
        %dma_wait3A_181 = tpu.memref_slice %arg8[%run_scoped3A_75, %dma_wait3A_180] : memref<3x80xi32, #tpu.memory_space<vmem>> -> memref<1x80xi32, #tpu.memory_space<vmem>>
        %dma_wait3A_182 = tpu.memref_squeeze %dma_wait3A_181 : memref<1x80xi32, #tpu.memory_space<vmem>> -> memref<80xi32, #tpu.memory_space<vmem>>
        %dma_wait3A_183 = arith.constant 0 : i32
        %dma_wait3A_184 = tpu.memref_slice %arg6[%dma_wait3A_183] : memref<200704xf32, #tpu.memory_space<vmem_shared>> -> memref<200704xf32, #tpu.memory_space<vmem_shared>>
        tpu.wait_indirect_dma semaphore(%run_scoped3A_174 : memref<!tpu.dma_semaphore, #tpu.memory_space<semaphore_mem>>) src(%dma_wait3A_184 : memref<200704xf32, #tpu.memory_space<vmem_shared>>) dst(%arg17 : memref<80xf32, #tpu.memory_space<vmem>>)
        tpu.yield
      }) : () -> ()
      %scan3A_76 = arith.constant 0 : i32
      %scan3A_77 = arith.constant 5 : i32
      %scan3A_78 = arith.addi %scan3A_76, %scan3A_77 : i32
      %scan3A_79 = arith.constant 1 : i32
      scf.for %scan3A_174 = %scan3A_76 to %scan3A_78 step %scan3A_79  : i32 {
        %mul3A_175 = arith.constant 16 : i32
        %mul3A_176 = arith.muli %scan3A_174, %mul3A_175 : i32
        %add3A_177 = arith.constant 0 : i32
        %add3A_178 = arith.addi %add3A_177, %mul3A_176 : i32
        %get3A = arith.index_cast %add3A_178 : i32 to index
        %get3A_179 = tpu.vector_load %arg17[%get3A] {strides = array<i32>} : memref<80xf32, #tpu.memory_space<vmem>>, vector<16xf32>,
        %max3A = arith.constant 1.000000e+00 : f32
        %max3A_180 = vector.broadcast %max3A : f32 to vector<16xf32>
        %max3A_181 = arith.maximumf %get3A_179, %max3A_180 : vector<16xf32>
        %div3A = arith.constant 1.000000e+00 : f32
        %div3A_182 = vector.broadcast %div3A : f32 to vector<16xf32>
        %div3A_183 = arith.divf %div3A_182, %max3A_181 : vector<16xf32>
        %swap3A = arith.index_cast %add3A_178 : i32 to index
        %swap3A_184 = tpu.vector_load %arg18[%swap3A] {strides = array<i32>} : memref<80xf32, #tpu.memory_space<vmem>>, vector<16xf32>,
        tpu.vector_store %arg18[%swap3A], %div3A_183 {strides = array<i32>} : memref<80xf32, #tpu.memory_space<vmem>>, vector<16xf32>,
      }
      %scan3A_80 = arith.constant 5 : i32
      %add3A_81 = arith.constant 1 : i32
      %add3A_82 = arith.addi %mul3A_53, %add3A_81 : i32
      %dma_start3A_83 = arith.constant 0 : i32
      %dma_start3A_84 = arith.constant 0 : i32
      %dma_start3A_85 = tpu.memref_slice %arg3[%add3A_82, %dma_start3A_83, %dma_start3A_84] : memref<4000x3x80xi32, #tpu.memory_space<hbm>> -> memref<1x3x80xi32, #tpu.memory_space<hbm>>
      %dma_start3A_86 = tpu.memref_squeeze %dma_start3A_85 : memref<1x3x80xi32, #tpu.memory_space<hbm>> -> memref<3x80xi32, #tpu.memory_space<hbm>>
      %dma_start3A_87 = arith.constant 0 : i32
      %dma_start3A_88 = arith.constant 0 : i32
      %dma_start3A_89 = tpu.memref_slice %arg3[%add3A_82, %dma_start3A_87, %dma_start3A_88] : memref<4000x3x80xi32, #tpu.memory_space<hbm>> -> memref<1x3x80xi32, #tpu.memory_space<hbm>>
      %dma_start3A_90 = tpu.memref_squeeze %dma_start3A_89 : memref<1x3x80xi32, #tpu.memory_space<hbm>> -> memref<3x80xi32, #tpu.memory_space<hbm>>
      tpu.enqueue_dma source(%dma_start3A_90 : memref<3x80xi32, #tpu.memory_space<hbm>>) target(%arg9 : memref<3x80xi32, #tpu.memory_space<vmem>>) target_semaphore(%run_scoped3A_44 : memref<!tpu.dma_semaphore, #tpu.memory_space<semaphore_mem>>)
      %scan3A_91 = arith.constant 0 : i32
      %scan3A_92 = arith.constant 41 : i32
      %scan3A_93 = arith.addi %scan3A_91, %scan3A_92 : i32
      %scan3A_94 = arith.constant 1 : i32
      scf.for %scan3A_174 = %scan3A_91 to %scan3A_93 step %scan3A_94  : i32 {
        %mul3A_175 = arith.constant 1 : i32
        %mul3A_176 = arith.muli %scan3A_174, %mul3A_175 : i32
        %add3A_177 = arith.constant 0 : i32
        %add3A_178 = arith.addi %add3A_177, %mul3A_176 : i32
        %mul3A_179 = arith.constant 3 : i32
        %mul3A_180 = arith.muli %mul3A_179, %add3A_178 : i32
        %add3A_181 = arith.constant 0 : i32
        %add3A_182 = arith.addi %mul3A_180, %add3A_181 : i32
        %add3A_183 = arith.addi %mul3A_53, %add3A_182 : i32
        %add3A_184 = arith.constant 1 : i32
        %add3A_185 = arith.addi %add3A_183, %add3A_184 : i32
        %dma_wait3A_186 = arith.constant 0 : i32
        %dma_wait3A_187 = arith.constant 0 : i32
        %dma_wait3A_188 = tpu.memref_slice %arg3[%add3A_185, %dma_wait3A_186, %dma_wait3A_187] : memref<4000x3x80xi32, #tpu.memory_space<hbm>> -> memref<1x3x80xi32, #tpu.memory_space<hbm>>
        %dma_wait3A_189 = tpu.memref_squeeze %dma_wait3A_188 : memref<1x3x80xi32, #tpu.memory_space<hbm>> -> memref<3x80xi32, #tpu.memory_space<hbm>>
        %dma_wait3A_190 = arith.constant 0 : i32
        %dma_wait3A_191 = arith.constant 0 : i32
        %dma_wait3A_192 = tpu.memref_slice %arg3[%add3A_185, %dma_wait3A_190, %dma_wait3A_191] : memref<4000x3x80xi32, #tpu.memory_space<hbm>> -> memref<1x3x80xi32, #tpu.memory_space<hbm>>
        %dma_wait3A_193 = tpu.memref_squeeze %dma_wait3A_192 : memref<1x3x80xi32, #tpu.memory_space<hbm>> -> memref<3x80xi32, #tpu.memory_space<hbm>>
        tpu.wait_dma2 semaphore(%run_scoped3A_44 : memref<!tpu.dma_semaphore, #tpu.memory_space<semaphore_mem>>) src(%dma_wait3A_193 : memref<3x80xi32, #tpu.memory_space<hbm>>) dst(%arg9 : memref<3x80xi32, #tpu.memory_space<vmem>>)
        %dma_start3A_194 = arith.constant 0 : i32
        %dma_start3A_195 = arith.constant 0 : i32
        %dma_start3A_196 = tpu.memref_slice %arg9[%dma_start3A_194, %dma_start3A_195] : memref<3x80xi32, #tpu.memory_space<vmem>> -> memref<1x80xi32, #tpu.memory_space<vmem>>
        %dma_start3A_197 = tpu.memref_squeeze %dma_start3A_196 : memref<1x80xi32, #tpu.memory_space<vmem>> -> memref<80xi32, #tpu.memory_space<vmem>>
        %dma_start3A_198 = arith.constant 0 : i32
        %dma_start3A_199 = arith.constant 0 : i32
        %dma_start3A_200 = tpu.memref_slice %arg2[%dma_start3A_198, %dma_start3A_199] : memref<200000x128xf32, #tpu.memory_space<hbm>> -> memref<200000x128xf32, #tpu.memory_space<hbm>>
        tpu.enqueue_indirect_dma source(%dma_start3A_200 : memref<200000x128xf32, #tpu.memory_space<hbm>>) target(%arg22 : memref<80x128xf32, #tpu.memory_space<vmem>>) offsets(%dma_start3A_197 : memref<80xi32, #tpu.memory_space<vmem>>) semaphore(%run_scoped3A_47 : memref<!tpu.dma_semaphore, #tpu.memory_space<semaphore_mem>>)
        %run_scoped3A_201 = arith.constant 1 : i32
        "tpu.region"() ({
          %run_scoped3A_363 = tpu.sem_alloc : memref<!tpu.dma_semaphore, #tpu.memory_space<semaphore_mem>>
          %dma_start3A_364 = arith.constant 0 : i32
          %dma_start3A_365 = tpu.memref_slice %arg9[%run_scoped3A_201, %dma_start3A_364] : memref<3x80xi32, #tpu.memory_space<vmem>> -> memref<1x80xi32, #tpu.memory_space<vmem>>
          %dma_start3A_366 = tpu.memref_squeeze %dma_start3A_365 : memref<1x80xi32, #tpu.memory_space<vmem>> -> memref<80xi32, #tpu.memory_space<vmem>>
          %dma_start3A_367 = arith.constant 0 : i32
          %dma_start3A_368 = tpu.memref_slice %arg6[%dma_start3A_367] : memref<200704xf32, #tpu.memory_space<vmem_shared>> -> memref<200704xf32, #tpu.memory_space<vmem_shared>>
          tpu.enqueue_indirect_dma source(%dma_start3A_368 : memref<200704xf32, #tpu.memory_space<vmem_shared>>) target(%arg17 : memref<80xf32, #tpu.memory_space<vmem>>) offsets(%dma_start3A_366 : memref<80xi32, #tpu.memory_space<vmem>>) semaphore(%run_scoped3A_363 : memref<!tpu.dma_semaphore, #tpu.memory_space<semaphore_mem>>)
          %dma_wait3A_369 = arith.constant 0 : i32
          %dma_wait3A_370 = tpu.memref_slice %arg9[%run_scoped3A_201, %dma_wait3A_369] : memref<3x80xi32, #tpu.memory_space<vmem>> -> memref<1x80xi32, #tpu.memory_space<vmem>>
          %dma_wait3A_371 = tpu.memref_squeeze %dma_wait3A_370 : memref<1x80xi32, #tpu.memory_space<vmem>> -> memref<80xi32, #tpu.memory_space<vmem>>
          %dma_wait3A_372 = arith.constant 0 : i32
          %dma_wait3A_373 = tpu.memref_slice %arg6[%dma_wait3A_372] : memref<200704xf32, #tpu.memory_space<vmem_shared>> -> memref<200704xf32, #tpu.memory_space<vmem_shared>>
          tpu.wait_indirect_dma semaphore(%run_scoped3A_363 : memref<!tpu.dma_semaphore, #tpu.memory_space<semaphore_mem>>) src(%dma_wait3A_373 : memref<200704xf32, #tpu.memory_space<vmem_shared>>) dst(%arg17 : memref<80xf32, #tpu.memory_space<vmem>>)
          tpu.yield
        }) : () -> ()
        %scan3A_202 = arith.constant 0 : i32
        %scan3A_203 = arith.constant 5 : i32
        %scan3A_204 = arith.addi %scan3A_202, %scan3A_203 : i32
        %scan3A_205 = arith.constant 1 : i32
        scf.for %scan3A_363 = %scan3A_202 to %scan3A_204 step %scan3A_205  : i32 {
          %mul3A_364 = arith.constant 16 : i32
          %mul3A_365 = arith.muli %scan3A_363, %mul3A_364 : i32
          %add3A_366 = arith.constant 0 : i32
          %add3A_367 = arith.addi %add3A_366, %mul3A_365 : i32
          %get3A = arith.index_cast %add3A_367 : i32 to index
          %get3A_368 = tpu.vector_load %arg17[%get3A] {strides = array<i32>} : memref<80xf32, #tpu.memory_space<vmem>>, vector<16xf32>,
          %max3A = arith.constant 1.000000e+00 : f32
          %max3A_369 = vector.broadcast %max3A : f32 to vector<16xf32>
          %max3A_370 = arith.maximumf %get3A_368, %max3A_369 : vector<16xf32>
          %div3A = arith.constant 1.000000e+00 : f32
          %div3A_371 = vector.broadcast %div3A : f32 to vector<16xf32>
          %div3A_372 = arith.divf %div3A_371, %max3A_370 : vector<16xf32>
          %swap3A = arith.index_cast %add3A_367 : i32 to index
          %swap3A_373 = tpu.vector_load %arg19[%swap3A] {strides = array<i32>} : memref<80xf32, #tpu.memory_space<vmem>>, vector<16xf32>,
          tpu.vector_store %arg19[%swap3A], %div3A_372 {strides = array<i32>} : memref<80xf32, #tpu.memory_space<vmem>>, vector<16xf32>,
        }
        %scan3A_206 = arith.constant 5 : i32
        %dma_wait3A_207 = arith.constant 0 : i32
        %dma_wait3A_208 = arith.constant 0 : i32
        %dma_wait3A_209 = tpu.memref_slice %arg8[%dma_wait3A_207, %dma_wait3A_208] : memref<3x80xi32, #tpu.memory_space<vmem>> -> memref<1x80xi32, #tpu.memory_space<vmem>>
        %dma_wait3A_210 = tpu.memref_squeeze %dma_wait3A_209 : memref<1x80xi32, #tpu.memory_space<vmem>> -> memref<80xi32, #tpu.memory_space<vmem>>
        %dma_wait3A_211 = arith.constant 0 : i32
        %dma_wait3A_212 = arith.constant 0 : i32
        %dma_wait3A_213 = tpu.memref_slice %arg2[%dma_wait3A_211, %dma_wait3A_212] : memref<200000x128xf32, #tpu.memory_space<hbm>> -> memref<200000x128xf32, #tpu.memory_space<hbm>>
        tpu.wait_indirect_dma semaphore(%run_scoped3A_46 : memref<!tpu.dma_semaphore, #tpu.memory_space<semaphore_mem>>) src(%dma_wait3A_213 : memref<200000x128xf32, #tpu.memory_space<hbm>>) dst(%arg21 : memref<80x128xf32, #tpu.memory_space<vmem>>)
        %parallel_loop3A_214 = arith.constant 0 : i32
        %parallel_loop3A_215 = arith.constant 80 : i32
        %parallel_loop3A_216 = arith.constant 1 : i32
        scf.for %parallel_loop3A_363 = %parallel_loop3A_214 to %parallel_loop3A_215 step %parallel_loop3A_216  : i32 {
          %parallel_loop3A_364 = arith.constant 0 : i32
          %parallel_loop3A_365 = vector.broadcast %parallel_loop3A_364 : i32 to vector<16xi32>
          %parallel_loop3A_366 = vector.broadcast %parallel_loop3A_363 : i32 to vector<16xi32>
          %parallel_loop3A_367 = arith.addi %parallel_loop3A_365, %parallel_loop3A_366 : vector<16xi32>
          %parallel_loop3A_368 = tpu.vector_load_idx %arg18[%parallel_loop3A_367] : memref<80xf32, #tpu.memory_space<vmem>>[vector<16xi32>], vector<16xf32>,
          %parallel_loop3A_369 = arith.index_cast %parallel_loop3A_363 : i32 to index
          %parallel_loop3A_370 = arith.constant 0 : index
          %parallel_loop3A_371 = tpu.vector_load %arg21[%parallel_loop3A_369, %parallel_loop3A_370] {strides = array<i32>} : memref<80x128xf32, #tpu.memory_space<vmem>>, vector<16xf32>,
          %parallel_loop3A_372 = arith.mulf %parallel_loop3A_371, %parallel_loop3A_368 : vector<16xf32>
          %parallel_loop3A_373 = arith.index_cast %parallel_loop3A_363 : i32 to index
          %parallel_loop3A_374 = arith.constant 0 : index
          %parallel_loop3A_375 = tpu.vector_load %arg21[%parallel_loop3A_373, %parallel_loop3A_374] {strides = array<i32>} : memref<80x128xf32, #tpu.memory_space<vmem>>, vector<16xf32>,
          tpu.vector_store %arg21[%parallel_loop3A_373, %parallel_loop3A_374], %parallel_loop3A_372 {strides = array<i32>} : memref<80x128xf32, #tpu.memory_space<vmem>>, vector<16xf32>,
          %parallel_loop3A_376 = arith.index_cast %parallel_loop3A_363 : i32 to index
          %parallel_loop3A_377 = arith.constant 16 : index
          %parallel_loop3A_378 = tpu.vector_load %arg21[%parallel_loop3A_376, %parallel_loop3A_377] {strides = array<i32>} : memref<80x128xf32, #tpu.memory_space<vmem>>, vector<16xf32>,
          %parallel_loop3A_379 = arith.mulf %parallel_loop3A_378, %parallel_loop3A_368 : vector<16xf32>
          %parallel_loop3A_380 = arith.index_cast %parallel_loop3A_363 : i32 to index
          %parallel_loop3A_381 = arith.constant 16 : index
          %parallel_loop3A_382 = tpu.vector_load %arg21[%parallel_loop3A_380, %parallel_loop3A_381] {strides = array<i32>} : memref<80x128xf32, #tpu.memory_space<vmem>>, vector<16xf32>,
          tpu.vector_store %arg21[%parallel_loop3A_380, %parallel_loop3A_381], %parallel_loop3A_379 {strides = array<i32>} : memref<80x128xf32, #tpu.memory_space<vmem>>, vector<16xf32>,
          %parallel_loop3A_383 = arith.index_cast %parallel_loop3A_363 : i32 to index
          %parallel_loop3A_384 = arith.constant 32 : index
          %parallel_loop3A_385 = tpu.vector_load %arg21[%parallel_loop3A_383, %parallel_loop3A_384] {strides = array<i32>} : memref<80x128xf32, #tpu.memory_space<vmem>>, vector<16xf32>,
          %parallel_loop3A_386 = arith.mulf %parallel_loop3A_385, %parallel_loop3A_368 : vector<16xf32>
          %parallel_loop3A_387 = arith.index_cast %parallel_loop3A_363 : i32 to index
          %parallel_loop3A_388 = arith.constant 32 : index
          %parallel_loop3A_389 = tpu.vector_load %arg21[%parallel_loop3A_387, %parallel_loop3A_388] {strides = array<i32>} : memref<80x128xf32, #tpu.memory_space<vmem>>, vector<16xf32>,
          tpu.vector_store %arg21[%parallel_loop3A_387, %parallel_loop3A_388], %parallel_loop3A_386 {strides = array<i32>} : memref<80x128xf32, #tpu.memory_space<vmem>>, vector<16xf32>,
          %parallel_loop3A_390 = arith.index_cast %parallel_loop3A_363 : i32 to index
          %parallel_loop3A_391 = arith.constant 48 : index
          %parallel_loop3A_392 = tpu.vector_load %arg21[%parallel_loop3A_390, %parallel_loop3A_391] {strides = array<i32>} : memref<80x128xf32, #tpu.memory_space<vmem>>, vector<16xf32>,
          %parallel_loop3A_393 = arith.mulf %parallel_loop3A_392, %parallel_loop3A_368 : vector<16xf32>
          %parallel_loop3A_394 = arith.index_cast %parallel_loop3A_363 : i32 to index
          %parallel_loop3A_395 = arith.constant 48 : index
          %parallel_loop3A_396 = tpu.vector_load %arg21[%parallel_loop3A_394, %parallel_loop3A_395] {strides = array<i32>} : memref<80x128xf32, #tpu.memory_space<vmem>>, vector<16xf32>,
          tpu.vector_store %arg21[%parallel_loop3A_394, %parallel_loop3A_395], %parallel_loop3A_393 {strides = array<i32>} : memref<80x128xf32, #tpu.memory_space<vmem>>, vector<16xf32>,
          %parallel_loop3A_397 = arith.index_cast %parallel_loop3A_363 : i32 to index
          %parallel_loop3A_398 = arith.constant 64 : index
          %parallel_loop3A_399 = tpu.vector_load %arg21[%parallel_loop3A_397, %parallel_loop3A_398] {strides = array<i32>} : memref<80x128xf32, #tpu.memory_space<vmem>>, vector<16xf32>,
          %parallel_loop3A_400 = arith.mulf %parallel_loop3A_399, %parallel_loop3A_368 : vector<16xf32>
          %parallel_loop3A_401 = arith.index_cast %parallel_loop3A_363 : i32 to index
          %parallel_loop3A_402 = arith.constant 64 : index
          %parallel_loop3A_403 = tpu.vector_load %arg21[%parallel_loop3A_401, %parallel_loop3A_402] {strides = array<i32>} : memref<80x128xf32, #tpu.memory_space<vmem>>, vector<16xf32>,
          tpu.vector_store %arg21[%parallel_loop3A_401, %parallel_loop3A_402], %parallel_loop3A_400 {strides = array<i32>} : memref<80x128xf32, #tpu.memory_space<vmem>>, vector<16xf32>,
          %parallel_loop3A_404 = arith.index_cast %parallel_loop3A_363 : i32 to index
          %parallel_loop3A_405 = arith.constant 80 : index
          %parallel_loop3A_406 = tpu.vector_load %arg21[%parallel_loop3A_404, %parallel_loop3A_405] {strides = array<i32>} : memref<80x128xf32, #tpu.memory_space<vmem>>, vector<16xf32>,
          %parallel_loop3A_407 = arith.mulf %parallel_loop3A_406, %parallel_loop3A_368 : vector<16xf32>
          %parallel_loop3A_408 = arith.index_cast %parallel_loop3A_363 : i32 to index
          %parallel_loop3A_409 = arith.constant 80 : index
          %parallel_loop3A_410 = tpu.vector_load %arg21[%parallel_loop3A_408, %parallel_loop3A_409] {strides = array<i32>} : memref<80x128xf32, #tpu.memory_space<vmem>>, vector<16xf32>,
          tpu.vector_store %arg21[%parallel_loop3A_408, %parallel_loop3A_409], %parallel_loop3A_407 {strides = array<i32>} : memref<80x128xf32, #tpu.memory_space<vmem>>, vector<16xf32>,
          %parallel_loop3A_411 = arith.index_cast %parallel_loop3A_363 : i32 to index
          %parallel_loop3A_412 = arith.constant 96 : index
          %parallel_loop3A_413 = tpu.vector_load %arg21[%parallel_loop3A_411, %parallel_loop3A_412] {strides = array<i32>} : memref<80x128xf32, #tpu.memory_space<vmem>>, vector<16xf32>,
          %parallel_loop3A_414 = arith.mulf %parallel_loop3A_413, %parallel_loop3A_368 : vector<16xf32>
          %parallel_loop3A_415 = arith.index_cast %parallel_loop3A_363 : i32 to index
          %parallel_loop3A_416 = arith.constant 96 : index
          %parallel_loop3A_417 = tpu.vector_load %arg21[%parallel_loop3A_415, %parallel_loop3A_416] {strides = array<i32>} : memref<80x128xf32, #tpu.memory_space<vmem>>, vector<16xf32>,
          tpu.vector_store %arg21[%parallel_loop3A_415, %parallel_loop3A_416], %parallel_loop3A_414 {strides = array<i32>} : memref<80x128xf32, #tpu.memory_space<vmem>>, vector<16xf32>,
          %parallel_loop3A_418 = arith.index_cast %parallel_loop3A_363 : i32 to index
          %parallel_loop3A_419 = arith.constant 112 : index
          %parallel_loop3A_420 = tpu.vector_load %arg21[%parallel_loop3A_418, %parallel_loop3A_419] {strides = array<i32>} : memref<80x128xf32, #tpu.memory_space<vmem>>, vector<16xf32>,
          %parallel_loop3A_421 = arith.mulf %parallel_loop3A_420, %parallel_loop3A_368 : vector<16xf32>
          %parallel_loop3A_422 = arith.index_cast %parallel_loop3A_363 : i32 to index
          %parallel_loop3A_423 = arith.constant 112 : index
          %parallel_loop3A_424 = tpu.vector_load %arg21[%parallel_loop3A_422, %parallel_loop3A_423] {strides = array<i32>} : memref<80x128xf32, #tpu.memory_space<vmem>>, vector<16xf32>,
          tpu.vector_store %arg21[%parallel_loop3A_422, %parallel_loop3A_423], %parallel_loop3A_421 {strides = array<i32>} : memref<80x128xf32, #tpu.memory_space<vmem>>, vector<16xf32>,
        } {sc.loop_unroll_factor = 4 : i64, sc.parallel_access}
        %dma_start3A_217 = arith.constant 2 : i32
        %dma_start3A_218 = arith.constant 0 : i32
        %dma_start3A_219 = tpu.memref_slice %arg8[%dma_start3A_217, %dma_start3A_218] : memref<3x80xi32, #tpu.memory_space<vmem>> -> memref<1x80xi32, #tpu.memory_space<vmem>>
        %dma_start3A_220 = tpu.memref_squeeze %dma_start3A_219 : memref<1x80xi32, #tpu.memory_space<vmem>> -> memref<80xi32, #tpu.memory_space<vmem>>
        %dma_start3A_221 = arith.constant 0 : i32
        %dma_start3A_222 = arith.constant 0 : i32
        %dma_start3A_223 = tpu.memref_slice %arg7[%dma_start3A_221, %dma_start3A_222] : memref<10000x128xf32, #tpu.memory_space<vmem_shared>> -> memref<10000x128xf32, #tpu.memory_space<vmem_shared>>
        tpu.enqueue_indirect_dma source(%arg21 : memref<80x128xf32, #tpu.memory_space<vmem>>) target(%dma_start3A_223 : memref<10000x128xf32, #tpu.memory_space<vmem_shared>>) offsets(%dma_start3A_220 : memref<80xi32, #tpu.memory_space<vmem>>) semaphore(%run_scoped3A_49 : memref<!tpu.dma_semaphore, #tpu.memory_space<semaphore_mem>>) {add = true}
        %gt3A = arith.constant 0 : i32
        %gt3A_224 = arith.cmpi sgt, %add3A_178, %gt3A : i32
        %convert_element_type3A = arith.extui %gt3A_224 : i1 to i32
        %cond3A = arith.constant 0 : i32
        %cond3A_225 = arith.cmpi ne, %convert_element_type3A, %cond3A : i32
        scf.if %cond3A_225 {
          %dma_wait3A_363 = arith.constant 2 : i32
          %dma_wait3A_364 = arith.constant 0 : i32
          %dma_wait3A_365 = tpu.memref_slice %arg10[%dma_wait3A_363, %dma_wait3A_364] : memref<3x80xi32, #tpu.memory_space<vmem>> -> memref<1x80xi32, #tpu.memory_space<vmem>>
          %dma_wait3A_366 = tpu.memref_squeeze %dma_wait3A_365 : memref<1x80xi32, #tpu.memory_space<vmem>> -> memref<80xi32, #tpu.memory_space<vmem>>
          %dma_wait3A_367 = arith.constant 0 : i32
          %dma_wait3A_368 = arith.constant 0 : i32
          %dma_wait3A_369 = tpu.memref_slice %arg7[%dma_wait3A_367, %dma_wait3A_368] : memref<10000x128xf32, #tpu.memory_space<vmem_shared>> -> memref<10000x128xf32, #tpu.memory_space<vmem_shared>>
          tpu.wait_indirect_dma semaphore(%run_scoped3A_51 : memref<!tpu.dma_semaphore, #tpu.memory_space<semaphore_mem>>) src(%arg23 : memref<80x128xf32, #tpu.memory_space<vmem>>) dst(%dma_wait3A_369 : memref<10000x128xf32, #tpu.memory_space<vmem_shared>>)
        } else {
        }
        %add3A_226 = arith.addi %mul3A_53, %add3A_182 : i32
        %add3A_227 = arith.constant 2 : i32
        %add3A_228 = arith.addi %add3A_226, %add3A_227 : i32
        %dma_start3A_229 = arith.constant 0 : i32
        %dma_start3A_230 = arith.constant 0 : i32
        %dma_start3A_231 = tpu.memref_slice %arg3[%add3A_228, %dma_start3A_229, %dma_start3A_230] : memref<4000x3x80xi32, #tpu.memory_space<hbm>> -> memref<1x3x80xi32, #tpu.memory_space<hbm>>
        %dma_start3A_232 = tpu.memref_squeeze %dma_start3A_231 : memref<1x3x80xi32, #tpu.memory_space<hbm>> -> memref<3x80xi32, #tpu.memory_space<hbm>>
        %dma_start3A_233 = arith.constant 0 : i32
        %dma_start3A_234 = arith.constant 0 : i32
        %dma_start3A_235 = tpu.memref_slice %arg3[%add3A_228, %dma_start3A_233, %dma_start3A_234] : memref<4000x3x80xi32, #tpu.memory_space<hbm>> -> memref<1x3x80xi32, #tpu.memory_space<hbm>>
        %dma_start3A_236 = tpu.memref_squeeze %dma_start3A_235 : memref<1x3x80xi32, #tpu.memory_space<hbm>> -> memref<3x80xi32, #tpu.memory_space<hbm>>
        tpu.enqueue_dma source(%dma_start3A_236 : memref<3x80xi32, #tpu.memory_space<hbm>>) target(%arg10 : memref<3x80xi32, #tpu.memory_space<vmem>>) target_semaphore(%run_scoped3A_45 : memref<!tpu.dma_semaphore, #tpu.memory_space<semaphore_mem>>)
        %mul3A_237 = arith.constant 3 : i32
        %mul3A_238 = arith.muli %mul3A_237, %add3A_178 : i32
        %add3A_239 = arith.constant 1 : i32
        %add3A_240 = arith.addi %mul3A_238, %add3A_239 : i32
        %add3A_241 = arith.addi %mul3A_53, %add3A_240 : i32
        %add3A_242 = arith.constant 1 : i32
        %add3A_243 = arith.addi %add3A_241, %add3A_242 : i32
        %dma_wait3A_244 = arith.constant 0 : i32
        %dma_wait3A_245 = arith.constant 0 : i32
        %dma_wait3A_246 = tpu.memref_slice %arg3[%add3A_243, %dma_wait3A_244, %dma_wait3A_245] : memref<4000x3x80xi32, #tpu.memory_space<hbm>> -> memref<1x3x80xi32, #tpu.memory_space<hbm>>
        %dma_wait3A_247 = tpu.memref_squeeze %dma_wait3A_246 : memref<1x3x80xi32, #tpu.memory_space<hbm>> -> memref<3x80xi32, #tpu.memory_space<hbm>>
        %dma_wait3A_248 = arith.constant 0 : i32
        %dma_wait3A_249 = arith.constant 0 : i32
        %dma_wait3A_250 = tpu.memref_slice %arg3[%add3A_243, %dma_wait3A_248, %dma_wait3A_249] : memref<4000x3x80xi32, #tpu.memory_space<hbm>> -> memref<1x3x80xi32, #tpu.memory_space<hbm>>
        %dma_wait3A_251 = tpu.memref_squeeze %dma_wait3A_250 : memref<1x3x80xi32, #tpu.memory_space<hbm>> -> memref<3x80xi32, #tpu.memory_space<hbm>>
        tpu.wait_dma2 semaphore(%run_scoped3A_45 : memref<!tpu.dma_semaphore, #tpu.memory_space<semaphore_mem>>) src(%dma_wait3A_251 : memref<3x80xi32, #tpu.memory_space<hbm>>) dst(%arg10 : memref<3x80xi32, #tpu.memory_space<vmem>>)
        %dma_start3A_252 = arith.constant 0 : i32
        %dma_start3A_253 = arith.constant 0 : i32
        %dma_start3A_254 = tpu.memref_slice %arg10[%dma_start3A_252, %dma_start3A_253] : memref<3x80xi32, #tpu.memory_space<vmem>> -> memref<1x80xi32, #tpu.memory_space<vmem>>
        %dma_start3A_255 = tpu.memref_squeeze %dma_start3A_254 : memref<1x80xi32, #tpu.memory_space<vmem>> -> memref<80xi32, #tpu.memory_space<vmem>>
        %dma_start3A_256 = arith.constant 0 : i32
        %dma_start3A_257 = arith.constant 0 : i32
        %dma_start3A_258 = tpu.memref_slice %arg2[%dma_start3A_256, %dma_start3A_257] : memref<200000x128xf32, #tpu.memory_space<hbm>> -> memref<200000x128xf32, #tpu.memory_space<hbm>>
        tpu.enqueue_indirect_dma source(%dma_start3A_258 : memref<200000x128xf32, #tpu.memory_space<hbm>>) target(%arg23 : memref<80x128xf32, #tpu.memory_space<vmem>>) offsets(%dma_start3A_255 : memref<80xi32, #tpu.memory_space<vmem>>) semaphore(%run_scoped3A_48 : memref<!tpu.dma_semaphore, #tpu.memory_space<semaphore_mem>>)
        %run_scoped3A_259 = arith.constant 1 : i32
        "tpu.region"() ({
          %run_scoped3A_363 = tpu.sem_alloc : memref<!tpu.dma_semaphore, #tpu.memory_space<semaphore_mem>>
          %dma_start3A_364 = arith.constant 0 : i32
          %dma_start3A_365 = tpu.memref_slice %arg10[%run_scoped3A_259, %dma_start3A_364] : memref<3x80xi32, #tpu.memory_space<vmem>> -> memref<1x80xi32, #tpu.memory_space<vmem>>
          %dma_start3A_366 = tpu.memref_squeeze %dma_start3A_365 : memref<1x80xi32, #tpu.memory_space<vmem>> -> memref<80xi32, #tpu.memory_space<vmem>>
          %dma_start3A_367 = arith.constant 0 : i32
          %dma_start3A_368 = tpu.memref_slice %arg6[%dma_start3A_367] : memref<200704xf32, #tpu.memory_space<vmem_shared>> -> memref<200704xf32, #tpu.memory_space<vmem_shared>>
          tpu.enqueue_indirect_dma source(%dma_start3A_368 : memref<200704xf32, #tpu.memory_space<vmem_shared>>) target(%arg17 : memref<80xf32, #tpu.memory_space<vmem>>) offsets(%dma_start3A_366 : memref<80xi32, #tpu.memory_space<vmem>>) semaphore(%run_scoped3A_363 : memref<!tpu.dma_semaphore, #tpu.memory_space<semaphore_mem>>)
          %dma_wait3A_369 = arith.constant 0 : i32
          %dma_wait3A_370 = tpu.memref_slice %arg10[%run_scoped3A_259, %dma_wait3A_369] : memref<3x80xi32, #tpu.memory_space<vmem>> -> memref<1x80xi32, #tpu.memory_space<vmem>>
          %dma_wait3A_371 = tpu.memref_squeeze %dma_wait3A_370 : memref<1x80xi32, #tpu.memory_space<vmem>> -> memref<80xi32, #tpu.memory_space<vmem>>
          %dma_wait3A_372 = arith.constant 0 : i32
          %dma_wait3A_373 = tpu.memref_slice %arg6[%dma_wait3A_372] : memref<200704xf32, #tpu.memory_space<vmem_shared>> -> memref<200704xf32, #tpu.memory_space<vmem_shared>>
          tpu.wait_indirect_dma semaphore(%run_scoped3A_363 : memref<!tpu.dma_semaphore, #tpu.memory_space<semaphore_mem>>) src(%dma_wait3A_373 : memref<200704xf32, #tpu.memory_space<vmem_shared>>) dst(%arg17 : memref<80xf32, #tpu.memory_space<vmem>>)
          tpu.yield
        }) : () -> ()
        %scan3A_260 = arith.constant 0 : i32
        %scan3A_261 = arith.constant 5 : i32
        %scan3A_262 = arith.addi %scan3A_260, %scan3A_261 : i32
        %scan3A_263 = arith.constant 1 : i32
        scf.for %scan3A_363 = %scan3A_260 to %scan3A_262 step %scan3A_263  : i32 {
          %mul3A_364 = arith.constant 16 : i32
          %mul3A_365 = arith.muli %scan3A_363, %mul3A_364 : i32
          %add3A_366 = arith.constant 0 : i32
          %add3A_367 = arith.addi %add3A_366, %mul3A_365 : i32
          %get3A = arith.index_cast %add3A_367 : i32 to index
          %get3A_368 = tpu.vector_load %arg17[%get3A] {strides = array<i32>} : memref<80xf32, #tpu.memory_space<vmem>>, vector<16xf32>,
          %max3A = arith.constant 1.000000e+00 : f32
          %max3A_369 = vector.broadcast %max3A : f32 to vector<16xf32>
          %max3A_370 = arith.maximumf %get3A_368, %max3A_369 : vector<16xf32>
          %div3A = arith.constant 1.000000e+00 : f32
          %div3A_371 = vector.broadcast %div3A : f32 to vector<16xf32>
          %div3A_372 = arith.divf %div3A_371, %max3A_370 : vector<16xf32>
          %swap3A = arith.index_cast %add3A_367 : i32 to index
          %swap3A_373 = tpu.vector_load %arg20[%swap3A] {strides = array<i32>} : memref<80xf32, #tpu.memory_space<vmem>>, vector<16xf32>,
          tpu.vector_store %arg20[%swap3A], %div3A_372 {strides = array<i32>} : memref<80xf32, #tpu.memory_space<vmem>>, vector<16xf32>,
        }
        %scan3A_264 = arith.constant 5 : i32
        %dma_wait3A_265 = arith.constant 0 : i32
        %dma_wait3A_266 = arith.constant 0 : i32
        %dma_wait3A_267 = tpu.memref_slice %arg9[%dma_wait3A_265, %dma_wait3A_266] : memref<3x80xi32, #tpu.memory_space<vmem>> -> memref<1x80xi32, #tpu.memory_space<vmem>>
        %dma_wait3A_268 = tpu.memref_squeeze %dma_wait3A_267 : memref<1x80xi32, #tpu.memory_space<vmem>> -> memref<80xi32, #tpu.memory_space<vmem>>
        %dma_wait3A_269 = arith.constant 0 : i32
        %dma_wait3A_270 = arith.constant 0 : i32
        %dma_wait3A_271 = tpu.memref_slice %arg2[%dma_wait3A_269, %dma_wait3A_270] : memref<200000x128xf32, #tpu.memory_space<hbm>> -> memref<200000x128xf32, #tpu.memory_space<hbm>>
        tpu.wait_indirect_dma semaphore(%run_scoped3A_47 : memref<!tpu.dma_semaphore, #tpu.memory_space<semaphore_mem>>) src(%dma_wait3A_271 : memref<200000x128xf32, #tpu.memory_space<hbm>>) dst(%arg22 : memref<80x128xf32, #tpu.memory_space<vmem>>)
        %parallel_loop3A_272 = arith.constant 0 : i32
        %parallel_loop3A_273 = arith.constant 80 : i32
        %parallel_loop3A_274 = arith.constant 1 : i32
        scf.for %parallel_loop3A_363 = %parallel_loop3A_272 to %parallel_loop3A_273 step %parallel_loop3A_274  : i32 {
          %parallel_loop3A_364 = arith.constant 0 : i32
          %parallel_loop3A_365 = vector.broadcast %parallel_loop3A_364 : i32 to vector<16xi32>
          %parallel_loop3A_366 = vector.broadcast %parallel_loop3A_363 : i32 to vector<16xi32>
          %parallel_loop3A_367 = arith.addi %parallel_loop3A_365, %parallel_loop3A_366 : vector<16xi32>
          %parallel_loop3A_368 = tpu.vector_load_idx %arg19[%parallel_loop3A_367] : memref<80xf32, #tpu.memory_space<vmem>>[vector<16xi32>], vector<16xf32>,
          %parallel_loop3A_369 = arith.index_cast %parallel_loop3A_363 : i32 to index
          %parallel_loop3A_370 = arith.constant 0 : index
          %parallel_loop3A_371 = tpu.vector_load %arg22[%parallel_loop3A_369, %parallel_loop3A_370] {strides = array<i32>} : memref<80x128xf32, #tpu.memory_space<vmem>>, vector<16xf32>,
          %parallel_loop3A_372 = arith.mulf %parallel_loop3A_371, %parallel_loop3A_368 : vector<16xf32>
          %parallel_loop3A_373 = arith.index_cast %parallel_loop3A_363 : i32 to index
          %parallel_loop3A_374 = arith.constant 0 : index
          %parallel_loop3A_375 = tpu.vector_load %arg22[%parallel_loop3A_373, %parallel_loop3A_374] {strides = array<i32>} : memref<80x128xf32, #tpu.memory_space<vmem>>, vector<16xf32>,
          tpu.vector_store %arg22[%parallel_loop3A_373, %parallel_loop3A_374], %parallel_loop3A_372 {strides = array<i32>} : memref<80x128xf32, #tpu.memory_space<vmem>>, vector<16xf32>,
          %parallel_loop3A_376 = arith.index_cast %parallel_loop3A_363 : i32 to index
          %parallel_loop3A_377 = arith.constant 16 : index
          %parallel_loop3A_378 = tpu.vector_load %arg22[%parallel_loop3A_376, %parallel_loop3A_377] {strides = array<i32>} : memref<80x128xf32, #tpu.memory_space<vmem>>, vector<16xf32>,
          %parallel_loop3A_379 = arith.mulf %parallel_loop3A_378, %parallel_loop3A_368 : vector<16xf32>
          %parallel_loop3A_380 = arith.index_cast %parallel_loop3A_363 : i32 to index
          %parallel_loop3A_381 = arith.constant 16 : index
          %parallel_loop3A_382 = tpu.vector_load %arg22[%parallel_loop3A_380, %parallel_loop3A_381] {strides = array<i32>} : memref<80x128xf32, #tpu.memory_space<vmem>>, vector<16xf32>,
          tpu.vector_store %arg22[%parallel_loop3A_380, %parallel_loop3A_381], %parallel_loop3A_379 {strides = array<i32>} : memref<80x128xf32, #tpu.memory_space<vmem>>, vector<16xf32>,
          %parallel_loop3A_383 = arith.index_cast %parallel_loop3A_363 : i32 to index
          %parallel_loop3A_384 = arith.constant 32 : index
          %parallel_loop3A_385 = tpu.vector_load %arg22[%parallel_loop3A_383, %parallel_loop3A_384] {strides = array<i32>} : memref<80x128xf32, #tpu.memory_space<vmem>>, vector<16xf32>,
          %parallel_loop3A_386 = arith.mulf %parallel_loop3A_385, %parallel_loop3A_368 : vector<16xf32>
          %parallel_loop3A_387 = arith.index_cast %parallel_loop3A_363 : i32 to index
          %parallel_loop3A_388 = arith.constant 32 : index
          %parallel_loop3A_389 = tpu.vector_load %arg22[%parallel_loop3A_387, %parallel_loop3A_388] {strides = array<i32>} : memref<80x128xf32, #tpu.memory_space<vmem>>, vector<16xf32>,
          tpu.vector_store %arg22[%parallel_loop3A_387, %parallel_loop3A_388], %parallel_loop3A_386 {strides = array<i32>} : memref<80x128xf32, #tpu.memory_space<vmem>>, vector<16xf32>,
          %parallel_loop3A_390 = arith.index_cast %parallel_loop3A_363 : i32 to index
          %parallel_loop3A_391 = arith.constant 48 : index
          %parallel_loop3A_392 = tpu.vector_load %arg22[%parallel_loop3A_390, %parallel_loop3A_391] {strides = array<i32>} : memref<80x128xf32, #tpu.memory_space<vmem>>, vector<16xf32>,
          %parallel_loop3A_393 = arith.mulf %parallel_loop3A_392, %parallel_loop3A_368 : vector<16xf32>
          %parallel_loop3A_394 = arith.index_cast %parallel_loop3A_363 : i32 to index
          %parallel_loop3A_395 = arith.constant 48 : index
          %parallel_loop3A_396 = tpu.vector_load %arg22[%parallel_loop3A_394, %parallel_loop3A_395] {strides = array<i32>} : memref<80x128xf32, #tpu.memory_space<vmem>>, vector<16xf32>,
          tpu.vector_store %arg22[%parallel_loop3A_394, %parallel_loop3A_395], %parallel_loop3A_393 {strides = array<i32>} : memref<80x128xf32, #tpu.memory_space<vmem>>, vector<16xf32>,
          %parallel_loop3A_397 = arith.index_cast %parallel_loop3A_363 : i32 to index
          %parallel_loop3A_398 = arith.constant 64 : index
          %parallel_loop3A_399 = tpu.vector_load %arg22[%parallel_loop3A_397, %parallel_loop3A_398] {strides = array<i32>} : memref<80x128xf32, #tpu.memory_space<vmem>>, vector<16xf32>,
          %parallel_loop3A_400 = arith.mulf %parallel_loop3A_399, %parallel_loop3A_368 : vector<16xf32>
          %parallel_loop3A_401 = arith.index_cast %parallel_loop3A_363 : i32 to index
          %parallel_loop3A_402 = arith.constant 64 : index
          %parallel_loop3A_403 = tpu.vector_load %arg22[%parallel_loop3A_401, %parallel_loop3A_402] {strides = array<i32>} : memref<80x128xf32, #tpu.memory_space<vmem>>, vector<16xf32>,
          tpu.vector_store %arg22[%parallel_loop3A_401, %parallel_loop3A_402], %parallel_loop3A_400 {strides = array<i32>} : memref<80x128xf32, #tpu.memory_space<vmem>>, vector<16xf32>,
          %parallel_loop3A_404 = arith.index_cast %parallel_loop3A_363 : i32 to index
          %parallel_loop3A_405 = arith.constant 80 : index
          %parallel_loop3A_406 = tpu.vector_load %arg22[%parallel_loop3A_404, %parallel_loop3A_405] {strides = array<i32>} : memref<80x128xf32, #tpu.memory_space<vmem>>, vector<16xf32>,
          %parallel_loop3A_407 = arith.mulf %parallel_loop3A_406, %parallel_loop3A_368 : vector<16xf32>
          %parallel_loop3A_408 = arith.index_cast %parallel_loop3A_363 : i32 to index
          %parallel_loop3A_409 = arith.constant 80 : index
          %parallel_loop3A_410 = tpu.vector_load %arg22[%parallel_loop3A_408, %parallel_loop3A_409] {strides = array<i32>} : memref<80x128xf32, #tpu.memory_space<vmem>>, vector<16xf32>,
          tpu.vector_store %arg22[%parallel_loop3A_408, %parallel_loop3A_409], %parallel_loop3A_407 {strides = array<i32>} : memref<80x128xf32, #tpu.memory_space<vmem>>, vector<16xf32>,
          %parallel_loop3A_411 = arith.index_cast %parallel_loop3A_363 : i32 to index
          %parallel_loop3A_412 = arith.constant 96 : index
          %parallel_loop3A_413 = tpu.vector_load %arg22[%parallel_loop3A_411, %parallel_loop3A_412] {strides = array<i32>} : memref<80x128xf32, #tpu.memory_space<vmem>>, vector<16xf32>,
          %parallel_loop3A_414 = arith.mulf %parallel_loop3A_413, %parallel_loop3A_368 : vector<16xf32>
          %parallel_loop3A_415 = arith.index_cast %parallel_loop3A_363 : i32 to index
          %parallel_loop3A_416 = arith.constant 96 : index
          %parallel_loop3A_417 = tpu.vector_load %arg22[%parallel_loop3A_415, %parallel_loop3A_416] {strides = array<i32>} : memref<80x128xf32, #tpu.memory_space<vmem>>, vector<16xf32>,
          tpu.vector_store %arg22[%parallel_loop3A_415, %parallel_loop3A_416], %parallel_loop3A_414 {strides = array<i32>} : memref<80x128xf32, #tpu.memory_space<vmem>>, vector<16xf32>,
          %parallel_loop3A_418 = arith.index_cast %parallel_loop3A_363 : i32 to index
          %parallel_loop3A_419 = arith.constant 112 : index
          %parallel_loop3A_420 = tpu.vector_load %arg22[%parallel_loop3A_418, %parallel_loop3A_419] {strides = array<i32>} : memref<80x128xf32, #tpu.memory_space<vmem>>, vector<16xf32>,
          %parallel_loop3A_421 = arith.mulf %parallel_loop3A_420, %parallel_loop3A_368 : vector<16xf32>
          %parallel_loop3A_422 = arith.index_cast %parallel_loop3A_363 : i32 to index
          %parallel_loop3A_423 = arith.constant 112 : index
          %parallel_loop3A_424 = tpu.vector_load %arg22[%parallel_loop3A_422, %parallel_loop3A_423] {strides = array<i32>} : memref<80x128xf32, #tpu.memory_space<vmem>>, vector<16xf32>,
          tpu.vector_store %arg22[%parallel_loop3A_422, %parallel_loop3A_423], %parallel_loop3A_421 {strides = array<i32>} : memref<80x128xf32, #tpu.memory_space<vmem>>, vector<16xf32>,
        } {sc.loop_unroll_factor = 4 : i64, sc.parallel_access}
        %dma_start3A_275 = arith.constant 2 : i32
        %dma_start3A_276 = arith.constant 0 : i32
        %dma_start3A_277 = tpu.memref_slice %arg9[%dma_start3A_275, %dma_start3A_276] : memref<3x80xi32, #tpu.memory_space<vmem>> -> memref<1x80xi32, #tpu.memory_space<vmem>>
        %dma_start3A_278 = tpu.memref_squeeze %dma_start3A_277 : memref<1x80xi32, #tpu.memory_space<vmem>> -> memref<80xi32, #tpu.memory_space<vmem>>
        %dma_start3A_279 = arith.constant 0 : i32
        %dma_start3A_280 = arith.constant 0 : i32
        %dma_start3A_281 = tpu.memref_slice %arg7[%dma_start3A_279, %dma_start3A_280] : memref<10000x128xf32, #tpu.memory_space<vmem_shared>> -> memref<10000x128xf32, #tpu.memory_space<vmem_shared>>
        tpu.enqueue_indirect_dma source(%arg22 : memref<80x128xf32, #tpu.memory_space<vmem>>) target(%dma_start3A_281 : memref<10000x128xf32, #tpu.memory_space<vmem_shared>>) offsets(%dma_start3A_278 : memref<80xi32, #tpu.memory_space<vmem>>) semaphore(%run_scoped3A_50 : memref<!tpu.dma_semaphore, #tpu.memory_space<semaphore_mem>>) {add = true}
        %dma_wait3A_282 = arith.constant 2 : i32
        %dma_wait3A_283 = arith.constant 0 : i32
        %dma_wait3A_284 = tpu.memref_slice %arg8[%dma_wait3A_282, %dma_wait3A_283] : memref<3x80xi32, #tpu.memory_space<vmem>> -> memref<1x80xi32, #tpu.memory_space<vmem>>
        %dma_wait3A_285 = tpu.memref_squeeze %dma_wait3A_284 : memref<1x80xi32, #tpu.memory_space<vmem>> -> memref<80xi32, #tpu.memory_space<vmem>>
        %dma_wait3A_286 = arith.constant 0 : i32
        %dma_wait3A_287 = arith.constant 0 : i32
        %dma_wait3A_288 = tpu.memref_slice %arg7[%dma_wait3A_286, %dma_wait3A_287] : memref<10000x128xf32, #tpu.memory_space<vmem_shared>> -> memref<10000x128xf32, #tpu.memory_space<vmem_shared>>
        tpu.wait_indirect_dma semaphore(%run_scoped3A_49 : memref<!tpu.dma_semaphore, #tpu.memory_space<semaphore_mem>>) src(%arg21 : memref<80x128xf32, #tpu.memory_space<vmem>>) dst(%dma_wait3A_288 : memref<10000x128xf32, #tpu.memory_space<vmem_shared>>)
        %add3A_289 = arith.addi %mul3A_53, %add3A_240 : i32
        %add3A_290 = arith.constant 2 : i32
        %add3A_291 = arith.addi %add3A_289, %add3A_290 : i32
        %dma_start3A_292 = arith.constant 0 : i32
        %dma_start3A_293 = arith.constant 0 : i32
        %dma_start3A_294 = tpu.memref_slice %arg3[%add3A_291, %dma_start3A_292, %dma_start3A_293] : memref<4000x3x80xi32, #tpu.memory_space<hbm>> -> memref<1x3x80xi32, #tpu.memory_space<hbm>>
        %dma_start3A_295 = tpu.memref_squeeze %dma_start3A_294 : memref<1x3x80xi32, #tpu.memory_space<hbm>> -> memref<3x80xi32, #tpu.memory_space<hbm>>
        %dma_start3A_296 = arith.constant 0 : i32
        %dma_start3A_297 = arith.constant 0 : i32
        %dma_start3A_298 = tpu.memref_slice %arg3[%add3A_291, %dma_start3A_296, %dma_start3A_297] : memref<4000x3x80xi32, #tpu.memory_space<hbm>> -> memref<1x3x80xi32, #tpu.memory_space<hbm>>
        %dma_start3A_299 = tpu.memref_squeeze %dma_start3A_298 : memref<1x3x80xi32, #tpu.memory_space<hbm>> -> memref<3x80xi32, #tpu.memory_space<hbm>>
        tpu.enqueue_dma source(%dma_start3A_299 : memref<3x80xi32, #tpu.memory_space<hbm>>) target(%arg8 : memref<3x80xi32, #tpu.memory_space<vmem>>) target_semaphore(%run_scoped3A : memref<!tpu.dma_semaphore, #tpu.memory_space<semaphore_mem>>)
        %mul3A_300 = arith.constant 3 : i32
        %mul3A_301 = arith.muli %mul3A_300, %add3A_178 : i32
        %add3A_302 = arith.constant 2 : i32
        %add3A_303 = arith.addi %mul3A_301, %add3A_302 : i32
        %add3A_304 = arith.addi %mul3A_53, %add3A_303 : i32
        %add3A_305 = arith.constant 1 : i32
        %add3A_306 = arith.addi %add3A_304, %add3A_305 : i32
        %dma_wait3A_307 = arith.constant 0 : i32
        %dma_wait3A_308 = arith.constant 0 : i32
        %dma_wait3A_309 = tpu.memref_slice %arg3[%add3A_306, %dma_wait3A_307, %dma_wait3A_308] : memref<4000x3x80xi32, #tpu.memory_space<hbm>> -> memref<1x3x80xi32, #tpu.memory_space<hbm>>
        %dma_wait3A_310 = tpu.memref_squeeze %dma_wait3A_309 : memref<1x3x80xi32, #tpu.memory_space<hbm>> -> memref<3x80xi32, #tpu.memory_space<hbm>>
        %dma_wait3A_311 = arith.constant 0 : i32
        %dma_wait3A_312 = arith.constant 0 : i32
        %dma_wait3A_313 = tpu.memref_slice %arg3[%add3A_306, %dma_wait3A_311, %dma_wait3A_312] : memref<4000x3x80xi32, #tpu.memory_space<hbm>> -> memref<1x3x80xi32, #tpu.memory_space<hbm>>
        %dma_wait3A_314 = tpu.memref_squeeze %dma_wait3A_313 : memref<1x3x80xi32, #tpu.memory_space<hbm>> -> memref<3x80xi32, #tpu.memory_space<hbm>>
        tpu.wait_dma2 semaphore(%run_scoped3A : memref<!tpu.dma_semaphore, #tpu.memory_space<semaphore_mem>>) src(%dma_wait3A_314 : memref<3x80xi32, #tpu.memory_space<hbm>>) dst(%arg8 : memref<3x80xi32, #tpu.memory_space<vmem>>)
        %dma_start3A_315 = arith.constant 0 : i32
        %dma_start3A_316 = arith.constant 0 : i32
        %dma_start3A_317 = tpu.memref_slice %arg8[%dma_start3A_315, %dma_start3A_316] : memref<3x80xi32, #tpu.memory_space<vmem>> -> memref<1x80xi32, #tpu.memory_space<vmem>>
        %dma_start3A_318 = tpu.memref_squeeze %dma_start3A_317 : memref<1x80xi32, #tpu.memory_space<vmem>> -> memref<80xi32, #tpu.memory_space<vmem>>
        %dma_start3A_319 = arith.constant 0 : i32
        %dma_start3A_320 = arith.constant 0 : i32
        %dma_start3A_321 = tpu.memref_slice %arg2[%dma_start3A_319, %dma_start3A_320] : memref<200000x128xf32, #tpu.memory_space<hbm>> -> memref<200000x128xf32, #tpu.memory_space<hbm>>
        tpu.enqueue_indirect_dma source(%dma_start3A_321 : memref<200000x128xf32, #tpu.memory_space<hbm>>) target(%arg21 : memref<80x128xf32, #tpu.memory_space<vmem>>) offsets(%dma_start3A_318 : memref<80xi32, #tpu.memory_space<vmem>>) semaphore(%run_scoped3A_46 : memref<!tpu.dma_semaphore, #tpu.memory_space<semaphore_mem>>)
        %run_scoped3A_322 = arith.constant 1 : i32
        "tpu.region"() ({
          %run_scoped3A_363 = tpu.sem_alloc : memref<!tpu.dma_semaphore, #tpu.memory_space<semaphore_mem>>
          %dma_start3A_364 = arith.constant 0 : i32
          %dma_start3A_365 = tpu.memref_slice %arg8[%run_scoped3A_322, %dma_start3A_364] : memref<3x80xi32, #tpu.memory_space<vmem>> -> memref<1x80xi32, #tpu.memory_space<vmem>>
          %dma_start3A_366 = tpu.memref_squeeze %dma_start3A_365 : memref<1x80xi32, #tpu.memory_space<vmem>> -> memref<80xi32, #tpu.memory_space<vmem>>
          %dma_start3A_367 = arith.constant 0 : i32
          %dma_start3A_368 = tpu.memref_slice %arg6[%dma_start3A_367] : memref<200704xf32, #tpu.memory_space<vmem_shared>> -> memref<200704xf32, #tpu.memory_space<vmem_shared>>
          tpu.enqueue_indirect_dma source(%dma_start3A_368 : memref<200704xf32, #tpu.memory_space<vmem_shared>>) target(%arg17 : memref<80xf32, #tpu.memory_space<vmem>>) offsets(%dma_start3A_366 : memref<80xi32, #tpu.memory_space<vmem>>) semaphore(%run_scoped3A_363 : memref<!tpu.dma_semaphore, #tpu.memory_space<semaphore_mem>>)
          %dma_wait3A_369 = arith.constant 0 : i32
          %dma_wait3A_370 = tpu.memref_slice %arg8[%run_scoped3A_322, %dma_wait3A_369] : memref<3x80xi32, #tpu.memory_space<vmem>> -> memref<1x80xi32, #tpu.memory_space<vmem>>
          %dma_wait3A_371 = tpu.memref_squeeze %dma_wait3A_370 : memref<1x80xi32, #tpu.memory_space<vmem>> -> memref<80xi32, #tpu.memory_space<vmem>>
          %dma_wait3A_372 = arith.constant 0 : i32
          %dma_wait3A_373 = tpu.memref_slice %arg6[%dma_wait3A_372] : memref<200704xf32, #tpu.memory_space<vmem_shared>> -> memref<200704xf32, #tpu.memory_space<vmem_shared>>
          tpu.wait_indirect_dma semaphore(%run_scoped3A_363 : memref<!tpu.dma_semaphore, #tpu.memory_space<semaphore_mem>>) src(%dma_wait3A_373 : memref<200704xf32, #tpu.memory_space<vmem_shared>>) dst(%arg17 : memref<80xf32, #tpu.memory_space<vmem>>)
          tpu.yield
        }) : () -> ()
        %scan3A_323 = arith.constant 0 : i32
        %scan3A_324 = arith.constant 5 : i32
        %scan3A_325 = arith.addi %scan3A_323, %scan3A_324 : i32
        %scan3A_326 = arith.constant 1 : i32
        scf.for %scan3A_363 = %scan3A_323 to %scan3A_325 step %scan3A_326  : i32 {
          %mul3A_364 = arith.constant 16 : i32
          %mul3A_365 = arith.muli %scan3A_363, %mul3A_364 : i32
          %add3A_366 = arith.constant 0 : i32
          %add3A_367 = arith.addi %add3A_366, %mul3A_365 : i32
          %get3A = arith.index_cast %add3A_367 : i32 to index
          %get3A_368 = tpu.vector_load %arg17[%get3A] {strides = array<i32>} : memref<80xf32, #tpu.memory_space<vmem>>, vector<16xf32>,
          %max3A = arith.constant 1.000000e+00 : f32
          %max3A_369 = vector.broadcast %max3A : f32 to vector<16xf32>
          %max3A_370 = arith.maximumf %get3A_368, %max3A_369 : vector<16xf32>
          %div3A = arith.constant 1.000000e+00 : f32
          %div3A_371 = vector.broadcast %div3A : f32 to vector<16xf32>
          %div3A_372 = arith.divf %div3A_371, %max3A_370 : vector<16xf32>
          %swap3A = arith.index_cast %add3A_367 : i32 to index
          %swap3A_373 = tpu.vector_load %arg18[%swap3A] {strides = array<i32>} : memref<80xf32, #tpu.memory_space<vmem>>, vector<16xf32>,
          tpu.vector_store %arg18[%swap3A], %div3A_372 {strides = array<i32>} : memref<80xf32, #tpu.memory_space<vmem>>, vector<16xf32>,
        }
        %scan3A_327 = arith.constant 5 : i32
        %dma_wait3A_328 = arith.constant 0 : i32
        %dma_wait3A_329 = arith.constant 0 : i32
        %dma_wait3A_330 = tpu.memref_slice %arg10[%dma_wait3A_328, %dma_wait3A_329] : memref<3x80xi32, #tpu.memory_space<vmem>> -> memref<1x80xi32, #tpu.memory_space<vmem>>
        %dma_wait3A_331 = tpu.memref_squeeze %dma_wait3A_330 : memref<1x80xi32, #tpu.memory_space<vmem>> -> memref<80xi32, #tpu.memory_space<vmem>>
        %dma_wait3A_332 = arith.constant 0 : i32
        %dma_wait3A_333 = arith.constant 0 : i32
        %dma_wait3A_334 = tpu.memref_slice %arg2[%dma_wait3A_332, %dma_wait3A_333] : memref<200000x128xf32, #tpu.memory_space<hbm>> -> memref<200000x128xf32, #tpu.memory_space<hbm>>
        tpu.wait_indirect_dma semaphore(%run_scoped3A_48 : memref<!tpu.dma_semaphore, #tpu.memory_space<semaphore_mem>>) src(%dma_wait3A_334 : memref<200000x128xf32, #tpu.memory_space<hbm>>) dst(%arg23 : memref<80x128xf32, #tpu.memory_space<vmem>>)
        %parallel_loop3A_335 = arith.constant 0 : i32
        %parallel_loop3A_336 = arith.constant 80 : i32
        %parallel_loop3A_337 = arith.constant 1 : i32
        scf.for %parallel_loop3A_363 = %parallel_loop3A_335 to %parallel_loop3A_336 step %parallel_loop3A_337  : i32 {
          %parallel_loop3A_364 = arith.constant 0 : i32
          %parallel_loop3A_365 = vector.broadcast %parallel_loop3A_364 : i32 to vector<16xi32>
          %parallel_loop3A_366 = vector.broadcast %parallel_loop3A_363 : i32 to vector<16xi32>
          %parallel_loop3A_367 = arith.addi %parallel_loop3A_365, %parallel_loop3A_366 : vector<16xi32>
          %parallel_loop3A_368 = tpu.vector_load_idx %arg20[%parallel_loop3A_367] : memref<80xf32, #tpu.memory_space<vmem>>[vector<16xi32>], vector<16xf32>,
          %parallel_loop3A_369 = arith.index_cast %parallel_loop3A_363 : i32 to index
          %parallel_loop3A_370 = arith.constant 0 : index
          %parallel_loop3A_371 = tpu.vector_load %arg23[%parallel_loop3A_369, %parallel_loop3A_370] {strides = array<i32>} : memref<80x128xf32, #tpu.memory_space<vmem>>, vector<16xf32>,
          %parallel_loop3A_372 = arith.mulf %parallel_loop3A_371, %parallel_loop3A_368 : vector<16xf32>
          %parallel_loop3A_373 = arith.index_cast %parallel_loop3A_363 : i32 to index
          %parallel_loop3A_374 = arith.constant 0 : index
          %parallel_loop3A_375 = tpu.vector_load %arg23[%parallel_loop3A_373, %parallel_loop3A_374] {strides = array<i32>} : memref<80x128xf32, #tpu.memory_space<vmem>>, vector<16xf32>,
          tpu.vector_store %arg23[%parallel_loop3A_373, %parallel_loop3A_374], %parallel_loop3A_372 {strides = array<i32>} : memref<80x128xf32, #tpu.memory_space<vmem>>, vector<16xf32>,
          %parallel_loop3A_376 = arith.index_cast %parallel_loop3A_363 : i32 to index
          %parallel_loop3A_377 = arith.constant 16 : index
          %parallel_loop3A_378 = tpu.vector_load %arg23[%parallel_loop3A_376, %parallel_loop3A_377] {strides = array<i32>} : memref<80x128xf32, #tpu.memory_space<vmem>>, vector<16xf32>,
          %parallel_loop3A_379 = arith.mulf %parallel_loop3A_378, %parallel_loop3A_368 : vector<16xf32>
          %parallel_loop3A_380 = arith.index_cast %parallel_loop3A_363 : i32 to index
          %parallel_loop3A_381 = arith.constant 16 : index
          %parallel_loop3A_382 = tpu.vector_load %arg23[%parallel_loop3A_380, %parallel_loop3A_381] {strides = array<i32>} : memref<80x128xf32, #tpu.memory_space<vmem>>, vector<16xf32>,
          tpu.vector_store %arg23[%parallel_loop3A_380, %parallel_loop3A_381], %parallel_loop3A_379 {strides = array<i32>} : memref<80x128xf32, #tpu.memory_space<vmem>>, vector<16xf32>,
          %parallel_loop3A_383 = arith.index_cast %parallel_loop3A_363 : i32 to index
          %parallel_loop3A_384 = arith.constant 32 : index
          %parallel_loop3A_385 = tpu.vector_load %arg23[%parallel_loop3A_383, %parallel_loop3A_384] {strides = array<i32>} : memref<80x128xf32, #tpu.memory_space<vmem>>, vector<16xf32>,
          %parallel_loop3A_386 = arith.mulf %parallel_loop3A_385, %parallel_loop3A_368 : vector<16xf32>
          %parallel_loop3A_387 = arith.index_cast %parallel_loop3A_363 : i32 to index
          %parallel_loop3A_388 = arith.constant 32 : index
          %parallel_loop3A_389 = tpu.vector_load %arg23[%parallel_loop3A_387, %parallel_loop3A_388] {strides = array<i32>} : memref<80x128xf32, #tpu.memory_space<vmem>>, vector<16xf32>,
          tpu.vector_store %arg23[%parallel_loop3A_387, %parallel_loop3A_388], %parallel_loop3A_386 {strides = array<i32>} : memref<80x128xf32, #tpu.memory_space<vmem>>, vector<16xf32>,
          %parallel_loop3A_390 = arith.index_cast %parallel_loop3A_363 : i32 to index
          %parallel_loop3A_391 = arith.constant 48 : index
          %parallel_loop3A_392 = tpu.vector_load %arg23[%parallel_loop3A_390, %parallel_loop3A_391] {strides = array<i32>} : memref<80x128xf32, #tpu.memory_space<vmem>>, vector<16xf32>,
          %parallel_loop3A_393 = arith.mulf %parallel_loop3A_392, %parallel_loop3A_368 : vector<16xf32>
          %parallel_loop3A_394 = arith.index_cast %parallel_loop3A_363 : i32 to index
          %parallel_loop3A_395 = arith.constant 48 : index
          %parallel_loop3A_396 = tpu.vector_load %arg23[%parallel_loop3A_394, %parallel_loop3A_395] {strides = array<i32>} : memref<80x128xf32, #tpu.memory_space<vmem>>, vector<16xf32>,
          tpu.vector_store %arg23[%parallel_loop3A_394, %parallel_loop3A_395], %parallel_loop3A_393 {strides = array<i32>} : memref<80x128xf32, #tpu.memory_space<vmem>>, vector<16xf32>,
          %parallel_loop3A_397 = arith.index_cast %parallel_loop3A_363 : i32 to index
          %parallel_loop3A_398 = arith.constant 64 : index
          %parallel_loop3A_399 = tpu.vector_load %arg23[%parallel_loop3A_397, %parallel_loop3A_398] {strides = array<i32>} : memref<80x128xf32, #tpu.memory_space<vmem>>, vector<16xf32>,
          %parallel_loop3A_400 = arith.mulf %parallel_loop3A_399, %parallel_loop3A_368 : vector<16xf32>
          %parallel_loop3A_401 = arith.index_cast %parallel_loop3A_363 : i32 to index
          %parallel_loop3A_402 = arith.constant 64 : index
          %parallel_loop3A_403 = tpu.vector_load %arg23[%parallel_loop3A_401, %parallel_loop3A_402] {strides = array<i32>} : memref<80x128xf32, #tpu.memory_space<vmem>>, vector<16xf32>,
          tpu.vector_store %arg23[%parallel_loop3A_401, %parallel_loop3A_402], %parallel_loop3A_400 {strides = array<i32>} : memref<80x128xf32, #tpu.memory_space<vmem>>, vector<16xf32>,
          %parallel_loop3A_404 = arith.index_cast %parallel_loop3A_363 : i32 to index
          %parallel_loop3A_405 = arith.constant 80 : index
          %parallel_loop3A_406 = tpu.vector_load %arg23[%parallel_loop3A_404, %parallel_loop3A_405] {strides = array<i32>} : memref<80x128xf32, #tpu.memory_space<vmem>>, vector<16xf32>,
          %parallel_loop3A_407 = arith.mulf %parallel_loop3A_406, %parallel_loop3A_368 : vector<16xf32>
          %parallel_loop3A_408 = arith.index_cast %parallel_loop3A_363 : i32 to index
          %parallel_loop3A_409 = arith.constant 80 : index
          %parallel_loop3A_410 = tpu.vector_load %arg23[%parallel_loop3A_408, %parallel_loop3A_409] {strides = array<i32>} : memref<80x128xf32, #tpu.memory_space<vmem>>, vector<16xf32>,
          tpu.vector_store %arg23[%parallel_loop3A_408, %parallel_loop3A_409], %parallel_loop3A_407 {strides = array<i32>} : memref<80x128xf32, #tpu.memory_space<vmem>>, vector<16xf32>,
          %parallel_loop3A_411 = arith.index_cast %parallel_loop3A_363 : i32 to index
          %parallel_loop3A_412 = arith.constant 96 : index
          %parallel_loop3A_413 = tpu.vector_load %arg23[%parallel_loop3A_411, %parallel_loop3A_412] {strides = array<i32>} : memref<80x128xf32, #tpu.memory_space<vmem>>, vector<16xf32>,
          %parallel_loop3A_414 = arith.mulf %parallel_loop3A_413, %parallel_loop3A_368 : vector<16xf32>
          %parallel_loop3A_415 = arith.index_cast %parallel_loop3A_363 : i32 to index
          %parallel_loop3A_416 = arith.constant 96 : index
          %parallel_loop3A_417 = tpu.vector_load %arg23[%parallel_loop3A_415, %parallel_loop3A_416] {strides = array<i32>} : memref<80x128xf32, #tpu.memory_space<vmem>>, vector<16xf32>,
          tpu.vector_store %arg23[%parallel_loop3A_415, %parallel_loop3A_416], %parallel_loop3A_414 {strides = array<i32>} : memref<80x128xf32, #tpu.memory_space<vmem>>, vector<16xf32>,
          %parallel_loop3A_418 = arith.index_cast %parallel_loop3A_363 : i32 to index
          %parallel_loop3A_419 = arith.constant 112 : index
          %parallel_loop3A_420 = tpu.vector_load %arg23[%parallel_loop3A_418, %parallel_loop3A_419] {strides = array<i32>} : memref<80x128xf32, #tpu.memory_space<vmem>>, vector<16xf32>,
          %parallel_loop3A_421 = arith.mulf %parallel_loop3A_420, %parallel_loop3A_368 : vector<16xf32>
          %parallel_loop3A_422 = arith.index_cast %parallel_loop3A_363 : i32 to index
          %parallel_loop3A_423 = arith.constant 112 : index
          %parallel_loop3A_424 = tpu.vector_load %arg23[%parallel_loop3A_422, %parallel_loop3A_423] {strides = array<i32>} : memref<80x128xf32, #tpu.memory_space<vmem>>, vector<16xf32>,
          tpu.vector_store %arg23[%parallel_loop3A_422, %parallel_loop3A_423], %parallel_loop3A_421 {strides = array<i32>} : memref<80x128xf32, #tpu.memory_space<vmem>>, vector<16xf32>,
        } {sc.loop_unroll_factor = 4 : i64, sc.parallel_access}
        %dma_start3A_338 = arith.constant 2 : i32
        %dma_start3A_339 = arith.constant 0 : i32
        %dma_start3A_340 = tpu.memref_slice %arg10[%dma_start3A_338, %dma_start3A_339] : memref<3x80xi32, #tpu.memory_space<vmem>> -> memref<1x80xi32, #tpu.memory_space<vmem>>
        %dma_start3A_341 = tpu.memref_squeeze %dma_start3A_340 : memref<1x80xi32, #tpu.memory_space<vmem>> -> memref<80xi32, #tpu.memory_space<vmem>>
        %dma_start3A_342 = arith.constant 0 : i32
        %dma_start3A_343 = arith.constant 0 : i32
        %dma_start3A_344 = tpu.memref_slice %arg7[%dma_start3A_342, %dma_start3A_343] : memref<10000x128xf32, #tpu.memory_space<vmem_shared>> -> memref<10000x128xf32, #tpu.memory_space<vmem_shared>>
        tpu.enqueue_indirect_dma source(%arg23 : memref<80x128xf32, #tpu.memory_space<vmem>>) target(%dma_start3A_344 : memref<10000x128xf32, #tpu.memory_space<vmem_shared>>) offsets(%dma_start3A_341 : memref<80xi32, #tpu.memory_space<vmem>>) semaphore(%run_scoped3A_51 : memref<!tpu.dma_semaphore, #tpu.memory_space<semaphore_mem>>) {add = true}
        %dma_wait3A_345 = arith.constant 2 : i32
        %dma_wait3A_346 = arith.constant 0 : i32
        %dma_wait3A_347 = tpu.memref_slice %arg9[%dma_wait3A_345, %dma_wait3A_346] : memref<3x80xi32, #tpu.memory_space<vmem>> -> memref<1x80xi32, #tpu.memory_space<vmem>>
        %dma_wait3A_348 = tpu.memref_squeeze %dma_wait3A_347 : memref<1x80xi32, #tpu.memory_space<vmem>> -> memref<80xi32, #tpu.memory_space<vmem>>
        %dma_wait3A_349 = arith.constant 0 : i32
        %dma_wait3A_350 = arith.constant 0 : i32
        %dma_wait3A_351 = tpu.memref_slice %arg7[%dma_wait3A_349, %dma_wait3A_350] : memref<10000x128xf32, #tpu.memory_space<vmem_shared>> -> memref<10000x128xf32, #tpu.memory_space<vmem_shared>>
        tpu.wait_indirect_dma semaphore(%run_scoped3A_50 : memref<!tpu.dma_semaphore, #tpu.memory_space<semaphore_mem>>) src(%arg22 : memref<80x128xf32, #tpu.memory_space<vmem>>) dst(%dma_wait3A_351 : memref<10000x128xf32, #tpu.memory_space<vmem_shared>>)
        %add3A_352 = arith.addi %mul3A_53, %add3A_303 : i32
        %add3A_353 = arith.constant 2 : i32
        %add3A_354 = arith.addi %add3A_352, %add3A_353 : i32
        %dma_start3A_355 = arith.constant 0 : i32
        %dma_start3A_356 = arith.constant 0 : i32
        %dma_start3A_357 = tpu.memref_slice %arg3[%add3A_354, %dma_start3A_355, %dma_start3A_356] : memref<4000x3x80xi32, #tpu.memory_space<hbm>> -> memref<1x3x80xi32, #tpu.memory_space<hbm>>
        %dma_start3A_358 = tpu.memref_squeeze %dma_start3A_357 : memref<1x3x80xi32, #tpu.memory_space<hbm>> -> memref<3x80xi32, #tpu.memory_space<hbm>>
        %dma_start3A_359 = arith.constant 0 : i32
        %dma_start3A_360 = arith.constant 0 : i32
        %dma_start3A_361 = tpu.memref_slice %arg3[%add3A_354, %dma_start3A_359, %dma_start3A_360] : memref<4000x3x80xi32, #tpu.memory_space<hbm>> -> memref<1x3x80xi32, #tpu.memory_space<hbm>>
        %dma_start3A_362 = tpu.memref_squeeze %dma_start3A_361 : memref<1x3x80xi32, #tpu.memory_space<hbm>> -> memref<3x80xi32, #tpu.memory_space<hbm>>
        tpu.enqueue_dma source(%dma_start3A_362 : memref<3x80xi32, #tpu.memory_space<hbm>>) target(%arg9 : memref<3x80xi32, #tpu.memory_space<vmem>>) target_semaphore(%run_scoped3A_44 : memref<!tpu.dma_semaphore, #tpu.memory_space<semaphore_mem>>)
      }
      %scan3A_95 = arith.constant 41 : i32
      %add3A_96 = arith.constant 125 : i32
      %add3A_97 = arith.addi %mul3A_53, %add3A_96 : i32
      %sub3A = arith.constant 1 : i32
      %sub3A_98 = arith.subi %add3A_97, %sub3A : i32
      %dma_wait3A_99 = arith.constant 0 : i32
      %dma_wait3A_100 = arith.constant 0 : i32
      %dma_wait3A_101 = tpu.memref_slice %arg3[%sub3A_98, %dma_wait3A_99, %dma_wait3A_100] : memref<4000x3x80xi32, #tpu.memory_space<hbm>> -> memref<1x3x80xi32, #tpu.memory_space<hbm>>
      %dma_wait3A_102 = tpu.memref_squeeze %dma_wait3A_101 : memref<1x3x80xi32, #tpu.memory_space<hbm>> -> memref<3x80xi32, #tpu.memory_space<hbm>>
      %dma_wait3A_103 = arith.constant 0 : i32
      %dma_wait3A_104 = arith.constant 0 : i32
      %dma_wait3A_105 = tpu.memref_slice %arg3[%sub3A_98, %dma_wait3A_103, %dma_wait3A_104] : memref<4000x3x80xi32, #tpu.memory_space<hbm>> -> memref<1x3x80xi32, #tpu.memory_space<hbm>>
      %dma_wait3A_106 = tpu.memref_squeeze %dma_wait3A_105 : memref<1x3x80xi32, #tpu.memory_space<hbm>> -> memref<3x80xi32, #tpu.memory_space<hbm>>
      tpu.wait_dma2 semaphore(%run_scoped3A_44 : memref<!tpu.dma_semaphore, #tpu.memory_space<semaphore_mem>>) src(%dma_wait3A_106 : memref<3x80xi32, #tpu.memory_space<hbm>>) dst(%arg9 : memref<3x80xi32, #tpu.memory_space<vmem>>)
      %dma_start3A_107 = arith.constant 0 : i32
      %dma_start3A_108 = arith.constant 0 : i32
      %dma_start3A_109 = tpu.memref_slice %arg9[%dma_start3A_107, %dma_start3A_108] : memref<3x80xi32, #tpu.memory_space<vmem>> -> memref<1x80xi32, #tpu.memory_space<vmem>>
      %dma_start3A_110 = tpu.memref_squeeze %dma_start3A_109 : memref<1x80xi32, #tpu.memory_space<vmem>> -> memref<80xi32, #tpu.memory_space<vmem>>
      %dma_start3A_111 = arith.constant 0 : i32
      %dma_start3A_112 = arith.constant 0 : i32
      %dma_start3A_113 = tpu.memref_slice %arg2[%dma_start3A_111, %dma_start3A_112] : memref<200000x128xf32, #tpu.memory_space<hbm>> -> memref<200000x128xf32, #tpu.memory_space<hbm>>
      tpu.enqueue_indirect_dma source(%dma_start3A_113 : memref<200000x128xf32, #tpu.memory_space<hbm>>) target(%arg22 : memref<80x128xf32, #tpu.memory_space<vmem>>) offsets(%dma_start3A_110 : memref<80xi32, #tpu.memory_space<vmem>>) semaphore(%run_scoped3A_47 : memref<!tpu.dma_semaphore, #tpu.memory_space<semaphore_mem>>)
      %run_scoped3A_114 = arith.constant 1 : i32
      "tpu.region"() ({
        %run_scoped3A_174 = tpu.sem_alloc : memref<!tpu.dma_semaphore, #tpu.memory_space<semaphore_mem>>
        %dma_start3A_175 = arith.constant 0 : i32
        %dma_start3A_176 = tpu.memref_slice %arg9[%run_scoped3A_114, %dma_start3A_175] : memref<3x80xi32, #tpu.memory_space<vmem>> -> memref<1x80xi32, #tpu.memory_space<vmem>>
        %dma_start3A_177 = tpu.memref_squeeze %dma_start3A_176 : memref<1x80xi32, #tpu.memory_space<vmem>> -> memref<80xi32, #tpu.memory_space<vmem>>
        %dma_start3A_178 = arith.constant 0 : i32
        %dma_start3A_179 = tpu.memref_slice %arg6[%dma_start3A_178] : memref<200704xf32, #tpu.memory_space<vmem_shared>> -> memref<200704xf32, #tpu.memory_space<vmem_shared>>
        tpu.enqueue_indirect_dma source(%dma_start3A_179 : memref<200704xf32, #tpu.memory_space<vmem_shared>>) target(%arg17 : memref<80xf32, #tpu.memory_space<vmem>>) offsets(%dma_start3A_177 : memref<80xi32, #tpu.memory_space<vmem>>) semaphore(%run_scoped3A_174 : memref<!tpu.dma_semaphore, #tpu.memory_space<semaphore_mem>>)
        %dma_wait3A_180 = arith.constant 0 : i32
        %dma_wait3A_181 = tpu.memref_slice %arg9[%run_scoped3A_114, %dma_wait3A_180] : memref<3x80xi32, #tpu.memory_space<vmem>> -> memref<1x80xi32, #tpu.memory_space<vmem>>
        %dma_wait3A_182 = tpu.memref_squeeze %dma_wait3A_181 : memref<1x80xi32, #tpu.memory_space<vmem>> -> memref<80xi32, #tpu.memory_space<vmem>>
        %dma_wait3A_183 = arith.constant 0 : i32
        %dma_wait3A_184 = tpu.memref_slice %arg6[%dma_wait3A_183] : memref<200704xf32, #tpu.memory_space<vmem_shared>> -> memref<200704xf32, #tpu.memory_space<vmem_shared>>
        tpu.wait_indirect_dma semaphore(%run_scoped3A_174 : memref<!tpu.dma_semaphore, #tpu.memory_space<semaphore_mem>>) src(%dma_wait3A_184 : memref<200704xf32, #tpu.memory_space<vmem_shared>>) dst(%arg17 : memref<80xf32, #tpu.memory_space<vmem>>)
        tpu.yield
      }) : () -> ()
      %scan3A_115 = arith.constant 0 : i32
      %scan3A_116 = arith.constant 5 : i32
      %scan3A_117 = arith.addi %scan3A_115, %scan3A_116 : i32
      %scan3A_118 = arith.constant 1 : i32
      scf.for %scan3A_174 = %scan3A_115 to %scan3A_117 step %scan3A_118  : i32 {
        %mul3A_175 = arith.constant 16 : i32
        %mul3A_176 = arith.muli %scan3A_174, %mul3A_175 : i32
        %add3A_177 = arith.constant 0 : i32
        %add3A_178 = arith.addi %add3A_177, %mul3A_176 : i32
        %get3A = arith.index_cast %add3A_178 : i32 to index
        %get3A_179 = tpu.vector_load %arg17[%get3A] {strides = array<i32>} : memref<80xf32, #tpu.memory_space<vmem>>, vector<16xf32>,
        %max3A = arith.constant 1.000000e+00 : f32
        %max3A_180 = vector.broadcast %max3A : f32 to vector<16xf32>
        %max3A_181 = arith.maximumf %get3A_179, %max3A_180 : vector<16xf32>
        %div3A = arith.constant 1.000000e+00 : f32
        %div3A_182 = vector.broadcast %div3A : f32 to vector<16xf32>
        %div3A_183 = arith.divf %div3A_182, %max3A_181 : vector<16xf32>
        %swap3A = arith.index_cast %add3A_178 : i32 to index
        %swap3A_184 = tpu.vector_load %arg19[%swap3A] {strides = array<i32>} : memref<80xf32, #tpu.memory_space<vmem>>, vector<16xf32>,
        tpu.vector_store %arg19[%swap3A], %div3A_183 {strides = array<i32>} : memref<80xf32, #tpu.memory_space<vmem>>, vector<16xf32>,
      }
      %scan3A_119 = arith.constant 5 : i32
      %dma_wait3A_120 = arith.constant 0 : i32
      %dma_wait3A_121 = arith.constant 0 : i32
      %dma_wait3A_122 = tpu.memref_slice %arg8[%dma_wait3A_120, %dma_wait3A_121] : memref<3x80xi32, #tpu.memory_space<vmem>> -> memref<1x80xi32, #tpu.memory_space<vmem>>
      %dma_wait3A_123 = tpu.memref_squeeze %dma_wait3A_122 : memref<1x80xi32, #tpu.memory_space<vmem>> -> memref<80xi32, #tpu.memory_space<vmem>>
      %dma_wait3A_124 = arith.constant 0 : i32
      %dma_wait3A_125 = arith.constant 0 : i32
      %dma_wait3A_126 = tpu.memref_slice %arg2[%dma_wait3A_124, %dma_wait3A_125] : memref<200000x128xf32, #tpu.memory_space<hbm>> -> memref<200000x128xf32, #tpu.memory_space<hbm>>
      tpu.wait_indirect_dma semaphore(%run_scoped3A_46 : memref<!tpu.dma_semaphore, #tpu.memory_space<semaphore_mem>>) src(%dma_wait3A_126 : memref<200000x128xf32, #tpu.memory_space<hbm>>) dst(%arg21 : memref<80x128xf32, #tpu.memory_space<vmem>>)
      %parallel_loop3A = arith.constant 0 : i32
      %parallel_loop3A_127 = arith.constant 80 : i32
      %parallel_loop3A_128 = arith.constant 1 : i32
      scf.for %parallel_loop3A_174 = %parallel_loop3A to %parallel_loop3A_127 step %parallel_loop3A_128  : i32 {
        %parallel_loop3A_175 = arith.constant 0 : i32
        %parallel_loop3A_176 = vector.broadcast %parallel_loop3A_175 : i32 to vector<16xi32>
        %parallel_loop3A_177 = vector.broadcast %parallel_loop3A_174 : i32 to vector<16xi32>
        %parallel_loop3A_178 = arith.addi %parallel_loop3A_176, %parallel_loop3A_177 : vector<16xi32>
        %parallel_loop3A_179 = tpu.vector_load_idx %arg18[%parallel_loop3A_178] : memref<80xf32, #tpu.memory_space<vmem>>[vector<16xi32>], vector<16xf32>,
        %parallel_loop3A_180 = arith.index_cast %parallel_loop3A_174 : i32 to index
        %parallel_loop3A_181 = arith.constant 0 : index
        %parallel_loop3A_182 = tpu.vector_load %arg21[%parallel_loop3A_180, %parallel_loop3A_181] {strides = array<i32>} : memref<80x128xf32, #tpu.memory_space<vmem>>, vector<16xf32>,
        %parallel_loop3A_183 = arith.mulf %parallel_loop3A_182, %parallel_loop3A_179 : vector<16xf32>
        %parallel_loop3A_184 = arith.index_cast %parallel_loop3A_174 : i32 to index
        %parallel_loop3A_185 = arith.constant 0 : index
        %parallel_loop3A_186 = tpu.vector_load %arg21[%parallel_loop3A_184, %parallel_loop3A_185] {strides = array<i32>} : memref<80x128xf32, #tpu.memory_space<vmem>>, vector<16xf32>,
        tpu.vector_store %arg21[%parallel_loop3A_184, %parallel_loop3A_185], %parallel_loop3A_183 {strides = array<i32>} : memref<80x128xf32, #tpu.memory_space<vmem>>, vector<16xf32>,
        %parallel_loop3A_187 = arith.index_cast %parallel_loop3A_174 : i32 to index
        %parallel_loop3A_188 = arith.constant 16 : index
        %parallel_loop3A_189 = tpu.vector_load %arg21[%parallel_loop3A_187, %parallel_loop3A_188] {strides = array<i32>} : memref<80x128xf32, #tpu.memory_space<vmem>>, vector<16xf32>,
        %parallel_loop3A_190 = arith.mulf %parallel_loop3A_189, %parallel_loop3A_179 : vector<16xf32>
        %parallel_loop3A_191 = arith.index_cast %parallel_loop3A_174 : i32 to index
        %parallel_loop3A_192 = arith.constant 16 : index
        %parallel_loop3A_193 = tpu.vector_load %arg21[%parallel_loop3A_191, %parallel_loop3A_192] {strides = array<i32>} : memref<80x128xf32, #tpu.memory_space<vmem>>, vector<16xf32>,
        tpu.vector_store %arg21[%parallel_loop3A_191, %parallel_loop3A_192], %parallel_loop3A_190 {strides = array<i32>} : memref<80x128xf32, #tpu.memory_space<vmem>>, vector<16xf32>,
        %parallel_loop3A_194 = arith.index_cast %parallel_loop3A_174 : i32 to index
        %parallel_loop3A_195 = arith.constant 32 : index
        %parallel_loop3A_196 = tpu.vector_load %arg21[%parallel_loop3A_194, %parallel_loop3A_195] {strides = array<i32>} : memref<80x128xf32, #tpu.memory_space<vmem>>, vector<16xf32>,
        %parallel_loop3A_197 = arith.mulf %parallel_loop3A_196, %parallel_loop3A_179 : vector<16xf32>
        %parallel_loop3A_198 = arith.index_cast %parallel_loop3A_174 : i32 to index
        %parallel_loop3A_199 = arith.constant 32 : index
        %parallel_loop3A_200 = tpu.vector_load %arg21[%parallel_loop3A_198, %parallel_loop3A_199] {strides = array<i32>} : memref<80x128xf32, #tpu.memory_space<vmem>>, vector<16xf32>,
        tpu.vector_store %arg21[%parallel_loop3A_198, %parallel_loop3A_199], %parallel_loop3A_197 {strides = array<i32>} : memref<80x128xf32, #tpu.memory_space<vmem>>, vector<16xf32>,
        %parallel_loop3A_201 = arith.index_cast %parallel_loop3A_174 : i32 to index
        %parallel_loop3A_202 = arith.constant 48 : index
        %parallel_loop3A_203 = tpu.vector_load %arg21[%parallel_loop3A_201, %parallel_loop3A_202] {strides = array<i32>} : memref<80x128xf32, #tpu.memory_space<vmem>>, vector<16xf32>,
        %parallel_loop3A_204 = arith.mulf %parallel_loop3A_203, %parallel_loop3A_179 : vector<16xf32>
        %parallel_loop3A_205 = arith.index_cast %parallel_loop3A_174 : i32 to index
        %parallel_loop3A_206 = arith.constant 48 : index
        %parallel_loop3A_207 = tpu.vector_load %arg21[%parallel_loop3A_205, %parallel_loop3A_206] {strides = array<i32>} : memref<80x128xf32, #tpu.memory_space<vmem>>, vector<16xf32>,
        tpu.vector_store %arg21[%parallel_loop3A_205, %parallel_loop3A_206], %parallel_loop3A_204 {strides = array<i32>} : memref<80x128xf32, #tpu.memory_space<vmem>>, vector<16xf32>,
        %parallel_loop3A_208 = arith.index_cast %parallel_loop3A_174 : i32 to index
        %parallel_loop3A_209 = arith.constant 64 : index
        %parallel_loop3A_210 = tpu.vector_load %arg21[%parallel_loop3A_208, %parallel_loop3A_209] {strides = array<i32>} : memref<80x128xf32, #tpu.memory_space<vmem>>, vector<16xf32>,
        %parallel_loop3A_211 = arith.mulf %parallel_loop3A_210, %parallel_loop3A_179 : vector<16xf32>
        %parallel_loop3A_212 = arith.index_cast %parallel_loop3A_174 : i32 to index
        %parallel_loop3A_213 = arith.constant 64 : index
        %parallel_loop3A_214 = tpu.vector_load %arg21[%parallel_loop3A_212, %parallel_loop3A_213] {strides = array<i32>} : memref<80x128xf32, #tpu.memory_space<vmem>>, vector<16xf32>,
        tpu.vector_store %arg21[%parallel_loop3A_212, %parallel_loop3A_213], %parallel_loop3A_211 {strides = array<i32>} : memref<80x128xf32, #tpu.memory_space<vmem>>, vector<16xf32>,
        %parallel_loop3A_215 = arith.index_cast %parallel_loop3A_174 : i32 to index
        %parallel_loop3A_216 = arith.constant 80 : index
        %parallel_loop3A_217 = tpu.vector_load %arg21[%parallel_loop3A_215, %parallel_loop3A_216] {strides = array<i32>} : memref<80x128xf32, #tpu.memory_space<vmem>>, vector<16xf32>,
        %parallel_loop3A_218 = arith.mulf %parallel_loop3A_217, %parallel_loop3A_179 : vector<16xf32>
        %parallel_loop3A_219 = arith.index_cast %parallel_loop3A_174 : i32 to index
        %parallel_loop3A_220 = arith.constant 80 : index
        %parallel_loop3A_221 = tpu.vector_load %arg21[%parallel_loop3A_219, %parallel_loop3A_220] {strides = array<i32>} : memref<80x128xf32, #tpu.memory_space<vmem>>, vector<16xf32>,
        tpu.vector_store %arg21[%parallel_loop3A_219, %parallel_loop3A_220], %parallel_loop3A_218 {strides = array<i32>} : memref<80x128xf32, #tpu.memory_space<vmem>>, vector<16xf32>,
        %parallel_loop3A_222 = arith.index_cast %parallel_loop3A_174 : i32 to index
        %parallel_loop3A_223 = arith.constant 96 : index
        %parallel_loop3A_224 = tpu.vector_load %arg21[%parallel_loop3A_222, %parallel_loop3A_223] {strides = array<i32>} : memref<80x128xf32, #tpu.memory_space<vmem>>, vector<16xf32>,
        %parallel_loop3A_225 = arith.mulf %parallel_loop3A_224, %parallel_loop3A_179 : vector<16xf32>
        %parallel_loop3A_226 = arith.index_cast %parallel_loop3A_174 : i32 to index
        %parallel_loop3A_227 = arith.constant 96 : index
        %parallel_loop3A_228 = tpu.vector_load %arg21[%parallel_loop3A_226, %parallel_loop3A_227] {strides = array<i32>} : memref<80x128xf32, #tpu.memory_space<vmem>>, vector<16xf32>,
        tpu.vector_store %arg21[%parallel_loop3A_226, %parallel_loop3A_227], %parallel_loop3A_225 {strides = array<i32>} : memref<80x128xf32, #tpu.memory_space<vmem>>, vector<16xf32>,
        %parallel_loop3A_229 = arith.index_cast %parallel_loop3A_174 : i32 to index
        %parallel_loop3A_230 = arith.constant 112 : index
        %parallel_loop3A_231 = tpu.vector_load %arg21[%parallel_loop3A_229, %parallel_loop3A_230] {strides = array<i32>} : memref<80x128xf32, #tpu.memory_space<vmem>>, vector<16xf32>,
        %parallel_loop3A_232 = arith.mulf %parallel_loop3A_231, %parallel_loop3A_179 : vector<16xf32>
        %parallel_loop3A_233 = arith.index_cast %parallel_loop3A_174 : i32 to index
        %parallel_loop3A_234 = arith.constant 112 : index
        %parallel_loop3A_235 = tpu.vector_load %arg21[%parallel_loop3A_233, %parallel_loop3A_234] {strides = array<i32>} : memref<80x128xf32, #tpu.memory_space<vmem>>, vector<16xf32>,
        tpu.vector_store %arg21[%parallel_loop3A_233, %parallel_loop3A_234], %parallel_loop3A_232 {strides = array<i32>} : memref<80x128xf32, #tpu.memory_space<vmem>>, vector<16xf32>,
      } {sc.loop_unroll_factor = 4 : i64, sc.parallel_access}
      %dma_start3A_129 = arith.constant 2 : i32
      %dma_start3A_130 = arith.constant 0 : i32
      %dma_start3A_131 = tpu.memref_slice %arg8[%dma_start3A_129, %dma_start3A_130] : memref<3x80xi32, #tpu.memory_space<vmem>> -> memref<1x80xi32, #tpu.memory_space<vmem>>
      %dma_start3A_132 = tpu.memref_squeeze %dma_start3A_131 : memref<1x80xi32, #tpu.memory_space<vmem>> -> memref<80xi32, #tpu.memory_space<vmem>>
      %dma_start3A_133 = arith.constant 0 : i32
      %dma_start3A_134 = arith.constant 0 : i32
      %dma_start3A_135 = tpu.memref_slice %arg7[%dma_start3A_133, %dma_start3A_134] : memref<10000x128xf32, #tpu.memory_space<vmem_shared>> -> memref<10000x128xf32, #tpu.memory_space<vmem_shared>>
      tpu.enqueue_indirect_dma source(%arg21 : memref<80x128xf32, #tpu.memory_space<vmem>>) target(%dma_start3A_135 : memref<10000x128xf32, #tpu.memory_space<vmem_shared>>) offsets(%dma_start3A_132 : memref<80xi32, #tpu.memory_space<vmem>>) semaphore(%run_scoped3A_49 : memref<!tpu.dma_semaphore, #tpu.memory_space<semaphore_mem>>) {add = true}
      %dma_wait3A_136 = arith.constant 2 : i32
      %dma_wait3A_137 = arith.constant 0 : i32
      %dma_wait3A_138 = tpu.memref_slice %arg10[%dma_wait3A_136, %dma_wait3A_137] : memref<3x80xi32, #tpu.memory_space<vmem>> -> memref<1x80xi32, #tpu.memory_space<vmem>>
      %dma_wait3A_139 = tpu.memref_squeeze %dma_wait3A_138 : memref<1x80xi32, #tpu.memory_space<vmem>> -> memref<80xi32, #tpu.memory_space<vmem>>
      %dma_wait3A_140 = arith.constant 0 : i32
      %dma_wait3A_141 = arith.constant 0 : i32
      %dma_wait3A_142 = tpu.memref_slice %arg7[%dma_wait3A_140, %dma_wait3A_141] : memref<10000x128xf32, #tpu.memory_space<vmem_shared>> -> memref<10000x128xf32, #tpu.memory_space<vmem_shared>>
      tpu.wait_indirect_dma semaphore(%run_scoped3A_51 : memref<!tpu.dma_semaphore, #tpu.memory_space<semaphore_mem>>) src(%arg23 : memref<80x128xf32, #tpu.memory_space<vmem>>) dst(%dma_wait3A_142 : memref<10000x128xf32, #tpu.memory_space<vmem_shared>>)
      %dma_wait3A_143 = arith.constant 0 : i32
      %dma_wait3A_144 = arith.constant 0 : i32
      %dma_wait3A_145 = tpu.memref_slice %arg9[%dma_wait3A_143, %dma_wait3A_144] : memref<3x80xi32, #tpu.memory_space<vmem>> -> memref<1x80xi32, #tpu.memory_space<vmem>>
      %dma_wait3A_146 = tpu.memref_squeeze %dma_wait3A_145 : memref<1x80xi32, #tpu.memory_space<vmem>> -> memref<80xi32, #tpu.memory_space<vmem>>
      %dma_wait3A_147 = arith.constant 0 : i32
      %dma_wait3A_148 = arith.constant 0 : i32
      %dma_wait3A_149 = tpu.memref_slice %arg2[%dma_wait3A_147, %dma_wait3A_148] : memref<200000x128xf32, #tpu.memory_space<hbm>> -> memref<200000x128xf32, #tpu.memory_space<hbm>>
      tpu.wait_indirect_dma semaphore(%run_scoped3A_47 : memref<!tpu.dma_semaphore, #tpu.memory_space<semaphore_mem>>) src(%dma_wait3A_149 : memref<200000x128xf32, #tpu.memory_space<hbm>>) dst(%arg22 : memref<80x128xf32, #tpu.memory_space<vmem>>)
      %parallel_loop3A_150 = arith.constant 0 : i32
      %parallel_loop3A_151 = arith.constant 80 : i32
      %parallel_loop3A_152 = arith.constant 1 : i32
      scf.for %parallel_loop3A_174 = %parallel_loop3A_150 to %parallel_loop3A_151 step %parallel_loop3A_152  : i32 {
        %parallel_loop3A_175 = arith.constant 0 : i32
        %parallel_loop3A_176 = vector.broadcast %parallel_loop3A_175 : i32 to vector<16xi32>
        %parallel_loop3A_177 = vector.broadcast %parallel_loop3A_174 : i32 to vector<16xi32>
        %parallel_loop3A_178 = arith.addi %parallel_loop3A_176, %parallel_loop3A_177 : vector<16xi32>
        %parallel_loop3A_179 = tpu.vector_load_idx %arg19[%parallel_loop3A_178] : memref<80xf32, #tpu.memory_space<vmem>>[vector<16xi32>], vector<16xf32>,
        %parallel_loop3A_180 = arith.index_cast %parallel_loop3A_174 : i32 to index
        %parallel_loop3A_181 = arith.constant 0 : index
        %parallel_loop3A_182 = tpu.vector_load %arg22[%parallel_loop3A_180, %parallel_loop3A_181] {strides = array<i32>} : memref<80x128xf32, #tpu.memory_space<vmem>>, vector<16xf32>,
        %parallel_loop3A_183 = arith.mulf %parallel_loop3A_182, %parallel_loop3A_179 : vector<16xf32>
        %parallel_loop3A_184 = arith.index_cast %parallel_loop3A_174 : i32 to index
        %parallel_loop3A_185 = arith.constant 0 : index
        %parallel_loop3A_186 = tpu.vector_load %arg22[%parallel_loop3A_184, %parallel_loop3A_185] {strides = array<i32>} : memref<80x128xf32, #tpu.memory_space<vmem>>, vector<16xf32>,
        tpu.vector_store %arg22[%parallel_loop3A_184, %parallel_loop3A_185], %parallel_loop3A_183 {strides = array<i32>} : memref<80x128xf32, #tpu.memory_space<vmem>>, vector<16xf32>,
        %parallel_loop3A_187 = arith.index_cast %parallel_loop3A_174 : i32 to index
        %parallel_loop3A_188 = arith.constant 16 : index
        %parallel_loop3A_189 = tpu.vector_load %arg22[%parallel_loop3A_187, %parallel_loop3A_188] {strides = array<i32>} : memref<80x128xf32, #tpu.memory_space<vmem>>, vector<16xf32>,
        %parallel_loop3A_190 = arith.mulf %parallel_loop3A_189, %parallel_loop3A_179 : vector<16xf32>
        %parallel_loop3A_191 = arith.index_cast %parallel_loop3A_174 : i32 to index
        %parallel_loop3A_192 = arith.constant 16 : index
        %parallel_loop3A_193 = tpu.vector_load %arg22[%parallel_loop3A_191, %parallel_loop3A_192] {strides = array<i32>} : memref<80x128xf32, #tpu.memory_space<vmem>>, vector<16xf32>,
        tpu.vector_store %arg22[%parallel_loop3A_191, %parallel_loop3A_192], %parallel_loop3A_190 {strides = array<i32>} : memref<80x128xf32, #tpu.memory_space<vmem>>, vector<16xf32>,
        %parallel_loop3A_194 = arith.index_cast %parallel_loop3A_174 : i32 to index
        %parallel_loop3A_195 = arith.constant 32 : index
        %parallel_loop3A_196 = tpu.vector_load %arg22[%parallel_loop3A_194, %parallel_loop3A_195] {strides = array<i32>} : memref<80x128xf32, #tpu.memory_space<vmem>>, vector<16xf32>,
        %parallel_loop3A_197 = arith.mulf %parallel_loop3A_196, %parallel_loop3A_179 : vector<16xf32>
        %parallel_loop3A_198 = arith.index_cast %parallel_loop3A_174 : i32 to index
        %parallel_loop3A_199 = arith.constant 32 : index
        %parallel_loop3A_200 = tpu.vector_load %arg22[%parallel_loop3A_198, %parallel_loop3A_199] {strides = array<i32>} : memref<80x128xf32, #tpu.memory_space<vmem>>, vector<16xf32>,
        tpu.vector_store %arg22[%parallel_loop3A_198, %parallel_loop3A_199], %parallel_loop3A_197 {strides = array<i32>} : memref<80x128xf32, #tpu.memory_space<vmem>>, vector<16xf32>,
        %parallel_loop3A_201 = arith.index_cast %parallel_loop3A_174 : i32 to index
        %parallel_loop3A_202 = arith.constant 48 : index
        %parallel_loop3A_203 = tpu.vector_load %arg22[%parallel_loop3A_201, %parallel_loop3A_202] {strides = array<i32>} : memref<80x128xf32, #tpu.memory_space<vmem>>, vector<16xf32>,
        %parallel_loop3A_204 = arith.mulf %parallel_loop3A_203, %parallel_loop3A_179 : vector<16xf32>
        %parallel_loop3A_205 = arith.index_cast %parallel_loop3A_174 : i32 to index
        %parallel_loop3A_206 = arith.constant 48 : index
        %parallel_loop3A_207 = tpu.vector_load %arg22[%parallel_loop3A_205, %parallel_loop3A_206] {strides = array<i32>} : memref<80x128xf32, #tpu.memory_space<vmem>>, vector<16xf32>,
        tpu.vector_store %arg22[%parallel_loop3A_205, %parallel_loop3A_206], %parallel_loop3A_204 {strides = array<i32>} : memref<80x128xf32, #tpu.memory_space<vmem>>, vector<16xf32>,
        %parallel_loop3A_208 = arith.index_cast %parallel_loop3A_174 : i32 to index
        %parallel_loop3A_209 = arith.constant 64 : index
        %parallel_loop3A_210 = tpu.vector_load %arg22[%parallel_loop3A_208, %parallel_loop3A_209] {strides = array<i32>} : memref<80x128xf32, #tpu.memory_space<vmem>>, vector<16xf32>,
        %parallel_loop3A_211 = arith.mulf %parallel_loop3A_210, %parallel_loop3A_179 : vector<16xf32>
        %parallel_loop3A_212 = arith.index_cast %parallel_loop3A_174 : i32 to index
        %parallel_loop3A_213 = arith.constant 64 : index
        %parallel_loop3A_214 = tpu.vector_load %arg22[%parallel_loop3A_212, %parallel_loop3A_213] {strides = array<i32>} : memref<80x128xf32, #tpu.memory_space<vmem>>, vector<16xf32>,
        tpu.vector_store %arg22[%parallel_loop3A_212, %parallel_loop3A_213], %parallel_loop3A_211 {strides = array<i32>} : memref<80x128xf32, #tpu.memory_space<vmem>>, vector<16xf32>,
        %parallel_loop3A_215 = arith.index_cast %parallel_loop3A_174 : i32 to index
        %parallel_loop3A_216 = arith.constant 80 : index
        %parallel_loop3A_217 = tpu.vector_load %arg22[%parallel_loop3A_215, %parallel_loop3A_216] {strides = array<i32>} : memref<80x128xf32, #tpu.memory_space<vmem>>, vector<16xf32>,
        %parallel_loop3A_218 = arith.mulf %parallel_loop3A_217, %parallel_loop3A_179 : vector<16xf32>
        %parallel_loop3A_219 = arith.index_cast %parallel_loop3A_174 : i32 to index
        %parallel_loop3A_220 = arith.constant 80 : index
        %parallel_loop3A_221 = tpu.vector_load %arg22[%parallel_loop3A_219, %parallel_loop3A_220] {strides = array<i32>} : memref<80x128xf32, #tpu.memory_space<vmem>>, vector<16xf32>,
        tpu.vector_store %arg22[%parallel_loop3A_219, %parallel_loop3A_220], %parallel_loop3A_218 {strides = array<i32>} : memref<80x128xf32, #tpu.memory_space<vmem>>, vector<16xf32>,
        %parallel_loop3A_222 = arith.index_cast %parallel_loop3A_174 : i32 to index
        %parallel_loop3A_223 = arith.constant 96 : index
        %parallel_loop3A_224 = tpu.vector_load %arg22[%parallel_loop3A_222, %parallel_loop3A_223] {strides = array<i32>} : memref<80x128xf32, #tpu.memory_space<vmem>>, vector<16xf32>,
        %parallel_loop3A_225 = arith.mulf %parallel_loop3A_224, %parallel_loop3A_179 : vector<16xf32>
        %parallel_loop3A_226 = arith.index_cast %parallel_loop3A_174 : i32 to index
        %parallel_loop3A_227 = arith.constant 96 : index
        %parallel_loop3A_228 = tpu.vector_load %arg22[%parallel_loop3A_226, %parallel_loop3A_227] {strides = array<i32>} : memref<80x128xf32, #tpu.memory_space<vmem>>, vector<16xf32>,
        tpu.vector_store %arg22[%parallel_loop3A_226, %parallel_loop3A_227], %parallel_loop3A_225 {strides = array<i32>} : memref<80x128xf32, #tpu.memory_space<vmem>>, vector<16xf32>,
        %parallel_loop3A_229 = arith.index_cast %parallel_loop3A_174 : i32 to index
        %parallel_loop3A_230 = arith.constant 112 : index
        %parallel_loop3A_231 = tpu.vector_load %arg22[%parallel_loop3A_229, %parallel_loop3A_230] {strides = array<i32>} : memref<80x128xf32, #tpu.memory_space<vmem>>, vector<16xf32>,
        %parallel_loop3A_232 = arith.mulf %parallel_loop3A_231, %parallel_loop3A_179 : vector<16xf32>
        %parallel_loop3A_233 = arith.index_cast %parallel_loop3A_174 : i32 to index
        %parallel_loop3A_234 = arith.constant 112 : index
        %parallel_loop3A_235 = tpu.vector_load %arg22[%parallel_loop3A_233, %parallel_loop3A_234] {strides = array<i32>} : memref<80x128xf32, #tpu.memory_space<vmem>>, vector<16xf32>,
        tpu.vector_store %arg22[%parallel_loop3A_233, %parallel_loop3A_234], %parallel_loop3A_232 {strides = array<i32>} : memref<80x128xf32, #tpu.memory_space<vmem>>, vector<16xf32>,
      } {sc.loop_unroll_factor = 4 : i64, sc.parallel_access}
      %dma_start3A_153 = arith.constant 2 : i32
      %dma_start3A_154 = arith.constant 0 : i32
      %dma_start3A_155 = tpu.memref_slice %arg9[%dma_start3A_153, %dma_start3A_154] : memref<3x80xi32, #tpu.memory_space<vmem>> -> memref<1x80xi32, #tpu.memory_space<vmem>>
      %dma_start3A_156 = tpu.memref_squeeze %dma_start3A_155 : memref<1x80xi32, #tpu.memory_space<vmem>> -> memref<80xi32, #tpu.memory_space<vmem>>
      %dma_start3A_157 = arith.constant 0 : i32
      %dma_start3A_158 = arith.constant 0 : i32
      %dma_start3A_159 = tpu.memref_slice %arg7[%dma_start3A_157, %dma_start3A_158] : memref<10000x128xf32, #tpu.memory_space<vmem_shared>> -> memref<10000x128xf32, #tpu.memory_space<vmem_shared>>
      tpu.enqueue_indirect_dma source(%arg22 : memref<80x128xf32, #tpu.memory_space<vmem>>) target(%dma_start3A_159 : memref<10000x128xf32, #tpu.memory_space<vmem_shared>>) offsets(%dma_start3A_156 : memref<80xi32, #tpu.memory_space<vmem>>) semaphore(%run_scoped3A_50 : memref<!tpu.dma_semaphore, #tpu.memory_space<semaphore_mem>>) {add = true}
      %dma_wait3A_160 = arith.constant 2 : i32
      %dma_wait3A_161 = arith.constant 0 : i32
      %dma_wait3A_162 = tpu.memref_slice %arg8[%dma_wait3A_160, %dma_wait3A_161] : memref<3x80xi32, #tpu.memory_space<vmem>> -> memref<1x80xi32, #tpu.memory_space<vmem>>
      %dma_wait3A_163 = tpu.memref_squeeze %dma_wait3A_162 : memref<1x80xi32, #tpu.memory_space<vmem>> -> memref<80xi32, #tpu.memory_space<vmem>>
      %dma_wait3A_164 = arith.constant 0 : i32
      %dma_wait3A_165 = arith.constant 0 : i32
      %dma_wait3A_166 = tpu.memref_slice %arg7[%dma_wait3A_164, %dma_wait3A_165] : memref<10000x128xf32, #tpu.memory_space<vmem_shared>> -> memref<10000x128xf32, #tpu.memory_space<vmem_shared>>
      tpu.wait_indirect_dma semaphore(%run_scoped3A_49 : memref<!tpu.dma_semaphore, #tpu.memory_space<semaphore_mem>>) src(%arg21 : memref<80x128xf32, #tpu.memory_space<vmem>>) dst(%dma_wait3A_166 : memref<10000x128xf32, #tpu.memory_space<vmem_shared>>)
      %dma_wait3A_167 = arith.constant 2 : i32
      %dma_wait3A_168 = arith.constant 0 : i32
      %dma_wait3A_169 = tpu.memref_slice %arg9[%dma_wait3A_167, %dma_wait3A_168] : memref<3x80xi32, #tpu.memory_space<vmem>> -> memref<1x80xi32, #tpu.memory_space<vmem>>
      %dma_wait3A_170 = tpu.memref_squeeze %dma_wait3A_169 : memref<1x80xi32, #tpu.memory_space<vmem>> -> memref<80xi32, #tpu.memory_space<vmem>>
      %dma_wait3A_171 = arith.constant 0 : i32
      %dma_wait3A_172 = arith.constant 0 : i32
      %dma_wait3A_173 = tpu.memref_slice %arg7[%dma_wait3A_171, %dma_wait3A_172] : memref<10000x128xf32, #tpu.memory_space<vmem_shared>> -> memref<10000x128xf32, #tpu.memory_space<vmem_shared>>
      tpu.wait_indirect_dma semaphore(%run_scoped3A_50 : memref<!tpu.dma_semaphore, #tpu.memory_space<semaphore_mem>>) src(%arg22 : memref<80x128xf32, #tpu.memory_space<vmem>>) dst(%dma_wait3A_173 : memref<10000x128xf32, #tpu.memory_space<vmem_shared>>)
      tpu.yield
    }) : () -> ()
    %barrier3A_38 = arith.constant 0 : index
    tpu.barrier barrier_id(%barrier3A_38)
    %scan3A_39 = arith.constant 0 : i32
    %scan3A_40 = arith.constant 8 : i32
    %scan3A_41 = arith.addi %scan3A_39, %scan3A_40 : i32
    %scan3A_42 = arith.constant 1 : i32
    scf.for %scan3A_44 = %scan3A_39 to %scan3A_41 step %scan3A_42  : i32 {
      %mul3A_45 = arith.constant 1 : i32
      %mul3A_46 = arith.muli %scan3A_44, %mul3A_45 : i32
      %add3A_47 = arith.constant 0 : i32
      %add3A_48 = arith.addi %add3A_47, %mul3A_46 : i32
      %mul3A_49 = arith.constant 16 : i32
      %mul3A_50 = arith.muli %mul3A_49, %add3A_48 : i32
      %add3A_51 = arith.addi %arg1, %mul3A_50 : i32
      %lt3A = arith.constant 125 : i32
      %lt3A_52 = arith.cmpi slt, %add3A_51, %lt3A : i32
      %convert_element_type3A = arith.extui %lt3A_52 : i1 to i32
      %cond3A = arith.constant 0 : i32
      %cond3A_53 = arith.cmpi ne, %convert_element_type3A, %cond3A : i32
      scf.if %cond3A_53 {
        %mul3A_54 = arith.constant 80 : i32
        %mul3A_55 = arith.muli %add3A_51, %mul3A_54 : i32
        %mul3A_56 = arith.constant 80 : i32
        %mul3A_57 = arith.muli %add3A_51, %mul3A_56 : i32
        "tpu.region"() ({
          %run_scoped3A = tpu.sem_alloc : memref<!tpu.dma_semaphore, #tpu.memory_space<semaphore_mem>>
          %dma_start3A = arith.constant 0 : i32
          %dma_start3A_58 = tpu.memref_slice %arg5[%arg0, %mul3A_57, %dma_start3A] : memref<2x10000x128xf32, #tpu.memory_space<hbm>> -> memref<1x80x128xf32, #tpu.memory_space<hbm>>
          %dma_start3A_59 = tpu.memref_squeeze %dma_start3A_58 : memref<1x80x128xf32, #tpu.memory_space<hbm>> -> memref<80x128xf32, #tpu.memory_space<hbm>>
          %dma_start3A_60 = arith.constant 0 : i32
          %dma_start3A_61 = tpu.memref_slice %arg7[%mul3A_55, %dma_start3A_60] : memref<10000x128xf32, #tpu.memory_space<vmem_shared>> -> memref<80x128xf32, #tpu.memory_space<vmem_shared>>
          tpu.enqueue_dma source(%dma_start3A_61 : memref<80x128xf32, #tpu.memory_space<vmem_shared>>) target(%dma_start3A_59 : memref<80x128xf32, #tpu.memory_space<hbm>>) target_semaphore(%run_scoped3A : memref<!tpu.dma_semaphore, #tpu.memory_space<semaphore_mem>>)
          %dma_wait3A = arith.constant 0 : i32
          %dma_wait3A_62 = tpu.memref_slice %arg5[%arg0, %mul3A_57, %dma_wait3A] : memref<2x10000x128xf32, #tpu.memory_space<hbm>> -> memref<1x80x128xf32, #tpu.memory_space<hbm>>
          %dma_wait3A_63 = tpu.memref_squeeze %dma_wait3A_62 : memref<1x80x128xf32, #tpu.memory_space<hbm>> -> memref<80x128xf32, #tpu.memory_space<hbm>>
          %dma_wait3A_64 = arith.constant 0 : i32
          %dma_wait3A_65 = tpu.memref_slice %arg7[%mul3A_55, %dma_wait3A_64] : memref<10000x128xf32, #tpu.memory_space<vmem_shared>> -> memref<80x128xf32, #tpu.memory_space<vmem_shared>>
          tpu.wait_dma2 semaphore(%run_scoped3A : memref<!tpu.dma_semaphore, #tpu.memory_space<semaphore_mem>>) src(%dma_wait3A_65 : memref<80x128xf32, #tpu.memory_space<vmem_shared>>) dst(%dma_wait3A_63 : memref<80x128xf32, #tpu.memory_space<hbm>>)
          tpu.yield
        }) : () -> ()
      } else {
      }
    }
    %scan3A_43 = arith.constant 8 : i32
    return
  }
}

module attributes {stable_mosaic.version = 14 : i64} {
  func.func @_tc_transform_body(%arg0: i32, %arg1: i32, %arg2: memref<20x10xf32, #tpu.memory_space<smem>>, %arg3: memref<10x128x128xf32, #tpu.memory_space<vmem>>, %arg4: memref<2000x128xf32, #tpu.memory_space<vmem>>, %arg5: memref<128x128xf32, #tpu.memory_space<vmem>>, %arg6: memref<1x128xf32, #tpu.memory_space<vmem>>, %arg7: memref<2000x128xf32, #tpu.memory_space<vmem>>, %arg8: memref<2000x128xf32, #tpu.memory_space<vmem>>) attributes {dimension_semantics = [#tpu.dimension_semantics<arbitrary>, #tpu.dimension_semantics<arbitrary>], iteration_bounds = array<i64: 5, 20>, scalar_prefetch = 0 : i64, scratch_operands = 0 : i64, tpu.core_type = #tpu.core_type<tc>, window_params = [{transform_indices = @transform_0, window_bounds = array<i64: 20, 10>}, {pipeline_mode = #tpu.pipeline_mode<synchronous>, transform_indices = @transform_1, window_bounds = array<i64: 10, 128, 128>}, {transform_indices = @transform_2, window_bounds = array<i64: 2000, 128>}, {pipeline_mode = #tpu.pipeline_mode<synchronous>, transform_indices = @transform_3, window_bounds = array<i64: 128, 128>}, {pipeline_mode = #tpu.pipeline_mode<synchronous>, transform_indices = @transform_4, window_bounds = array<i64: 1, 128>}, {transform_indices = @transform_5, window_bounds = array<i64: 2000, 128>}, {transform_indices = @transform_6, window_bounds = array<i64: 2000, 128>}]} {
    %get3A = arith.constant 0 : index
    %get3A_0 = arith.constant 0 : index
    %get3A_1 = arith.constant 0 : index
    %get3A_2 = vector.load %arg3[%get3A, %get3A_0, %get3A_1] : memref<10x128x128xf32, #tpu.memory_space<vmem>>, vector<10x128x128xf32>
    %get3A_3 = arith.index_cast %arg1 : i32 to index
    %get3A_4 = arith.constant 0 : index
    %get3A_5 = memref.load %arg2[%get3A_3, %get3A_4] : memref<20x10xf32, #tpu.memory_space<smem>>
    %slice3A = vector.extract_strided_slice %get3A_2 {offsets = [0, 0, 0], sizes = [1, 128, 128], strides = [1, 1, 1]} : vector<10x128x128xf32> to vector<1x128x128xf32>
    %squeeze3A = vector.shape_cast %slice3A : vector<1x128x128xf32> to vector<128x128xf32>
    %mul3A = vector.broadcast %get3A_5 : f32 to vector<128x128xf32>
    %mul3A_6 = arith.mulf %mul3A, %squeeze3A : vector<128x128xf32>
    %get3A_7 = arith.index_cast %arg1 : i32 to index
    %get3A_8 = arith.constant 1 : index
    %get3A_9 = memref.load %arg2[%get3A_7, %get3A_8] : memref<20x10xf32, #tpu.memory_space<smem>>
    %slice3A_10 = vector.extract_strided_slice %get3A_2 {offsets = [1, 0, 0], sizes = [1, 128, 128], strides = [1, 1, 1]} : vector<10x128x128xf32> to vector<1x128x128xf32>
    %squeeze3A_11 = vector.shape_cast %slice3A_10 : vector<1x128x128xf32> to vector<128x128xf32>
    %mul3A_12 = vector.broadcast %get3A_9 : f32 to vector<128x128xf32>
    %mul3A_13 = arith.mulf %mul3A_12, %squeeze3A_11 : vector<128x128xf32>
    %add3A = arith.addf %mul3A_6, %mul3A_13 : vector<128x128xf32>
    %get3A_14 = arith.index_cast %arg1 : i32 to index
    %get3A_15 = arith.constant 2 : index
    %get3A_16 = memref.load %arg2[%get3A_14, %get3A_15] : memref<20x10xf32, #tpu.memory_space<smem>>
    %slice3A_17 = vector.extract_strided_slice %get3A_2 {offsets = [2, 0, 0], sizes = [1, 128, 128], strides = [1, 1, 1]} : vector<10x128x128xf32> to vector<1x128x128xf32>
    %squeeze3A_18 = vector.shape_cast %slice3A_17 : vector<1x128x128xf32> to vector<128x128xf32>
    %mul3A_19 = vector.broadcast %get3A_16 : f32 to vector<128x128xf32>
    %mul3A_20 = arith.mulf %mul3A_19, %squeeze3A_18 : vector<128x128xf32>
    %add3A_21 = arith.addf %add3A, %mul3A_20 : vector<128x128xf32>
    %get3A_22 = arith.index_cast %arg1 : i32 to index
    %get3A_23 = arith.constant 3 : index
    %get3A_24 = memref.load %arg2[%get3A_22, %get3A_23] : memref<20x10xf32, #tpu.memory_space<smem>>
    %slice3A_25 = vector.extract_strided_slice %get3A_2 {offsets = [3, 0, 0], sizes = [1, 128, 128], strides = [1, 1, 1]} : vector<10x128x128xf32> to vector<1x128x128xf32>
    %squeeze3A_26 = vector.shape_cast %slice3A_25 : vector<1x128x128xf32> to vector<128x128xf32>
    %mul3A_27 = vector.broadcast %get3A_24 : f32 to vector<128x128xf32>
    %mul3A_28 = arith.mulf %mul3A_27, %squeeze3A_26 : vector<128x128xf32>
    %add3A_29 = arith.addf %add3A_21, %mul3A_28 : vector<128x128xf32>
    %get3A_30 = arith.index_cast %arg1 : i32 to index
    %get3A_31 = arith.constant 4 : index
    %get3A_32 = memref.load %arg2[%get3A_30, %get3A_31] : memref<20x10xf32, #tpu.memory_space<smem>>
    %slice3A_33 = vector.extract_strided_slice %get3A_2 {offsets = [4, 0, 0], sizes = [1, 128, 128], strides = [1, 1, 1]} : vector<10x128x128xf32> to vector<1x128x128xf32>
    %squeeze3A_34 = vector.shape_cast %slice3A_33 : vector<1x128x128xf32> to vector<128x128xf32>
    %mul3A_35 = vector.broadcast %get3A_32 : f32 to vector<128x128xf32>
    %mul3A_36 = arith.mulf %mul3A_35, %squeeze3A_34 : vector<128x128xf32>
    %add3A_37 = arith.addf %add3A_29, %mul3A_36 : vector<128x128xf32>
    %get3A_38 = arith.index_cast %arg1 : i32 to index
    %get3A_39 = arith.constant 5 : index
    %get3A_40 = memref.load %arg2[%get3A_38, %get3A_39] : memref<20x10xf32, #tpu.memory_space<smem>>
    %slice3A_41 = vector.extract_strided_slice %get3A_2 {offsets = [5, 0, 0], sizes = [1, 128, 128], strides = [1, 1, 1]} : vector<10x128x128xf32> to vector<1x128x128xf32>
    %squeeze3A_42 = vector.shape_cast %slice3A_41 : vector<1x128x128xf32> to vector<128x128xf32>
    %mul3A_43 = vector.broadcast %get3A_40 : f32 to vector<128x128xf32>
    %mul3A_44 = arith.mulf %mul3A_43, %squeeze3A_42 : vector<128x128xf32>
    %add3A_45 = arith.addf %add3A_37, %mul3A_44 : vector<128x128xf32>
    %get3A_46 = arith.index_cast %arg1 : i32 to index
    %get3A_47 = arith.constant 6 : index
    %get3A_48 = memref.load %arg2[%get3A_46, %get3A_47] : memref<20x10xf32, #tpu.memory_space<smem>>
    %slice3A_49 = vector.extract_strided_slice %get3A_2 {offsets = [6, 0, 0], sizes = [1, 128, 128], strides = [1, 1, 1]} : vector<10x128x128xf32> to vector<1x128x128xf32>
    %squeeze3A_50 = vector.shape_cast %slice3A_49 : vector<1x128x128xf32> to vector<128x128xf32>
    %mul3A_51 = vector.broadcast %get3A_48 : f32 to vector<128x128xf32>
    %mul3A_52 = arith.mulf %mul3A_51, %squeeze3A_50 : vector<128x128xf32>
    %add3A_53 = arith.addf %add3A_45, %mul3A_52 : vector<128x128xf32>
    %get3A_54 = arith.index_cast %arg1 : i32 to index
    %get3A_55 = arith.constant 7 : index
    %get3A_56 = memref.load %arg2[%get3A_54, %get3A_55] : memref<20x10xf32, #tpu.memory_space<smem>>
    %slice3A_57 = vector.extract_strided_slice %get3A_2 {offsets = [7, 0, 0], sizes = [1, 128, 128], strides = [1, 1, 1]} : vector<10x128x128xf32> to vector<1x128x128xf32>
    %squeeze3A_58 = vector.shape_cast %slice3A_57 : vector<1x128x128xf32> to vector<128x128xf32>
    %mul3A_59 = vector.broadcast %get3A_56 : f32 to vector<128x128xf32>
    %mul3A_60 = arith.mulf %mul3A_59, %squeeze3A_58 : vector<128x128xf32>
    %add3A_61 = arith.addf %add3A_53, %mul3A_60 : vector<128x128xf32>
    %get3A_62 = arith.index_cast %arg1 : i32 to index
    %get3A_63 = arith.constant 8 : index
    %get3A_64 = memref.load %arg2[%get3A_62, %get3A_63] : memref<20x10xf32, #tpu.memory_space<smem>>
    %slice3A_65 = vector.extract_strided_slice %get3A_2 {offsets = [8, 0, 0], sizes = [1, 128, 128], strides = [1, 1, 1]} : vector<10x128x128xf32> to vector<1x128x128xf32>
    %squeeze3A_66 = vector.shape_cast %slice3A_65 : vector<1x128x128xf32> to vector<128x128xf32>
    %mul3A_67 = vector.broadcast %get3A_64 : f32 to vector<128x128xf32>
    %mul3A_68 = arith.mulf %mul3A_67, %squeeze3A_66 : vector<128x128xf32>
    %add3A_69 = arith.addf %add3A_61, %mul3A_68 : vector<128x128xf32>
    %get3A_70 = arith.index_cast %arg1 : i32 to index
    %get3A_71 = arith.constant 9 : index
    %get3A_72 = memref.load %arg2[%get3A_70, %get3A_71] : memref<20x10xf32, #tpu.memory_space<smem>>
    %slice3A_73 = vector.extract_strided_slice %get3A_2 {offsets = [9, 0, 0], sizes = [1, 128, 128], strides = [1, 1, 1]} : vector<10x128x128xf32> to vector<1x128x128xf32>
    %squeeze3A_74 = vector.shape_cast %slice3A_73 : vector<1x128x128xf32> to vector<128x128xf32>
    %mul3A_75 = vector.broadcast %get3A_72 : f32 to vector<128x128xf32>
    %mul3A_76 = arith.mulf %mul3A_75, %squeeze3A_74 : vector<128x128xf32>
    %add3A_77 = arith.addf %add3A_69, %mul3A_76 : vector<128x128xf32>
    %get3A_78 = arith.constant 0 : index
    %get3A_79 = arith.constant 0 : index
    %get3A_80 = vector.load %arg4[%get3A_78, %get3A_79] : memref<2000x128xf32, #tpu.memory_space<vmem>>, vector<2000x128xf32>
    %dot_general3A = arith.constant dense<0.000000e+00> : vector<2000x128xf32>
    %dot_general3A_81 = tpu.matmul %get3A_80, %add3A_77, %dot_general3A {dimension_numbers = #tpu.dot_dimension_numbers<[1], [0], [0], [1], [0, 0, 1, 1], [], []>, transpose_lhs_hint = false} : vector<2000x128xf32>, vector<128x128xf32>, vector<2000x128xf32> -> vector<2000x128xf32>
    %swap3A = arith.constant 0 : index
    %swap3A_82 = arith.constant 0 : index
    %swap3A_83 = vector.load %arg7[%swap3A, %swap3A_82] : memref<2000x128xf32, #tpu.memory_space<vmem>>, vector<2000x128xf32>
    tpu.vector_store %arg7[%swap3A, %swap3A_82], %dot_general3A_81 {strides = array<i32>} : memref<2000x128xf32, #tpu.memory_space<vmem>>, vector<2000x128xf32>,
    %eq3A = arith.constant 0 : i32
    %eq3A_84 = arith.cmpi eq, %arg1, %eq3A : i32
    %convert_element_type3A = arith.extui %eq3A_84 : i1 to i32
    %cond3A = arith.constant 0 : i32
    %cond3A_85 = arith.cmpi ne, %convert_element_type3A, %cond3A : i32
    scf.if %cond3A_85 {
      %get3A_86 = arith.constant 0 : index
      %get3A_87 = arith.constant 0 : index
      %get3A_88 = vector.load %arg4[%get3A_86, %get3A_87] : memref<2000x128xf32, #tpu.memory_space<vmem>>, vector<2000x128xf32>
      %get3A_89 = arith.constant 0 : index
      %get3A_90 = arith.constant 0 : index
      %get3A_91 = vector.load %arg5[%get3A_89, %get3A_90] : memref<128x128xf32, #tpu.memory_space<vmem>>, vector<128x128xf32>
      %dot_general3A_92 = arith.constant dense<0.000000e+00> : vector<2000x128xf32>
      %dot_general3A_93 = tpu.matmul %get3A_88, %get3A_91, %dot_general3A_92 {dimension_numbers = #tpu.dot_dimension_numbers<[1], [0], [0], [1], [0, 0, 1, 1], [], []>, transpose_lhs_hint = false} : vector<2000x128xf32>, vector<128x128xf32>, vector<2000x128xf32> -> vector<2000x128xf32>
      %get3A_94 = arith.constant 0 : index
      %get3A_95 = arith.constant 0 : index
      %get3A_96 = vector.load %arg6[%get3A_94, %get3A_95] : memref<1x128xf32, #tpu.memory_space<vmem>>, vector<1x128xf32>
      %add3A_97 = vector.broadcast %get3A_96 : vector<1x128xf32> to vector<2000x128xf32>
      %add3A_98 = arith.addf %dot_general3A_93, %add3A_97 : vector<2000x128xf32>
      %swap3A_99 = arith.constant 0 : index
      %swap3A_100 = arith.constant 0 : index
      %swap3A_101 = vector.load %arg8[%swap3A_99, %swap3A_100] : memref<2000x128xf32, #tpu.memory_space<vmem>>, vector<2000x128xf32>
      tpu.vector_store %arg8[%swap3A_99, %swap3A_100], %add3A_98 {strides = array<i32>} : memref<2000x128xf32, #tpu.memory_space<vmem>>, vector<2000x128xf32>,
    } else {
    }
    return
  }
  func.func @transform_0(%arg0: i32, %arg1: i32) -> (i32, i32) {
    %c0_i32 = arith.constant 0 : i32
    %c0_i32_0 = arith.constant 0 : i32
    %c0_i32_1 = arith.constant 0 : i32
    return %c0_i32, %c0_i32_0 : i32, i32
  }
  func.func @transform_1(%arg0: i32, %arg1: i32) -> (i32, i32, i32) {
    %c0_i32 = arith.constant 0 : i32
    %c0_i32_0 = arith.constant 0 : i32
    %c0_i32_1 = arith.constant 0 : i32
    %c0_i32_2 = arith.constant 0 : i32
    return %c0_i32, %c0_i32_0, %c0_i32_1 : i32, i32, i32
  }
  func.func @transform_2(%arg0: i32, %arg1: i32) -> (i32, i32) {
    %c0_i32 = arith.constant 0 : i32
    %c0_i32_0 = arith.constant 0 : i32
    return %arg0, %c0_i32 : i32, i32
  }
  func.func @transform_3(%arg0: i32, %arg1: i32) -> (i32, i32) {
    %c0_i32 = arith.constant 0 : i32
    %c0_i32_0 = arith.constant 0 : i32
    %c0_i32_1 = arith.constant 0 : i32
    return %c0_i32, %c0_i32_0 : i32, i32
  }
  func.func @transform_4(%arg0: i32, %arg1: i32) -> (i32, i32) {
    %c0_i32 = arith.constant 0 : i32
    %c0_i32_0 = arith.constant 0 : i32
    %c0_i32_1 = arith.constant 0 : i32
    return %c0_i32, %c0_i32_0 : i32, i32
  }
  func.func @transform_5(%arg0: i32, %arg1: i32) -> (i32, i32) {
    %mul3A = arith.constant 5 : i32
    %mul3A_0 = arith.muli %arg1, %mul3A : i32
    %add3A = arith.addi %mul3A_0, %arg0 : i32
    %c0_i32 = arith.constant 0 : i32
    %c0_i32_1 = arith.constant 0 : i32
    return %add3A, %c0_i32 : i32, i32
  }
  func.func @transform_6(%arg0: i32, %arg1: i32) -> (i32, i32) {
    %c0_i32 = arith.constant 0 : i32
    %c0_i32_0 = arith.constant 0 : i32
    return %arg0, %c0_i32 : i32, i32
  }
}

module attributes {stable_mosaic.version = 14 : i64} {
  func.func @_tc_combine_body(%arg0: memref<2x10000x128xf32, #tpu.memory_space<vmem>>, %arg1: memref<10000x128xf32, #tpu.memory_space<vmem>>, %arg2: memref<10000x128xf32, #tpu.memory_space<vmem>>) attributes {dimension_semantics = [], scalar_prefetch = 0 : i64, scratch_operands = 0 : i64, tpu.core_type = #tpu.core_type<tc>} {
    %get3A = arith.constant 0 : index
    %get3A_0 = arith.constant 0 : index
    %get3A_1 = arith.constant 0 : index
    %get3A_2 = vector.load %arg0[%get3A, %get3A_0, %get3A_1] : memref<2x10000x128xf32, #tpu.memory_space<vmem>>, vector<1x10000x128xf32>
    %get3A_3 = vector.shape_cast %get3A_2 : vector<1x10000x128xf32> to vector<10000x128xf32>
    %get3A_4 = arith.constant 1 : index
    %get3A_5 = arith.constant 0 : index
    %get3A_6 = arith.constant 0 : index
    %get3A_7 = vector.load %arg0[%get3A_4, %get3A_5, %get3A_6] : memref<2x10000x128xf32, #tpu.memory_space<vmem>>, vector<1x10000x128xf32>
    %get3A_8 = vector.shape_cast %get3A_7 : vector<1x10000x128xf32> to vector<10000x128xf32>
    %add3A = arith.addf %get3A_3, %get3A_8 : vector<10000x128xf32>
    %get3A_9 = arith.constant 0 : index
    %get3A_10 = arith.constant 0 : index
    %get3A_11 = vector.load %arg1[%get3A_9, %get3A_10] : memref<10000x128xf32, #tpu.memory_space<vmem>>, vector<10000x128xf32>
    %add3A_12 = arith.addf %add3A, %get3A_11 : vector<10000x128xf32>
    %swap3A = arith.constant 0 : index
    %swap3A_13 = arith.constant 0 : index
    %swap3A_14 = vector.load %arg2[%swap3A, %swap3A_13] : memref<10000x128xf32, #tpu.memory_space<vmem>>, vector<10000x128xf32>
    tpu.vector_store %arg2[%swap3A, %swap3A_13], %add3A_12 {strides = array<i32>} : memref<10000x128xf32, #tpu.memory_space<vmem>>, vector<10000x128xf32>,
    return
  }
}

</mosaic_0001>

<sc_bundles>
// kernel: kernel.5.cloned.1.call-start
scs
__scs_entry_jumppad:
0x0: {  	(pc) =	sbr.rel $0x88, $3  }
0x1: {  	(tag) =	ssettag $0x0;
	lr =	simm.s32 $0x1  }
0x2: {  	[smem:$0x3F9A] =	sst lr;
	_ =	strace $0xD0000000  }
0x3: {  	_ = 	snop  }
0x4: {  	_ = 	snop  }
0x5: {  	_ = 	snop  }
0x6: {  	_ = 	snop  }
0x7: {  	_ = 	snop  }
__scs_overlays_trampoline_lowered:
0x8: {  	[smem:$0x3FA9] =	sst s0  }
0x9: {  	[smem:$0x3FAA] =	sst s1  }
0xa: {  	[smem:$0x3FAB] =	sst s2  }
0xb: {  	[smem:$0x3FAC] =	sst s3  }
0xc: {  	[smem:$0x3FAD] =	sst s4  }
0xd: {  	[smem:$0x3FAE] =	sst s5  }
0xe: {  	[smem:$0x3FAF] =	sst s6  }
0xf: {  	[smem:$0x3FB0] =	sst s7  }
0x10: {  	[smem:$0x3FB1] =	sst s8  }
0x11: {  	[smem:$0x3FB2] =	sst s9;
	s0 =	simm.s32 @!p0 $0x0  }
0x12: {  	s1 =	sld [smem:$0x3F98];
	s0 =	simm.s32 @p0 $0x1  }
0x13: {  	[smem:$0x3FB3] =	sst s0;
	s0 =	simm.s32 @!p1 $0x0  }
0x14: {  	s2 =	sld [smem:$0x3F97];
	s0 =	simm.s32 @p1 $0x1  }
0x15: {  	[smem:$0x3FB4] =	sst s0;
	s0 =	simm.s32 @!p2 $0x0  }
0x16: {  	s3 =	sld [smem:$0x3FDB];
	s0 =	simm.s32 @p2 $0x1  }
0x17: {  	s4 =	simm.s32 $0x1BF5;
	[smem:$0x3FB6] =	sst s0  }
0x18: {  	s0 =	sld [smem:$0x3F99];
	_ =	swait.ge [sflag:s4], $0x0  }
0x19: {  	s7 =	sld [smem:$0x3F9A]  }
0x1a: {  	s8 =	sadd.s32 $0xFFFFE003, lr  }
0x1b: {  	s9 =	sadd.s32 $0xFFFFFEF7, lr;
	s5 =	simm.s32 $0xFFFFFFFF;
	p2 =	slt.u32 s8, $0xFFFFF086  }
0x1c: {  	p1 =	slt.u32 s9, $0xF7A;
	s5 =	simm.s32 @!p2 $0x0  }
0x1d: {  	s5 =	simm.s32 @p1 $0x1;
	p0 =	seq.s32 s7, s2  }
0x1e: {  	s7 =	smul.u32 @!p0 $0xF7A, s2;
	p2 =	seq.s32 @!p0 s5, $0x0  }
0x1f: {  	s9 =	smul.u32 $0xF7A, s1;
	s8 =	simm.s32 @!p0 $0x1BF5;
	p2 =	por !p2, p0  }
0x20: {  	[sflag:s8] =	ssyncset.s32 @!p0 $0xFFFFF086;
	s6 =	sadd.s32 @!p0 s3, s7;
	s7 =	simm.s32 @!p0 $0x108  }
0x21: {  	s3 =	sadd.s32 s3, s9;
	s6 =	sadd.s32 @!p0 $0x88, s6;
	s7 =	simm.s32 @p2 $0x1082  }
0x22: {  	[simem:s7], [sflag:s8] =	dma.local @!p0 [hbm:s6], $0xF7A  }
0x23: {  	s9 =	sor.u32 $0xD0000000, s2;
	s6 =	simm.s32 $0x108;
	_ =	swait.ge @!p0 [sflag:s8], $0x0  }
0x24: {  	s3 =	sadd.s32 $0x88, s3;
	s6 =	simm.s32 @!p1 $0x1082;
	[sflag:s4] =	ssyncset.s32 $0xFFFFF086  }
0x25: {  	[simem:s6], [sflag:s4] =	dma.local [hbm:s3], $0xF7A  }
0x26: {  	[smem:$0x3F9A] =	sst s1;
	(tag) =	ssettag s2;
	_ =	strace s9  }
0x27: {  	s1 =	sld [smem:$0x3FAA]  }
0x28: {  	s2 =	sld [smem:$0x3FAB]  }
0x29: {  	s4 =	sld [smem:$0x3FAD]  }
0x2a: {  	p0 =	seq.s32 s5, $0x0;
	s5 =	sld [smem:$0x3FAE]  }
0x2b: {  	s6 =	sld [smem:$0x3FAF]  }
0x2c: {  	s7 =	sld [smem:$0x3FB0]  }
0x2d: {  	s3 =	simm.s32 $0x108;
	s8 =	sld [smem:$0x3FB1]  }
0x2e: {  	s3 =	simm.s32 @!p0 $0x1082;
	s9 =	sld [smem:$0x3FB2]  }
0x2f: {  	lr =	sadd.s32 s0, s3;
	s0 =	sld [smem:$0x3FA9]  }
0x30: {  	s3 =	sld [smem:$0x3FAC]  }
0x31: {  	[smem:$0x3FB5] =	sst s10  }
0x32: {  	s10 =	sld [smem:$0x3FB3];
	_ =	sdelay $0x3  }
0x33: {  	p0 =	seq.s32 s10, $0x1;
	s10 =	sld [smem:$0x3FB5];
	_ =	sdelay $0x3  }
0x34: {  	[smem:$0x3FB5] =	sst s10  }
0x35: {  	s10 =	sld [smem:$0x3FB4];
	_ =	sdelay $0x3  }
0x36: {  	p1 =	seq.s32 s10, $0x1;
	s10 =	sld [smem:$0x3FB5];
	_ =	sdelay $0x3  }
0x37: {  	[smem:$0x3FB5] =	sst s10  }
0x38: {  	s10 =	sld [smem:$0x3FB6]  }
0x39: {  	_ = 	snop;
	(pc) =	sbr.ind lr, $3  }
0x3a: {  	_ = 	snop  }
0x3b: {  	_ = 	snop  }
0x3c: {  	p2 =	seq.s32 s10, $0x1;
	s10 =	sld [smem:$0x3FB5]  }
0x3d: {  	_ =	shalt  }
0x3e: {  	_ =	shalt  }
0x3f: {  	_ =	shalt  }
0x40: {  	_ =	shalt  }
0x41: {  	_ =	shalt  }
0x42: {  	_ =	shalt  }
0x43: {  	_ =	shalt  }
0x44: {  	_ =	shalt  }
0x45: {  	_ =	shalt  }
0x46: {  	_ =	shalt  }
0x47: {  	_ =	shalt  }
0x48: {  	_ =	shalt  }
0x49: {  	_ =	shalt  }
0x4a: {  	_ =	shalt  }
0x4b: {  	_ =	shalt  }
0x4c: {  	_ =	shalt  }
0x4d: {  	_ =	shalt  }
0x4e: {  	_ =	shalt  }
0x4f: {  	_ =	shalt  }
0x50: {  	_ =	shalt  }
0x51: {  	_ =	shalt  }
0x52: {  	_ =	shalt  }
0x53: {  	_ =	shalt  }
0x54: {  	_ =	shalt  }
0x55: {  	_ =	shalt  }
0x56: {  	_ =	shalt  }
0x57: {  	_ =	shalt  }
0x58: {  	_ =	shalt  }
0x59: {  	_ =	shalt  }
0x5a: {  	_ =	shalt  }
0x5b: {  	_ =	shalt  }
0x5c: {  	_ =	shalt  }
0x5d: {  	_ =	shalt  }
0x5e: {  	_ =	shalt  }
0x5f: {  	_ =	shalt  }
0x60: {  	_ =	shalt  }
0x61: {  	_ =	shalt  }
0x62: {  	_ =	shalt  }
0x63: {  	_ =	shalt  }
0x64: {  	_ =	shalt  }
0x65: {  	_ =	shalt  }
0x66: {  	_ =	shalt  }
0x67: {  	_ =	shalt  }
0x68: {  	_ =	shalt  }
0x69: {  	_ =	shalt  }
0x6a: {  	_ =	shalt  }
0x6b: {  	_ =	shalt  }
0x6c: {  	_ =	shalt  }
0x6d: {  	_ =	shalt  }
0x6e: {  	_ =	shalt  }
0x6f: {  	_ =	shalt  }
0x70: {  	_ =	shalt  }
0x71: {  	_ =	shalt  }
0x72: {  	_ =	shalt  }
0x73: {  	_ =	shalt  }
0x74: {  	_ =	shalt  }
0x75: {  	_ =	shalt  }
0x76: {  	_ =	shalt  }
0x77: {  	_ =	shalt  }
0x78: {  	_ =	shalt  }
0x79: {  	_ =	shalt  }
0x7a: {  	_ =	shalt  }
0x7b: {  	_ =	shalt  }
0x7c: {  	_ =	shalt  }
0x7d: {  	_ =	shalt  }
0x7e: {  	_ =	shalt  }
0x7f: {  	_ =	shalt  }
0x80: {  	_ =	shalt  }
0x81: {  	_ =	shalt  }
0x82: {  	_ =	shalt  }
0x83: {  	_ =	shalt  }
0x84: {  	_ =	shalt  }
0x85: {  	_ =	shalt  }
0x86: {  	_ =	shalt  }
0x87: {  	_ =	shalt  }
.Lfunc_end0:
.L_simem_size_0:
called_computation_lowered:
.L_overlay_start_0:
0x88: {  	s2 =	sld [smem:$0x3FD9]  }
0x89: {  	s3 =	sld [smem:$0x3FFE];
	_ =	sdelay $0x1  }
0x8a: {  	s1 =	srdreg.scid  }
0x8b: {  	s0 =	sand.u32 $0x1, s1  }
0x8c: {  	s17 =	sshll.u32 s0, $0xA;
	s2 =	sadd.s32 s3, s2  }
0x8d: {  	s2 =	sadd.s32 s2, s17  }
0x8e: {  	[smem:$0x3FC1] =	sst s2  }
0x8f: {  	_ = 	snop  }
0x90: {  	s2 =	sld [smem:$0x3FD0];
	(tm) =	ssettm $0x1  }
0x91: {  	s18 =	sld [smem:$0x3FFB];
	_ =	sdelay $0x3  }
0x92: {  	_ =	strace s18  }
0x93: {  	s3 =	sld [smem:$0x3FFC];
	_ =	sdelay $0x3  }
0x94: {  	_ =	strace s3  }
0x95: {  	s3 =	sld [smem:$0x3FFD];
	_ =	sdelay $0x3  }
0x96: {  	_ =	strace s3  }
0x97: {  	_ =	strace $0x8FFFFFFF  }
0x98: {  	s19 =	sld [smem:$0x3FDB];
	_ =	sdelay $0x1  }
0x99: {  	s4 =	simm.s32 $_scs_section_size  }
0x9a: {  	s5 =	simm.s32 $_size__tile_overlayer_lowered;
	s6 =	simm.s32 $_tile_overlayer_lowered  }
0x9b: {  	s22 =	simm.s32 $0x1BFF;
	s21 =	sshll.u32 s6, $0x1;
	s3 =	sadd.s32 s4, s19  }
0x9c: {  	s7 =	simm.s32 $0x0;
	s20 =	sshll.u32 s5, $0x1;
	s5 =	sadd.s32 s21, s3  }
0x9d: {  	[timem:s7], [sflag:s22] =	dma.local [hbm:s5], s20  }
0x9e: {  	_ =	swait.ge [sflag:s22], s20  }
0x9f: {  	s4 =	ssub.s32 $0x0, s20;
	[sflag:s22] =	ssyncset.done $0x0  }
0xa0: {  	[sflag:s22] =	ssyncadd.s32 s4;
	_ =	sdelay $0x1  }
0xa1: {  	s23 =	simm.s32 $0x1B8B  }
0xa2: {  	_ =	swait.ge [sflag:s23], $0x1  }
0xa3: {  	[sflag:s23] =	ssyncset.done $0x0  }
0xa4: {  	s25 =	simm.s32 $0x1B8E;
	s24 =	sld [smem:$0x3FFE];
	[sflag:s23] =	ssyncadd.s32 $0xFFFFFFFF  }
0xa5: {  	s26 =	simm.s32 $execute0_lowered;
	[smem:$0x3FD2] =	sst s25  }
0xa6: {  	s5 =	sshll.u32 s26, $0x1;
	_ =	strace $0x80000046;
	[dreg:$0x1] =	wrdreg $0xFFFFFFFF  }
0xa7: {  	s28 =	simm.s32 $_size_execute0_lowered;
	s3 =	sadd.s32 s3, s5;
	[dreg:$0x0] =	wrdreg $0x0  }
0xa8: {  	s5 =	sshll.u32 s28, $0x1;
	[dreg:$0x2] =	wrdreg s3  }
0xa9: {  	[dreg:$0x3] =	wrdreg s5  }
0xaa: {  	[dreg:$0x4] =	wrdreg $0xC0  }
0xab: {  	_ =	task [dreg:s7], $0x5FFFF  }
0xac: {  	[dreg:$0x1] =	wrdreg $0xFFFFFFFF  }
0xad: {  	[dreg:$0x0] =	wrdreg $0x60  }
0xae: {  	[dreg:$0x2] =	wrdreg s24  }
0xaf: {  	[dreg:$0x3] =	wrdreg s2  }
0xb0: {  	[dreg:$0x4] =	wrdreg $0x31000  }
0xb1: {  	[dreg:$0x5] =	wrdreg $0x0  }
0xb2: {  	[dreg:$0x6] =	wrdreg $0x9  }
0xb3: {  	_ =	task.clear_ibuf [dreg:s7], $0x7FFFF;
	_ =	strace $0x90000046  }
0xb4: {  	s29 =	simm.s32 $0x9;
	_ =	strace $0x80000048  }
0xb5: {  	_ =	swait.ge [sflag:s29], $0x1  }
0xb6: {  	[sflag:s29] =	ssyncadd.s32 $0xFFFFFFFF  }
0xb7: {  	_ =	strace $0x90000048  }
0xb8: {  	_ =	sfence  }
0xb9: {  	s30 =	sld [smem:$0x0];
	_ =	sdelay $0x2  }
0xba: {  	s31 =	sshll.u32 s1, $0xD;
	s1 =	sshrl.u32 s1, $0x2  }
0xbb: {  	s3 =	sand.u32 $0x4000, s31;
	s1 =	sadd.s32 s1, s30  }
0xbc: {  	s0 =	sor.u32 s3, s0;
	s1 =	sshll.u32 s1, $0x11  }
0xbd: {  	s0 =	sor.u32 s1, s0  }
0xbe: {  	s0 =	sadd.s32 $0x8F2B, s0  }
0xbf: {  	[sflag:s0] =	ssyncadd.remote.s32 $0x1  }
0xc0: {  	_ =	sfence.sel $0xFFFF  }
0xc1: {  	[dreg:$0x0] =	wrdreg $0xFFFFFFFF;
	(pc) =	sbr.abs _section_cstart, $3  }
0xc2: {  	[dreg:$0x1] =	wrdreg $0xFFFFFFFF  }
0xc3: {  	_ =	task.clear_ibuf [dreg:s7], $0x2FFFF;
	_ =	strace $0x9FFFFFFF  }
0xc4: {  	(tm) =	ssettm $0x7FFFFFFF  }
0xc5: {  	_ =	shalt  }
tec
execute0_lowered:
.L_overlay_start_1:
0x0: {  	(tag) =	ssettag $0x1  }
0x1: {  	s0 =	rddreg [dreg:$0x0];
	s1 =	srdreg.scid  }
0x2: {  	s3 =	rddreg [dreg:$0x1];
	s24 =	stileid.u32;
	s2 =	simm.s32 $0x0  }
0x3: {  	s29 =	simm.s32 $0x17000;
	s28 =	simm.s32 $0xA;
	s7 =	smul.u32 $0x4E00, s24  }
0x4: {  	s6 =	sand.u32 $0x1, s1;
	s12 =	sor.u32 $0x10, s24;
	s13 =	smul.u32 $0x2800, s24  }
0x5: {  	s4 =	sshll.u32 s6, $0x4;
	s22 =	ssub.s32 $0x2, s6;
	s6 =	smul.u32 $0x138800, s6  }
0x6: {  	s30 =	simm.s32 $0x50;
	s14 =	sor.u32 $0x20, s24;
	s15 =	smul.u32 $0x2800, s12  }
0x7: {  	s1 =	rddreg [dreg:$0x2];
	s18 =	sor.u32 $0x50, s24;
	s16 =	smul.u32 $0x2800, s14  }
0x8: {  	[smem:$0x7FF] =	sst s2;
	s9 =	sadd.s32 $0x1400, s0;
	s20 =	smul.u32 $0x2800, s18  }
0x9: {  	s23 =	sshll.u32 s24, $0x9;
	s14 =	smul.u32 $0xA000, s14;
	s5 =	sor.u32 s24, s4  }
0xa: {  	s25 =	sadd.s32 $0x34D000, s0;
	s10 =	sshrl.u32 s22, $0x1;
	s8 =	smul.u32 $0x1F40, s5  }
0xb: {  	s7 =	sand.u32 $0x7FC00, s7;
	s11 =	smul.u32 $0xFA00, s5;
	s4 =	ssub.s32 s22, s10  }
0xc: {  	s10 =	sand.u32 $0x200, s23;
	s22 =	sor.u32 $0x70, s24;
	s13 =	sadd.s32 s6, s13  }
0xd: {  	s15 =	sadd.s32 s6, s15;
	s16 =	sadd.s32 s6, s16;
	s20 =	sadd.s32 s6, s20  }
0xe: {  	s7 =	sor.u32 s10, s7;
	s10 =	sor.u32 $0x30, s24;
	s23 =	smul.u32 $0x2800, s22  }
0xf: {  	s13 =	sshrl.u32 s13, $0x3;
	s15 =	sshrl.u32 s15, $0x3;
	s31 =	sshrl.u32 s16, $0x3  }
0x10: {  	s4 =	smax.u32 s4, $0x1;
	s8 =	sadd.s32 s9, s8;
	s17 =	smul.u32 $0x2800, s10  }
0x11: {  	s11 =	sshrl.u32 s11, $0x3;
	s7 =	sshrl.u32 s7, $0x3;
	s13 =	sadd.s32 s25, s13  }
0x12: {  	s26 =	sadd.s32 s25, s15;
	[dreg:$0x5] =	wrdreg s8;
	s8 =	sor.u32 $0x40, s24  }
0x13: {  	[dreg:$0x6] =	wrdreg s13;
	s13 =	sadd.s32 s25, s31;
	s31 =	smul.u32 $0xA000, s12  }
0x14: {  	s9 =	sadd.s32 s9, s11;
	s11 =	sor.u32 $0x60, s24;
	s19 =	smul.u32 $0x2800, s8  }
0x15: {  	[dreg:$0x7] =	wrdreg s26;
	s21 =	smul.u32 $0x2800, s11;
	s17 =	sadd.s32 s6, s17  }
0x16: {  	[dreg:$0x8] =	wrdreg s13;
	s12 =	sadd.s32 $0x40, s9;
	s9 =	smul.u32 $0xA000, s22  }
0x17: {  	s15 =	sshrl.u32 s17, $0x3;
	s19 =	sadd.s32 s6, s19;
	s21 =	sadd.s32 s6, s21  }
0x18: {  	s6 =	sadd.s32 s6, s23;
	s13 =	sadd.s32 s25, s15;
	s15 =	rddreg [dreg:$0x3]  }
0x19: {  	s23 =	smul.u32 $0xC400, s24;
	s16 =	sshrl.u32 s19, $0x3;
	[dreg:$0x9] =	wrdreg s13  }
0x1a: {  	s19 =	sshrl.u32 s20, $0x3;
	s20 =	sshrl.u32 s21, $0x3;
	s6 =	sshrl.u32 s6, $0x3  }
0x1b: {  	s21 =	smul.u32 $0x9C0, s24;
	s17 =	sadd.s32 s25, s16;
	s13 =	sadd.s32 s25, s19  }
0x1c: {  	s6 =	sadd.s32 s25, s6;
	s16 =	sadd.s32 s3, s7;
	[dreg:$0xa] =	wrdreg s17  }
0x1d: {  	s26 =	sshrl.u32 s23, $0x2;
	s7 =	smul.u32 $0x7D, s5;
	[dreg:$0xb] =	wrdreg s13  }
0x1e: {  	s13 =	sadd.s32 s25, s20;
	[dreg:$0xd] =	wrdreg s6;
	s25 =	sshll.u32 s24, $0x4  }
0x1f: {  	s17 =	sadd.s32 s21, s3;
	s19 =	sadd.s32 s26, s15;
	s20 =	sadd.s32 $0x3FC00, s0  }
0x20: {  	s21 =	sadd.s32 $0x1480, s0;
	s0 =	sshrl.u32 s14, $0x2;
	[dreg:$0xc] =	wrdreg s13  }
0x21: {  	s13 =	sadd.s32 s25, s3;
	_ =	strace $0x80000047;
	[dreg:$0x13] =	wrdreg s12  }
0x22: {  	s3 =	sshrl.u32 s31, $0x2;
	s0 =	sadd.s32 s0, s1;
	[dreg:$0x14] =	wrdreg s4  }
0x23: {  	s31 =	smul.u32 $0xA000, s18;
	s18 =	sadd.s32 $0xC40, s19;
	[dreg:$0x17] =	wrdreg s0  }
0x24: {  	p1 =	sgt.u32 s24, $0x3;
	s26 =	smul.u32 $0xA000, s8;
	[dreg:$0x1d] =	wrdreg s18  }
0x25: {  	p0 =	sgt.u32 s22, $0x7C;
	s8 =	smul.u32 $0xA000, s11;
	[dreg:$0x11] =	wrdreg s19  }
0x26: {  	s5 =	simm.s32 $0x16F80;
	s25 =	smul.u32 $0xA000, s10;
	[dreg:$0xe] =	wrdreg s16  }
0x27: {  	s6 =	sadd.s32 $0x9C00, s13;
	s13 =	smul.u32 $0xA000, s24;
	[dreg:$0x10] =	wrdreg s7  }
0x28: {  	s3 =	sadd.s32 s3, s1;
	s12 =	sshrl.u32 s8, $0x2;
	[dreg:$0xf] =	wrdreg s17  }
0x29: {  	s24 =	sadd.s32 $0x24C0, s19;
	s8 =	simm.s32 $0x1;
	[dreg:$0x12] =	wrdreg s6  }
0x2a: {  	s18 =	simm.s32 $0x80;
	[dreg:$0x16] =	wrdreg s3;
	s6 =	sshrl.u32 s25, $0x2  }
0x2b: {  	s11 =	sshrl.u32 s31, $0x2;
	[dreg:$0x1f] =	wrdreg s24;
	s25 =	sadd.s32 $0x10, s16  }
0x2c: {  	s31 =	sadd.s32 $0x2, s7;
	s3 =	simm.s32 $0x3;
	s24 =	simm.s32 $0x7  }
0x2d: {  	s16 =	simm.s32 $0x17300;
	s23 =	sshrl.u32 s13, $0x2;
	[smem:$0x7FB] =	sst s25  }
0x2e: {  	s22 =	sadd.s32 s6, s1;
	s0 =	sadd.s32 s11, s1;
	[smem:$0x7FD] =	sst s31  }
0x2f: {  	s13 =	sshrl.u32 s9, $0x2;
	s6 =	sadd.s32 s12, s1;
	[dreg:$0x1a] =	wrdreg s0  }
0x30: {  	s9 =	simm.s32 $0x17480;
	s12 =	simm.s32 $0x4;
	[dreg:$0x18] =	wrdreg s22  }
0x31: {  	s25 =	simm.s32 $0x6;
	s4 =	sadd.s32 s23, s1;
	[dreg:$0x1b] =	wrdreg s6  }
0x32: {  	s11 =	simm.s32 $0x17400;
	s14 =	sadd.s32 s13, s1;
	[dreg:$0x15] =	wrdreg s4  }
0x33: {  	s23 =	sadd.s32 $0x1880, s19;
	s19 =	simm.s32 $0x1F900;
	[dreg:$0x1c] =	wrdreg s14  }
0x34: {  	s13 =	simm.s32 $0x2;
	s4 =	sshrl.u32 s26, $0x2;
	[dreg:$0x1e] =	wrdreg s23  }
0x35: {  	s26 =	sadd.s32 $0x1, s7;
	s23 =	simm.s32 $0x5;
	s7 =	simm.s32 $0x8  }
0x36: {  	s14 =	simm.s32 $0x0;
	s10 =	sadd.s32 s4, s1;
	[smem:$0x7FC] =	sst s26  }
0x37: {  	v0 =	vimm.f32 $0.0e+00;
	v1 =	vimm.f32 $1.000000000e+00;
	s26 =	simm.s32 $0x17280;
	[dreg:$0x19] =	wrdreg s10;
	s10 =	simm.s32 $0x17380  }
.LBB2_1:
0x38: {  	s0 =	simm.s32 $0x0  }
.LBB2_2:
0x39: {  	p2 =	sne.s32 s0, $0x30C0  }
.Ltmp0:
0x3a: {  	_ = 	snop;
	(pc) =	sbr.rel @p2 .LBB2_2-.Ltmp0, $3  }
0x3b: {  	_ =	sdelay $0x1  }
0x3c: {  	s4 =	sshra.s32 s0, $0x2  }
0x3d: {  	s0 =	sadd.s32 $0x40, s0;
	[tilespmem:s4+$0x1EC80] =	vst v0  }
0x3e: {  	[smem:$0x7FA] =	sst s14;
	s0 =	simm.s32 $0x0;
	s4 =	simm.s32 $0x200  }
.LBB2_4:
0x3f: {  	p2 =	sne.s32 s4, $0x9E00;
	[tilespmem:s0+$0x174F0] =	vst v0  }
0x40: {  	[tilespmem:s0+$0x17480] =	vst v0  }
0x41: {  	[tilespmem:s0+$0x17490] =	vst v0  }
.Ltmp1:
0x42: {  	[tilespmem:s0+$0x174A0] =	vst v0;
	(pc) =	sbr.rel @p2 .LBB2_4-.Ltmp1, $4  }
0x43: {  	[tilespmem:s0+$0x174B0] =	vst v0  }
0x44: {  	[tilespmem:s0+$0x174C0] =	vst v0  }
0x45: {  	[tilespmem:s0+$0x174D0] =	vst v0  }
0x46: {  	[tilespmem:s0+$0x174E0] =	vst v0;
	s0 =	sshra.s32 s4, $0x2;
	s4 =	sadd.s32 $0x200, s4  }
0x47: {  	[tilespmem:s0+$0x174F0] =	vst v0  }
0x48: {  	[tilespmem:s0+$0x17480] =	vst v0  }
0x49: {  	[tilespmem:s0+$0x17490] =	vst v0  }
0x4a: {  	[tilespmem:s0+$0x174A0] =	vst v0  }
0x4b: {  	[tilespmem:s0+$0x174B0] =	vst v0  }
0x4c: {  	[tilespmem:s0+$0x174C0] =	vst v0  }
0x4d: {  	[tilespmem:s0+$0x174D0] =	vst v0  }
0x4e: {  	[tilespmem:s0+$0x174E0] =	vst v0  }
0x4f: {  	[tilespmem:$0x1F900] =	vst v1  }
0x50: {  	[tilespmem:$0x1F910] =	vst v1  }
0x51: {  	[tilespmem:$0x1F920] =	vst v1  }
0x52: {  	[tilespmem:$0x1F930] =	vst v1  }
0x53: {  	[tilespmem:$0x1F940] =	vst v1  }
0x54: {  	[tilespmem:$0x1F950] =	vst v1  }
0x55: {  	[tilespmem:$0x1F960] =	vst v1  }
0x56: {  	s14 =	rddreg [dreg:$0x11];
	s4 =	simm.s32 $0x1EC80;
	[tilespmem:$0x1F970] =	vst v1  }
0x57: {  	[spmem:s14] =	stream.linear.scatter [tilespmem:s4], [sflag:$0x1], $0xC40, $0x38;
	[tilespmem:$0x1F980] =	vst v63  }
0x58: {  	_ =	swait.ge [sflag:s8], $0xC40  }
0x59: {  	[sflag:s8] =	ssyncset.done $0x0  }
0x5a: {  	s31 =	rddreg [dreg:$0x1d];
	[sflag:s8] =	ssyncadd.s32 $0xFFFFF3C0  }
0x5b: {  	[spmem:s31] =	stream.linear.scatter [tilespmem:s4], [sflag:$0x1], $0xC40, $0x38;
	[tilespmem:$0x1F980] =	vst v63  }
0x5c: {  	_ =	swait.ge [sflag:s8], $0xC40  }
0x5d: {  	[sflag:s8] =	ssyncset.done $0x0  }
0x5e: {  	s14 =	rddreg [dreg:$0x1e];
	[sflag:s8] =	ssyncadd.s32 $0xFFFFF3C0  }
0x5f: {  	[spmem:s14] =	stream.linear.scatter [tilespmem:s4], [sflag:$0x1], $0xC40, $0x38;
	[tilespmem:$0x1F980] =	vst v63  }
0x60: {  	_ =	swait.ge [sflag:s8], $0xC40  }
0x61: {  	[sflag:s8] =	ssyncset.done $0x0  }
0x62: {  	s31 =	rddreg [dreg:$0x1f];
	[sflag:s8] =	ssyncadd.s32 $0xFFFFF3C0  }
0x63: {  	[spmem:s31] =	stream.linear.scatter [tilespmem:s4], [sflag:$0x1], $0xC40, $0x38;
	[tilespmem:$0x1F980] =	vst v63  }
0x64: {  	_ =	swait.ge [sflag:s8], $0xC40  }
0x65: {  	[sflag:s8] =	ssyncset.done $0x0  }
0x66: {  	s4 =	rddreg [dreg:$0x15];
	[sflag:s8] =	ssyncadd.s32 $0xFFFFF3C0  }
0x67: {  	[spmem:s4] =	stream.linear.scatter [tilespmem:s9], [sflag:$0x1], $0x2800, $0x38;
	[tilespmem:$0x1F980] =	vst v63  }
0x68: {  	_ =	swait.ge [sflag:s8], $0x2800  }
0x69: {  	[sflag:s8] =	ssyncset.done $0x0  }
0x6a: {  	s14 =	rddreg [dreg:$0x16];
	[sflag:s8] =	ssyncadd.s32 $0xFFFFD800  }
0x6b: {  	[spmem:s14] =	stream.linear.scatter [tilespmem:s9], [sflag:$0x1], $0x2800, $0x38;
	[tilespmem:$0x1F980] =	vst v63  }
0x6c: {  	_ =	swait.ge [sflag:s8], $0x2800  }
0x6d: {  	[sflag:s8] =	ssyncset.done $0x0  }
0x6e: {  	s31 =	rddreg [dreg:$0x17];
	[sflag:s8] =	ssyncadd.s32 $0xFFFFD800  }
0x6f: {  	[spmem:s31] =	stream.linear.scatter [tilespmem:s9], [sflag:$0x1], $0x2800, $0x38;
	[tilespmem:$0x1F980] =	vst v63  }
0x70: {  	_ =	swait.ge [sflag:s8], $0x2800  }
0x71: {  	[sflag:s8] =	ssyncset.done $0x0  }
0x72: {  	[sflag:s8] =	ssyncadd.s32 $0xFFFFD800  }
0x73: {  	[spmem:s22] =	stream.linear.scatter [tilespmem:s9], [sflag:$0x1], $0x2800, $0x38;
	[tilespmem:$0x1F980] =	vst v63  }
0x74: {  	_ =	swait.ge [sflag:s8], $0x2800  }
0x75: {  	[sflag:s8] =	ssyncset.done $0x0  }
0x76: {  	s4 =	rddreg [dreg:$0x19];
	[sflag:s8] =	ssyncadd.s32 $0xFFFFD800  }
0x77: {  	[spmem:s4] =	stream.linear.scatter [tilespmem:s9], [sflag:$0x1], $0x2800, $0x38;
	[tilespmem:$0x1F980] =	vst v63  }
0x78: {  	_ =	swait.ge [sflag:s8], $0x2800  }
0x79: {  	[sflag:s8] =	ssyncset.done $0x0  }
0x7a: {  	s14 =	rddreg [dreg:$0x1a];
	[sflag:s8] =	ssyncadd.s32 $0xFFFFD800  }
0x7b: {  	[spmem:s14] =	stream.linear.scatter [tilespmem:s9], [sflag:$0x1], $0x2800, $0x38;
	[tilespmem:$0x1F980] =	vst v63  }
0x7c: {  	_ =	swait.ge [sflag:s8], $0x2800  }
0x7d: {  	[sflag:s8] =	ssyncset.done $0x0  }
0x7e: {  	[sflag:s8] =	ssyncadd.s32 $0xFFFFD800  }
0x7f: {  	[spmem:s6] =	stream.linear.scatter [tilespmem:s9], [sflag:$0x1], $0x2800, $0x38;
	[tilespmem:$0x1F980] =	vst v63  }
0x80: {  	_ =	swait.ge [sflag:s8], $0x2800  }
0x81: {  	[sflag:s8] =	ssyncset.done $0x0  }
0x82: {  	s0 =	simm.s32 @!p0 $0x17480;
	s4 =	rddreg [dreg:$0x1c];
	[sflag:s8] =	ssyncadd.s32 $0xFFFFD800  }
0x83: {  	[spmem:s4] =	stream.linear.scatter @!p0 [tilespmem:s0], [sflag:$0x1], $0x2800, $0x38;
	[tilespmem:$0x1F980] =	vst v63  }
0x84: {  	s0 =	simm.s32 @!p0 $0x1  }
0x85: {  	_ =	swait.ge @!p0 [sflag:s0], $0x2800  }
0x86: {  	[sflag:s0] =	ssyncset.done @!p0 $0x0  }
0x87: {  	[sflag:s0] =	ssyncadd.s32 @!p0 $0xFFFFD800  }
0x88: {  	[bflag:$0x0] =	sbarrier.arrive $0xFFFF  }
0x89: {  	s22 =	rddreg [dreg:$0xe]  }
0x8a: {  	s0 =	simm.s32 $0x0;
	s31 =	sld [smem:$0x7FB]  }
0x8b: {  	[tilespmem:s5], [sflag:$0x1] =	stream.linear.gather [hbm4b:s22+s0], $0x80, $0x38;
	[tilespmem:$0x1F980] =	vst v63  }
0x8c: {  	s9 =	simm.s32 $0x17200;
	s22 =	simm.s32 $0x17000  }
0x8d: {  	[tilespmem:s29], [sflag:$0x2] =	stream.linear.gather [hbm4b:s31+s0], $0x80, $0x38;
	[tilespmem:$0x1F980] =	vst v63  }
.LBB2_6:
0x8e: {  	_ =	swait.ge [sflag:s8], $0x80  }
0x8f: {  	[sflag:s8] =	ssyncset.done $0x0  }
0x90: {  	p2 =	seq.s32 s0, $0x0;
	[sflag:s8] =	ssyncadd.s32 $0xFFFFFF80  }
0x91: {  	[spmem:s15] =	stream.indirect.scatter.add.f32 [tilespmem:s19], [sflag:$0x7], $0x1, s5, s18, $0xb8;
	[tilespmem:$0x1F980] =	vst v63  }
0x92: {  	s5 =	simm.s32 @!p2 $0x9  }
0x93: {  	_ =	swait.ge @!p2 [sflag:s5], $0x80  }
0x94: {  	s4 =	sadd.s32 s0, s17;
	[sflag:s5] =	ssyncset.done @!p2 $0x0  }
0x95: {  	s31 =	simm.s32 $0x17080;
	s14 =	sadd.s32 $0x20, s4;
	[sflag:s5] =	ssyncadd.s32 @!p2 $0xFFFFFF80  }
0x96: {  	[tilespmem:s31], [sflag:$0x3] =	stream.linear.gather [hbm4b:s14+s2], $0x80, $0x38;
	[tilespmem:$0x1F980] =	vst v63  }
0x97: {  	_ =	swait.ge [sflag:s13], $0x80  }
0x98: {  	[sflag:s13] =	ssyncset.done $0x0  }
0x99: {  	s5 =	simm.s32 @!p2 $0xA;
	[sflag:s13] =	ssyncadd.s32 $0xFFFFFF80  }
0x9a: {  	[spmem:s15] =	stream.indirect.scatter.add.f32 [tilespmem:s19], [sflag:$0x8], $0x1, s22, s18, $0xb8;
	[tilespmem:$0x1F980] =	vst v63  }
0x9b: {  	_ =	swait.ge @!p2 [sflag:s5], $0x80  }
0x9c: {  	[sflag:s5] =	ssyncset.done @!p2 $0x0  }
0x9d: {  	s6 =	sadd.s32 $0x30, s4;
	s14 =	simm.s32 $0x17100;
	[sflag:s5] =	ssyncadd.s32 @!p2 $0xFFFFFF80  }
0x9e: {  	[tilespmem:s14], [sflag:$0x4] =	stream.linear.gather [hbm4b:s6+s2], $0x80, $0x38;
	[tilespmem:$0x1F980] =	vst v63  }
0x9f: {  	_ =	swait.ge [sflag:s3], $0x80  }
0xa0: {  	[sflag:s3] =	ssyncset.done $0x0  }
0xa1: {  	s5 =	simm.s32 @!p2 $0xB;
	[sflag:s3] =	ssyncadd.s32 $0xFFFFFF80  }
0xa2: {  	[spmem:s15] =	stream.indirect.scatter.add.f32 [tilespmem:s19], [sflag:$0x9], $0x1, s31, s18, $0xb8;
	[tilespmem:$0x1F980] =	vst v63  }
0xa3: {  	_ =	swait.ge @!p2 [sflag:s5], $0x80  }
0xa4: {  	[sflag:s5] =	ssyncset.done @!p2 $0x0  }
0xa5: {  	s6 =	simm.s32 $0x17180;
	[sflag:s5] =	ssyncadd.s32 @!p2 $0xFFFFFF80;
	s5 =	sadd.s32 $0x40, s4  }
0xa6: {  	[tilespmem:s6], [sflag:$0x5] =	stream.linear.gather [hbm4b:s5+s2], $0x80, $0x38;
	[tilespmem:$0x1F980] =	vst v63  }
0xa7: {  	_ =	swait.ge [sflag:s12], $0x80  }
0xa8: {  	[sflag:s12] =	ssyncset.done $0x0  }
0xa9: {  	s5 =	simm.s32 @!p2 $0xC;
	[sflag:s12] =	ssyncadd.s32 $0xFFFFFF80  }
0xaa: {  	[spmem:s15] =	stream.indirect.scatter.add.f32 [tilespmem:s19], [sflag:$0xA], $0x1, s14, s18, $0xb8;
	[tilespmem:$0x1F980] =	vst v63  }
0xab: {  	_ =	swait.ge @!p2 [sflag:s5], $0x80  }
0xac: {  	[sflag:s5] =	ssyncset.done @!p2 $0x0  }
0xad: {  	s14 =	sadd.s32 $0x50, s4;
	[sflag:s5] =	ssyncadd.s32 @!p2 $0xFFFFFF80  }
0xae: {  	[tilespmem:s9], [sflag:$0x6] =	stream.linear.gather [hbm4b:s14+s2], $0x80, $0x38;
	[tilespmem:$0x1F980] =	vst v63  }
0xaf: {  	_ =	swait.ge [sflag:s23], $0x80  }
0xb0: {  	p2 =	seq.s32 s0, $0x960;
	[sflag:s23] =	ssyncset.done $0x0  }
.Ltmp2:
0xb1: {  	[sflag:s23] =	ssyncadd.s32 $0xFFFFFF80;
	(pc) =	sbr.rel @p2 .LBB2_8-.Ltmp2, $4  }
0xb2: {  	[spmem:s15] =	stream.indirect.scatter.add.f32 [tilespmem:s19], [sflag:$0xB], $0x1, s6, s18, $0xb8;
	[tilespmem:$0x1F980] =	vst v63  }
0xb3: {  	_ =	swait.ge [sflag:s24], $0x80  }
0xb4: {  	[sflag:s24] =	ssyncset.done $0x0  }
0xb5: {  	s29 =	simm.s32 $0x16F80;
	s9 =	simm.s32 $0x17200;
	[sflag:s24] =	ssyncadd.s32 $0xFFFFFF80  }
0xb6: {  	s5 =	sadd.s32 $0x60, s4  }
0xb7: {  	[tilespmem:s29], [sflag:$0x1] =	stream.linear.gather [hbm4b:s5+s2], $0x80, $0x38;
	[tilespmem:$0x1F980] =	vst v63  }
0xb8: {  	_ =	swait.ge [sflag:s25], $0x80  }
0xb9: {  	[sflag:s25] =	ssyncset.done $0x0  }
0xba: {  	[sflag:s25] =	ssyncadd.s32 $0xFFFFFF80  }
0xbb: {  	[spmem:s15] =	stream.indirect.scatter.add.f32 [tilespmem:s19], [sflag:$0xC], $0x1, s9, s18, $0xb8;
	[tilespmem:$0x1F980] =	vst v63  }
.Ltmp3:
0xbc: {  	_ = 	snop;
	(pc) =	sbr.rel .LBB2_6-.Ltmp3, $4  }
0xbd: {  	_ =	swait.ge [sflag:s7], $0x80  }
0xbe: {  	s31 =	sadd.s32 $0x70, s4;
	s0 =	sadd.s32 $0x60, s0;
	[sflag:s7] =	ssyncset.done $0x0  }
0xbf: {  	s5 =	simm.s32 $0x16F80;
	s9 =	simm.s32 $0x17200;
	[sflag:s7] =	ssyncadd.s32 $0xFFFFFF80  }
0xc0: {  	[tilespmem:s22], [sflag:$0x2] =	stream.linear.gather [hbm4b:s31+s2], $0x80, $0x38;
	[tilespmem:$0x1F980] =	vst v63  }
.LBB2_8:
0xc1: {  	_ =	swait.ge [sflag:s25], $0x80  }
0xc2: {  	[sflag:s25] =	ssyncset.done $0x0  }
0xc3: {  	[sflag:s25] =	ssyncadd.s32 $0xFFFFFF80  }
0xc4: {  	[spmem:s15] =	stream.indirect.scatter.add.f32 [tilespmem:s19], [sflag:$0xC], $0x1, s9, s18, $0xb8;
	[tilespmem:$0x1F980] =	vst v63  }
0xc5: {  	_ =	swait.ge [sflag:s7], $0x80  }
0xc6: {  	[sflag:s7] =	ssyncset.done $0x0  }
0xc7: {  	s0 =	simm.s32 $0x9;
	[sflag:s7] =	ssyncadd.s32 $0xFFFFFF80  }
0xc8: {  	_ =	swait.ge [sflag:s0], $0x80  }
0xc9: {  	[sflag:s0] =	ssyncset.done $0x0  }
0xca: {  	[sflag:s0] =	ssyncadd.s32 $0xFFFFFF80  }
0xcb: {  	_ =	swait.ge [sflag:s28], $0x80  }
0xcc: {  	[sflag:s28] =	ssyncset.done $0x0  }
0xcd: {  	s4 =	simm.s32 $0xB;
	[sflag:s28] =	ssyncadd.s32 $0xFFFFFF80  }
0xce: {  	_ =	swait.ge [sflag:s4], $0x80  }
0xcf: {  	[sflag:s4] =	ssyncset.done $0x0  }
0xd0: {  	s5 =	simm.s32 $0xC;
	[sflag:s4] =	ssyncadd.s32 $0xFFFFFF80  }
0xd1: {  	_ =	swait.ge [sflag:s5], $0x80  }
0xd2: {  	s0 =	simm.s32 @!p1 $0x0;
	[sflag:s5] =	ssyncset.done $0x0  }
0xd3: {  	s4 =	simm.s32 @!p1 $0x16F80;
	[sflag:s5] =	ssyncadd.s32 $0xFFFFFF80;
	s5 =	rddreg [dreg:$0x12]  }
0xd4: {  	[tilespmem:s4], [sflag:$0xE] =	stream.linear.gather @!p1 [hbm4b:s5+s0], $0x80, $0x38;
	[tilespmem:$0x1F980] =	vst v63  }
0xd5: {  	s0 =	simm.s32 @!p1 $0xE  }
0xd6: {  	_ =	swait.ge @!p1 [sflag:s0], $0x80  }
0xd7: {  	[sflag:s0] =	ssyncset.done @!p1 $0x0  }
0xd8: {  	s5 =	simm.s32 @!p1 $0x1F900;
	[sflag:s0] =	ssyncadd.s32 @!p1 $0xFFFFFF80;
	s0 =	simm.s32 @!p1 $0x80  }
0xd9: {  	[spmem:s15] =	stream.indirect.scatter.add.f32 @!p1 [tilespmem:s5], [sflag:$0xD], $0x1, s4, s0, $0xb8;
	[tilespmem:$0x1F980] =	vst v63  }
0xda: {  	s0 =	simm.s32 @!p1 $0xD  }
0xdb: {  	_ =	swait.ge @!p1 [sflag:s0], $0x80  }
0xdc: {  	[sflag:s0] =	ssyncset.done @!p1 $0x0  }
0xdd: {  	[sflag:s0] =	ssyncadd.s32 @!p1 $0xFFFFFF80  }
0xde: {  	[bflag:$0x0] =	sbarrier.arrive $0xFFFF  }
0xdf: {  	s6 =	simm.s32 $0x0;
	s31 =	simm.s32 $0x16980;
	s14 =	rddreg [dreg:$0x5]  }
0xe0: {  	[tilespmem:s31], [sflag:$0x1] =	stream.linear.gather [hbm4b:s14+s6], $0x180, $0x38;
	[tilespmem:$0x1F980] =	vst v63  }
0xe1: {  	_ =	swait.ge [sflag:s8], $0x180  }
0xe2: {  	[sflag:s8] =	ssyncset.done $0x0  }
0xe3: {  	s9 =	simm.s32 $0x17480;
	[sflag:s8] =	ssyncadd.s32 $0xFFFFFE80  }
0xe4: {  	[tilespmem:s9], [sflag:$0x4] =	stream.indirect.gather [hbm4b:s20+s30], $0x80, s31, s30, $0xb8;
	[tilespmem:$0x1F980] =	vst v63  }
0xe5: {  	s17 =	simm.s32 $0x16A00  }
0xe6: {  	[tilespmem:s26], [sflag:$0xA] =	stream.indirect.gather [spmem:s15], $0x1, s17, s30, $0xb8;
	[tilespmem:$0x1F980] =	vst v63  }
0xe7: {  	_ =	swait.ge [sflag:s28], $0x50  }
0xe8: {  	[sflag:s28] =	ssyncset.done $0x0  }
0xe9: {  	[sflag:s28] =	ssyncadd.s32 $0xFFFFFFB0  }
0xea: {  	v2 =	vld [tilespmem:$0x17280]  }
0xeb: {  	v3 =	vld [tilespmem:$0x17290]  }
0xec: {  	v4 =	vld [tilespmem:$0x172A0]  }
0xed: {  	v5 =	vld [tilespmem:$0x172B0]  }
0xee: {  	v6 =	vld [tilespmem:$0x172C0]  }
0xef: {  	v2 =	vmax.f32 v2, $1.000000000e+00  }
0xf0: {  	(erf) = vrcp.f32 v2;
	v2 =	vmax.f32 v3, $1.000000000e+00  }
0xf1: {  	(erf) = vrcp.f32 v2;
	v2 =	vmax.f32 v4, $1.000000000e+00  }
0xf2: {  	(erf) = vrcp.f32 v2;
	v2 =	vmax.f32 v5, $1.000000000e+00  }
0xf3: {  	(erf) = vrcp.f32 v2;
	v2 =	vmax.f32 v6, $1.000000000e+00  }
0xf4: {  	(erf) = vrcp.f32 v2;
	_ =	sdelay $0x4  }
0xf5: {  	v2 =	vpop (erf)  }
0xf6: {  	v3 =	vpop (erf);
	[tilespmem:$0x17300] =	vst v2  }
0xf7: {  	v2 =	vpop (erf);
	[tilespmem:$0x17310] =	vst v3  }
0xf8: {  	v3 =	vpop (erf);
	[tilespmem:$0x17320] =	vst v2  }
0xf9: {  	[tilespmem:$0x17330] =	vst v3;
	v2 =	vpop (erf)  }
0xfa: {  	s29 =	simm.s32 $0x16B80;
	s22 =	rddreg [dreg:$0x13];
	[tilespmem:$0x17340] =	vst v2  }
0xfb: {  	[tilespmem:s29], [sflag:$0x2] =	stream.linear.gather [hbm4b:s22+s6], $0x180, $0x38;
	[tilespmem:$0x1F980] =	vst v63  }
0xfc: {  	s0 =	simm.s32 $0x16B80;
	s14 =	simm.s32 $0x0;
	s22 =	simm.s32 $0x0  }
.LBB2_9:
0xfd: {  	_ =	swait.ge [sflag:s13], $0x180  }
0xfe: {  	[sflag:s13] =	ssyncset.done $0x0  }
0xff: {  	s4 =	simm.s32 $0x19C80;
	[sflag:s13] =	ssyncadd.s32 $0xFFFFFE80  }
0x100: {  	[tilespmem:s4], [sflag:$0x5] =	stream.indirect.gather [hbm4b:s20+s30], $0x80, s0, s30, $0xb8;
	[tilespmem:$0x1F980] =	vst v63  }
0x101: {  	s29 =	simm.s32 $0x16C00  }
0x102: {  	[tilespmem:s26], [sflag:$0xA] =	stream.indirect.gather [spmem:s15], $0x1, s29, s30, $0xb8;
	[tilespmem:$0x1F980] =	vst v63  }
0x103: {  	_ =	swait.ge [sflag:s28], $0x50  }
0x104: {  	[sflag:s28] =	ssyncset.done $0x0  }
0x105: {  	[sflag:s28] =	ssyncadd.s32 $0xFFFFFFB0  }
0x106: {  	v2 =	vld [tilespmem:$0x17280]  }
0x107: {  	v3 =	vld [tilespmem:$0x17290]  }
0x108: {  	v4 =	vld [tilespmem:$0x172A0]  }
0x109: {  	v5 =	vld [tilespmem:$0x172B0]  }
0x10a: {  	v6 =	vld [tilespmem:$0x172C0]  }
0x10b: {  	v2 =	vmax.f32 v2, $1.000000000e+00  }
0x10c: {  	(erf) = vrcp.f32 v2;
	v2 =	vmax.f32 v3, $1.000000000e+00  }
0x10d: {  	(erf) = vrcp.f32 v2;
	v2 =	vmax.f32 v4, $1.000000000e+00  }
0x10e: {  	(erf) = vrcp.f32 v2;
	v2 =	vmax.f32 v5, $1.000000000e+00  }
0x10f: {  	(erf) = vrcp.f32 v2;
	v2 =	vmax.f32 v6, $1.000000000e+00  }
0x110: {  	(erf) = vrcp.f32 v2;
	_ =	sdelay $0x4  }
0x111: {  	v2 =	vpop (erf)  }
0x112: {  	v3 =	vpop (erf);
	[tilespmem:$0x17380] =	vst v2;
	v2 =	vmov s14  }
0x113: {  	v4 =	vpop (erf);
	[tilespmem:$0x17390] =	vst v3;
	v2 =	vand.u32 $0xFFFFFFFC, v2  }
0x114: {  	v5 =	vpop (erf);
	[tilespmem:$0x173A0] =	vst v4;
	v2 =	vbroadcast v2, $0x0  }
0x115: {  	[tilespmem:$0x173B0] =	vst v5;
	v4 =	vpop (erf)  }
0x116: {  	s4 =	simm.s32 $0x2;
	[tilespmem:$0x173C0] =	vst v4  }
0x117: {  	v3 =	vmov s4;
	_ =	swait.ge [sflag:s12], $0x2800  }
0x118: {  	v3 =	vand.u32 $0xFFFFFFFE, v3;
	[sflag:s12] =	ssyncset.done $0x0  }
0x119: {  	v3 =	vbroadcast v3, $0x0;
	[sflag:s12] =	ssyncadd.s32 $0xFFFFD800  }
0x11a: {  	s0 =	simm.s32 $0x17580;
	v2 =	vld.idx.msk [tilespmem:v2+s16+$0x0], $0xffff  }
0x11b: {  	v5 =	vld [tilespmem:s0+$0x70]  }
0x11c: {  	s5 =	simm.s32 $0x1;
	v6 =	vld [tilespmem:s0+$0xFFFFFF00]  }
0x11d: {  	v4 =	vmov s5;
	v7 =	vld [tilespmem:s0+$0xFFFFFF10]  }
0x11e: {  	v4 =	vand.u32 $0xFFFFFFFD, v4;
	v8 =	vld [tilespmem:s0+$0xFFFFFF20]  }
0x11f: {  	v4 =	vbroadcast v4, $0x0;
	v3 =	vld.idx.msk [tilespmem:v3+s16+$0x0], $0xffff  }
0x120: {  	v9 =	vld [tilespmem:s0+$0xFFFFFF30]  }
0x121: {  	v10 =	vld [tilespmem:s0+$0xFFFFFF40]  }
0x122: {  	v11 =	vld [tilespmem:s0+$0xFFFFFF50]  }
0x123: {  	v12 =	vld [tilespmem:s0+$0xFFFFFF60];
	v6 =	vmul.f32 v6, v2  }
0x124: {  	v14 =	vld [tilespmem:s0+$0x40];
	v5 =	vmul.f32 v5, v3  }
0x125: {  	v4 =	vld.idx.msk [tilespmem:v4+s16+$0x0], $0xffff;
	[tilespmem:s0+$0xFFFFFF00] =	vst v6;
	v6 =	vmul.f32 v7, v2  }
0x126: {  	v7 =	vld [tilespmem:s0+$0xFFFFFF70];
	[tilespmem:s0+$0x70] =	vst v5;
	v5 =	vmul.f32 v8, v2  }
0x127: {  	v8 =	vld [tilespmem:s0+$0xFFFFFF80];
	[tilespmem:s0+$0xFFFFFF10] =	vst v6;
	v6 =	vmul.f32 v9, v2  }
0x128: {  	v9 =	vld [tilespmem:s0+$0xFFFFFF90];
	[tilespmem:s0+$0xFFFFFF20] =	vst v5;
	v5 =	vmul.f32 v10, v2  }
0x129: {  	v10 =	vld [tilespmem:s0+$0xFFFFFFA0];
	[tilespmem:s0+$0xFFFFFF30] =	vst v6;
	v6 =	vmul.f32 v11, v2  }
0x12a: {  	v11 =	vld [tilespmem:s0+$0xFFFFFFB0];
	[tilespmem:s0+$0xFFFFFF40] =	vst v5;
	v5 =	vmul.f32 v12, v2  }
0x12b: {  	v12 =	vld [tilespmem:s0+$0xFFFFFFC0];
	v7 =	vmul.f32 v7, v2;
	[tilespmem:s0+$0xFFFFFF50] =	vst v6  }
0x12c: {  	v6 =	vmul.f32 v8, v4;
	v8 =	vld [tilespmem:s0+$0xFFFFFFD0];
	[tilespmem:s0+$0xFFFFFF60] =	vst v5  }
0x12d: {  	s6 =	simm.s32 $0x3;
	v5 =	vld [tilespmem:s0+$0xFFFFFFE0];
	v9 =	vmul.f32 v9, v4;
	[tilespmem:s0+$0xFFFFFF70] =	vst v7  }
0x12e: {  	v13 =	vmov s6;
	v7 =	vld [tilespmem:s0+$0xFFFFFFF0];
	[tilespmem:s0+$0xFFFFFF80] =	vst v6;
	v6 =	vmul.f32 v10, v4  }
0x12f: {  	v10 =	vld [tilespmem:s0+$0x0];
	[tilespmem:s0+$0xFFFFFF90] =	vst v9;
	v9 =	vmul.f32 v11, v4  }
0x130: {  	v11 =	vld [tilespmem:s0+$0x10];
	[tilespmem:s0+$0xFFFFFFA0] =	vst v6;
	v6 =	vmul.f32 v12, v4  }
0x131: {  	[tilespmem:s0+$0xFFFFFFB0] =	vst v9;
	v8 =	vmul.f32 v8, v4;
	v9 =	vld [tilespmem:s0+$0x20]  }
0x132: {  	v12 =	vld [tilespmem:s0+$0x30];
	[tilespmem:s0+$0xFFFFFFC0] =	vst v6;
	v5 =	vmul.f32 v5, v4  }
0x133: {  	v2 =	vld.idx.msk [tilespmem:v13+s16+$0x0], $0xffff;
	v4 =	vmul.f32 v7, v4;
	[tilespmem:s0+$0xFFFFFFD0] =	vst v8  }
0x134: {  	v6 =	vmul.f32 v10, v3;
	[tilespmem:s0+$0xFFFFFFE0] =	vst v5;
	v5 =	vld [tilespmem:s0+$0x50]  }
0x135: {  	s17 =	simm.s32 $0x4;
	[tilespmem:s0+$0xFFFFFFF0] =	vst v4;
	v7 =	vmul.f32 v11, v3;
	v4 =	vld [tilespmem:s0+$0x60]  }
0x136: {  	s29 =	simm.s32 $0x7;
	v8 =	vmov s17;
	[tilespmem:s0+$0x0] =	vst v6;
	v10 =	vmul.f32 v9, v3;
	v9 =	vld [tilespmem:s0+$0x80]  }
0x137: {  	s5 =	simm.s32 $0x5;
	v13 =	vand.u32 $0xFFFFFFFC, v8;
	v8 =	vld [tilespmem:s0+$0x90];
	v6 =	vmov s29;
	v11 =	vmul.f32 v12, v3;
	[tilespmem:s0+$0x10] =	vst v7  }
0x138: {  	s4 =	simm.s32 $0x17580;
	s17 =	simm.s32 $0x8;
	v12 =	vmul.f32 v14, v3;
	v7 =	vbroadcast v13, $0x0;
	v13 =	vmov s5;
	s5 =	simm.s32 $0x6;
	[tilespmem:s0+$0x20] =	vst v10;
	v10 =	vld [tilespmem:s0+$0xA0]  }
.LBB2_10:
0x139: {  	p2 =	slt.u32 s17, $0x4C;
	v13 =	vand.u32 $0xFFFFFFFD, v13;
	v14 =	vmov s5;
	[tilespmem:s0+$0x30] =	vst v11;
	v5 =	vmul.f32 v5, v3;
	v11 =	vld [tilespmem:s0+$0xB0]  }
0x13a: {  	v13 =	vbroadcast v13, $0x0;
	v14 =	vand.u32 $0xFFFFFFFE, v14;
	[tilespmem:s0+$0x40] =	vst v12;
	v3 =	vmul.f32 v4, v3;
	v4 =	vld [tilespmem:s0+$0xC0]  }
0x13b: {  	v12 =	vbroadcast v14, $0x0;
	[tilespmem:s0+$0x50] =	vst v5;
	v5 =	vmul.f32 v9, v2;
	v9 =	vld [tilespmem:s0+$0xD0]  }
0x13c: {  	[tilespmem:s0+$0x60] =	vst v3;
	v3 =	vmul.f32 v8, v2;
	v8 =	vld [tilespmem:s0+$0xE0]  }
0x13d: {  	[tilespmem:s0+$0x80] =	vst v5;
	v5 =	vmul.f32 v10, v2;
	v10 =	vld [tilespmem:s0+$0xF0]  }
0x13e: {  	v6 =	vld.idx.msk [tilespmem:v6+s16+$0x0], $0xffff;
	[tilespmem:s0+$0x90] =	vst v3;
	v3 =	vmul.f32 v11, v2  }
0x13f: {  	v7 =	vld.idx.msk [tilespmem:v7+s16+$0x0], $0xffff;
	[tilespmem:s0+$0xA0] =	vst v5;
	v4 =	vmul.f32 v4, v2  }
0x140: {  	v5 =	vld.idx.msk [tilespmem:v13+s16+$0x0], $0xffff;
	[tilespmem:s0+$0xB0] =	vst v3;
	v9 =	vmul.f32 v9, v2  }
0x141: {  	s0 =	sadd.s32 $0x200, s0;
	v3 =	vld.idx.msk [tilespmem:v12+s16+$0x0], $0xffff;
	[tilespmem:s4+$0xC0] =	vst v4;
	v4 =	vmul.f32 v8, v2  }
0x142: {  	v8 =	vld [tilespmem:s0+$0x70];
	[tilespmem:s4+$0xD0] =	vst v9;
	v10 =	vmul.f32 v10, v2  }
0x143: {  	v9 =	vld [tilespmem:s0+$0xFFFFFF00];
	[tilespmem:s4+$0xE0] =	vst v4  }
0x144: {  	v2 =	vmov v6;
	v4 =	vld [tilespmem:s0+$0xFFFFFF10];
	[tilespmem:s4+$0xF0] =	vst v10;
	s4 =	smov.u32 s0  }
0x145: {  	v6 =	vld [tilespmem:s0+$0xFFFFFF20]  }
0x146: {  	v10 =	vld [tilespmem:s0+$0xFFFFFF30]  }
0x147: {  	v11 =	vld [tilespmem:s0+$0xFFFFFF40];
	v8 =	vmul.f32 v8, v3  }
0x148: {  	v9 =	vmul.f32 v9, v7;
	v12 =	vld [tilespmem:s0+$0xFFFFFF50]  }
0x149: {  	v4 =	vmul.f32 v4, v7;
	v13 =	vld [tilespmem:s0+$0xFFFFFF60];
	[tilespmem:s0+$0x70] =	vst v8  }
0x14a: {  	[tilespmem:s0+$0xFFFFFF00] =	vst v9;
	v6 =	vmul.f32 v6, v7;
	v8 =	vld [tilespmem:s0+$0xFFFFFF70]  }
0x14b: {  	[tilespmem:s0+$0xFFFFFF10] =	vst v4;
	v4 =	vmul.f32 v10, v7;
	v9 =	vld [tilespmem:s0+$0xFFFFFF80]  }
0x14c: {  	[tilespmem:s0+$0xFFFFFF20] =	vst v6;
	v6 =	vmul.f32 v11, v7;
	v10 =	vld [tilespmem:s0+$0xFFFFFF90]  }
0x14d: {  	[tilespmem:s0+$0xFFFFFF30] =	vst v4;
	v4 =	vmul.f32 v12, v7;
	v11 =	vld [tilespmem:s0+$0xFFFFFFA0]  }
0x14e: {  	[tilespmem:s0+$0xFFFFFF40] =	vst v6;
	v6 =	vmul.f32 v13, v7;
	v12 =	vld [tilespmem:s0+$0xFFFFFFB0]  }
0x14f: {  	[tilespmem:s0+$0xFFFFFF50] =	vst v4;
	v4 =	vmul.f32 v8, v7;
	v7 =	vld [tilespmem:s0+$0xFFFFFFC0]  }
0x150: {  	[tilespmem:s0+$0xFFFFFF60] =	vst v6;
	v6 =	vmul.f32 v9, v5;
	v8 =	vld [tilespmem:s0+$0xFFFFFFD0]  }
0x151: {  	[tilespmem:s0+$0xFFFFFF70] =	vst v4;
	v4 =	vmul.f32 v10, v5;
	v9 =	vld [tilespmem:s0+$0xFFFFFFE0]  }
0x152: {  	[tilespmem:s0+$0xFFFFFF80] =	vst v6;
	v6 =	vmul.f32 v11, v5;
	v10 =	vld [tilespmem:s0+$0xFFFFFFF0]  }
0x153: {  	[tilespmem:s0+$0xFFFFFF90] =	vst v4;
	v4 =	vmul.f32 v12, v5;
	v11 =	vld [tilespmem:s0+$0x0]  }
0x154: {  	[tilespmem:s0+$0xFFFFFFA0] =	vst v6;
	v6 =	vmul.f32 v7, v5;
	v7 =	vld [tilespmem:s0+$0x10]  }
0x155: {  	[tilespmem:s0+$0xFFFFFFB0] =	vst v4;
	v4 =	vmul.f32 v8, v5;
	v8 =	vld [tilespmem:s0+$0x20]  }
0x156: {  	[tilespmem:s0+$0xFFFFFFC0] =	vst v6;
	v6 =	vmul.f32 v9, v5;
	v12 =	vld [tilespmem:s0+$0x30]  }
0x157: {  	[tilespmem:s0+$0xFFFFFFD0] =	vst v4;
	v4 =	vmul.f32 v10, v5;
	v10 =	vld [tilespmem:s0+$0x40]  }
.Ltmp4:
0x158: {  	[tilespmem:s0+$0xFFFFFFE0] =	vst v6;
	v6 =	vmul.f32 v11, v3;
	v5 =	vld [tilespmem:s0+$0x50];
	(pc) =	sbr.rel @p2 .LBB2_10-.Ltmp4, $4  }
0x159: {  	[tilespmem:s0+$0xFFFFFFF0] =	vst v4;
	v7 =	vmul.f32 v7, v3;
	v4 =	vld [tilespmem:s0+$0x60]  }
0x15a: {  	s5 =	sadd.s32 $0x3, s17;
	v11 =	vmov s17;
	[tilespmem:s0+$0x0] =	vst v6;
	v14 =	vmul.f32 v8, v3;
	v9 =	vld [tilespmem:s0+$0x80]  }
0x15b: {  	s6 =	sadd.s32 $0x1, s17;
	v13 =	vand.u32 $0xFFFFFFFC, v11;
	v6 =	vmov s5;
	[tilespmem:s0+$0x10] =	vst v7;
	v11 =	vmul.f32 v12, v3;
	v8 =	vld [tilespmem:s0+$0x90]  }
0x15c: {  	s5 =	sadd.s32 $0x2, s17;
	s17 =	sadd.s32 $0x4, s17;
	v7 =	vbroadcast v13, $0x0;
	v13 =	vmov s6;
	[tilespmem:s0+$0x20] =	vst v14;
	v12 =	vmul.f32 v10, v3;
	v10 =	vld [tilespmem:s0+$0xA0]  }
0x15d: {  	v14 =	vld [tilespmem:s0+$0xB0]  }
0x15e: {  	v16 =	vld [tilespmem:s0+$0xC0]  }
0x15f: {  	v15 =	vmov s5;
	v17 =	vld [tilespmem:s0+$0xD0]  }
0x160: {  	v18 =	vld [tilespmem:s0+$0xE0];
	[tilespmem:s0+$0x30] =	vst v11;
	v5 =	vmul.f32 v5, v3;
	v15 =	vand.u32 $0xFFFFFFFE, v15  }
0x161: {  	v13 =	vand.u32 $0xFFFFFFFD, v13;
	v6 =	vld.idx.msk [tilespmem:v6+s16+$0x0], $0xffff;
	[tilespmem:s0+$0x40] =	vst v12;
	v3 =	vmul.f32 v4, v3;
	v15 =	vbroadcast v15, $0x0  }
0x162: {  	s6 =	sadd.s32 $0x200, s0;
	v13 =	vbroadcast v13, $0x0;
	v4 =	vld.idx.msk [tilespmem:v7+s16+$0x0], $0xffff;
	v9 =	vmul.f32 v9, v2;
	[tilespmem:s0+$0x50] =	vst v5  }
0x163: {  	v11 =	vld [tilespmem:s6+$0xFFFFFF00];
	v5 =	vmul.f32 v8, v2;
	[tilespmem:s0+$0x60] =	vst v3  }
0x164: {  	[tilespmem:s0+$0x80] =	vst v9;
	v9 =	vld [tilespmem:s0+$0xF0];
	v3 =	vmul.f32 v10, v2  }
0x165: {  	v12 =	vld [tilespmem:s6+$0xFFFFFF10];
	[tilespmem:s0+$0x90] =	vst v5;
	v5 =	vmul.f32 v14, v2  }
0x166: {  	v10 =	vld [tilespmem:s6+$0x70];
	[tilespmem:s0+$0xA0] =	vst v3;
	v3 =	vmul.f32 v16, v2  }
0x167: {  	[tilespmem:s0+$0xB0] =	vst v5;
	v5 =	vmul.f32 v17, v2;
	v8 =	vld.idx.msk [tilespmem:v15+s16+$0x0], $0xffff  }
0x168: {  	v7 =	vld.idx.msk [tilespmem:v13+s16+$0x0], $0xffff;
	[tilespmem:s4+$0xC0] =	vst v3;
	v3 =	vmul.f32 v18, v2  }
0x169: {  	v13 =	vld [tilespmem:s6+$0xFFFFFF20];
	[tilespmem:s4+$0xD0] =	vst v5;
	v2 =	vmul.f32 v9, v2  }
0x16a: {  	v5 =	vld [tilespmem:s6+$0xFFFFFF30];
	[tilespmem:s4+$0xE0] =	vst v3  }
0x16b: {  	v3 =	vld [tilespmem:s6+$0xFFFFFF40];
	[tilespmem:s4+$0xF0] =	vst v2;
	v2 =	vmul.f32 v11, v4  }
0x16c: {  	v9 =	vmul.f32 v10, v8;
	v10 =	vld [tilespmem:s6+$0xFFFFFF50]  }
0x16d: {  	v11 =	vmul.f32 v12, v4;
	v12 =	vld [tilespmem:s6+$0xFFFFFF60];
	[tilespmem:s6+$0xFFFFFF00] =	vst v2  }
0x16e: {  	v2 =	vmul.f32 v13, v4;
	[tilespmem:s6+$0x70] =	vst v9;
	v9 =	vld [tilespmem:s6+$0xFFFFFF70]  }
0x16f: {  	[tilespmem:s6+$0xFFFFFF10] =	vst v11;
	v11 =	vld [tilespmem:s6+$0xFFFFFF80];
	v5 =	vmul.f32 v5, v4  }
0x170: {  	[tilespmem:s6+$0xFFFFFF20] =	vst v2;
	v2 =	vmul.f32 v3, v4;
	v3 =	vld [tilespmem:s6+$0xFFFFFF90]  }
0x171: {  	[tilespmem:s6+$0xFFFFFF30] =	vst v5;
	v5 =	vmul.f32 v10, v4;
	v10 =	vld [tilespmem:s6+$0xFFFFFFA0]  }
0x172: {  	[tilespmem:s6+$0xFFFFFF40] =	vst v2;
	v2 =	vmul.f32 v12, v4;
	v12 =	vld [tilespmem:s6+$0xFFFFFFB0]  }
0x173: {  	[tilespmem:s6+$0xFFFFFF50] =	vst v5;
	v4 =	vmul.f32 v9, v4;
	v5 =	vld [tilespmem:s6+$0xFFFFFFC0]  }
0x174: {  	[tilespmem:s6+$0xFFFFFF60] =	vst v2;
	v2 =	vmul.f32 v11, v7;
	v9 =	vld [tilespmem:s6+$0xFFFFFFD0]  }
0x175: {  	v3 =	vmul.f32 v3, v7;
	[tilespmem:s6+$0xFFFFFF70] =	vst v4;
	v4 =	vld [tilespmem:s6+$0xFFFFFFE0]  }
0x176: {  	[tilespmem:s6+$0xFFFFFF80] =	vst v2;
	v2 =	vmul.f32 v10, v7;
	v10 =	vld [tilespmem:s6+$0xFFFFFFF0]  }
0x177: {  	v11 =	vld [tilespmem:s6+$0x0];
	[tilespmem:s6+$0xFFFFFF90] =	vst v3;
	v3 =	vmul.f32 v12, v7  }
0x178: {  	[tilespmem:s6+$0xFFFFFFA0] =	vst v2;
	v2 =	vmul.f32 v5, v7;
	v5 =	vld [tilespmem:s6+$0x10]  }
0x179: {  	[tilespmem:s6+$0xFFFFFFB0] =	vst v3;
	v3 =	vmul.f32 v9, v7;
	v9 =	vld [tilespmem:s6+$0x20]  }
0x17a: {  	[tilespmem:s6+$0xFFFFFFC0] =	vst v2;
	v2 =	vmul.f32 v4, v7;
	v4 =	vld [tilespmem:s6+$0x30]  }
0x17b: {  	[tilespmem:s6+$0xFFFFFFD0] =	vst v3;
	v3 =	vmul.f32 v10, v7;
	v7 =	vld [tilespmem:s6+$0x40]  }
0x17c: {  	v10 =	vld [tilespmem:s6+$0x50];
	[tilespmem:s6+$0xFFFFFFE0] =	vst v2;
	v2 =	vmul.f32 v11, v8  }
0x17d: {  	[tilespmem:s6+$0xFFFFFFF0] =	vst v3;
	v3 =	vmul.f32 v5, v8;
	v5 =	vld [tilespmem:s6+$0x60]  }
0x17e: {  	[tilespmem:s6+$0x0] =	vst v2;
	v2 =	vmul.f32 v9, v8;
	v9 =	vld [tilespmem:s6+$0x80]  }
0x17f: {  	[tilespmem:s6+$0x10] =	vst v3;
	v3 =	vmul.f32 v4, v8;
	v4 =	vld [tilespmem:s6+$0x90]  }
0x180: {  	[tilespmem:s6+$0x20] =	vst v2;
	v2 =	vmul.f32 v7, v8;
	v7 =	vld [tilespmem:s6+$0xA0]  }
0x181: {  	[tilespmem:s6+$0x30] =	vst v3;
	v3 =	vmul.f32 v10, v8;
	v10 =	vld [tilespmem:s6+$0xB0]  }
0x182: {  	[tilespmem:s6+$0x40] =	vst v2;
	v2 =	vmul.f32 v5, v8;
	v5 =	vld [tilespmem:s6+$0xC0]  }
0x183: {  	v8 =	vld [tilespmem:s6+$0xD0];
	[tilespmem:s6+$0x50] =	vst v3;
	v3 =	vmul.f32 v9, v6  }
0x184: {  	[tilespmem:s6+$0x60] =	vst v2;
	v2 =	vmul.f32 v4, v6;
	v4 =	vld [tilespmem:s6+$0xE0]  }
0x185: {  	[tilespmem:s6+$0x80] =	vst v3;
	v3 =	vmul.f32 v7, v6;
	v7 =	vld [tilespmem:s6+$0xF0]  }
0x186: {  	[tilespmem:s6+$0x90] =	vst v2;
	v2 =	vmul.f32 v10, v6  }
0x187: {  	[tilespmem:s6+$0xA0] =	vst v3;
	v3 =	vmul.f32 v5, v6  }
0x188: {  	[tilespmem:s6+$0xB0] =	vst v2;
	v2 =	vmul.f32 v8, v6  }
0x189: {  	[tilespmem:s6+$0xC0] =	vst v3;
	v3 =	vmul.f32 v4, v6  }
0x18a: {  	[tilespmem:s6+$0xD0] =	vst v2;
	v2 =	vmul.f32 v7, v6  }
0x18b: {  	[tilespmem:s6+$0xE0] =	vst v3  }
0x18c: {  	s17 =	simm.s32 $0x16A80;
	p2 =	seq.s32 s22, $0x0;
	s0 =	smul.u32 $0x3, s22;
	[tilespmem:s6+$0xF0] =	vst v2  }
0x18d: {  	[spmem:s1] =	stream.indirect.scatter.add.f32 [tilespmem:s9], [sflag:$0x7], $0x80, s17, s30, $0xb8;
	[tilespmem:$0x1F980] =	vst v63  }
0x18e: {  	s4 =	simm.s32 @!p2 $0x9;
	s5 =	rddreg [dreg:$0x10]  }
0x18f: {  	s5 =	sadd.s32 s5, s0;
	_ =	swait.ge @!p2 [sflag:s4], $0x2800  }
0x190: {  	s6 =	simm.s32 $0x16D80;
	[sflag:s4] =	ssyncset.done @!p2 $0x0;
	s5 =	sshll.u32 s5, $0x6  }
0x191: {  	[sflag:s4] =	ssyncadd.s32 @!p2 $0xFFFFD800;
	s29 =	sadd.s32 s5, s21;
	s5 =	simm.s32 $0x0  }
0x192: {  	[tilespmem:s6], [sflag:$0x3] =	stream.linear.gather [hbm4b:s29+s5], $0x180, $0x38;
	[tilespmem:$0x1F980] =	vst v63  }
0x193: {  	_ =	swait.ge [sflag:s3], $0x180  }
0x194: {  	[sflag:s3] =	ssyncset.done $0x0  }
0x195: {  	s17 =	simm.s32 $0x1C480;
	[sflag:s3] =	ssyncadd.s32 $0xFFFFFE80  }
0x196: {  	[tilespmem:s17], [sflag:$0x6] =	stream.indirect.gather [hbm4b:s20+s30], $0x80, s6, s30, $0xb8;
	[tilespmem:$0x1F980] =	vst v63  }
0x197: {  	s29 =	simm.s32 $0x16E00  }
0x198: {  	[tilespmem:s26], [sflag:$0xA] =	stream.indirect.gather [spmem:s15], $0x1, s29, s30, $0xb8;
	[tilespmem:$0x1F980] =	vst v63  }
0x199: {  	_ =	swait.ge [sflag:s28], $0x50  }
0x19a: {  	[sflag:s28] =	ssyncset.done $0x0  }
0x19b: {  	[sflag:s28] =	ssyncadd.s32 $0xFFFFFFB0  }
0x19c: {  	v2 =	vld [tilespmem:$0x17280]  }
0x19d: {  	v3 =	vld [tilespmem:$0x17290]  }
0x19e: {  	v4 =	vld [tilespmem:$0x172A0]  }
0x19f: {  	v5 =	vld [tilespmem:$0x172B0]  }
0x1a0: {  	v6 =	vld [tilespmem:$0x172C0]  }
0x1a1: {  	v2 =	vmax.f32 v2, $1.000000000e+00  }
0x1a2: {  	(erf) = vrcp.f32 v2;
	v2 =	vmax.f32 v3, $1.000000000e+00  }
0x1a3: {  	(erf) = vrcp.f32 v2;
	v2 =	vmax.f32 v4, $1.000000000e+00  }
0x1a4: {  	(erf) = vrcp.f32 v2;
	v2 =	vmax.f32 v5, $1.000000000e+00  }
0x1a5: {  	(erf) = vrcp.f32 v2;
	v2 =	vmax.f32 v6, $1.000000000e+00  }
0x1a6: {  	(erf) = vrcp.f32 v2;
	_ =	sdelay $0x4  }
0x1a7: {  	v2 =	vpop (erf)  }
0x1a8: {  	v3 =	vpop (erf);
	[tilespmem:$0x17400] =	vst v2;
	v2 =	vmov s5  }
0x1a9: {  	v4 =	vpop (erf);
	[tilespmem:$0x17410] =	vst v3;
	v2 =	vand.u32 $0xFFFFFFFC, v2  }
0x1aa: {  	v5 =	vpop (erf);
	[tilespmem:$0x17420] =	vst v4;
	v2 =	vbroadcast v2, $0x0  }
0x1ab: {  	[tilespmem:$0x17430] =	vst v5;
	v4 =	vpop (erf)  }
0x1ac: {  	s6 =	simm.s32 $0x2;
	[tilespmem:$0x17440] =	vst v4  }
0x1ad: {  	v3 =	vmov s6;
	_ =	swait.ge [sflag:s23], $0x2800  }
0x1ae: {  	v3 =	vand.u32 $0xFFFFFFFE, v3;
	[sflag:s23] =	ssyncset.done $0x0  }
0x1af: {  	v3 =	vbroadcast v3, $0x0;
	[sflag:s23] =	ssyncadd.s32 $0xFFFFD800  }
0x1b0: {  	s4 =	simm.s32 $0x19D80;
	v2 =	vld.idx.msk [tilespmem:v2+s10+$0x0], $0xffff  }
0x1b1: {  	v5 =	vld [tilespmem:s4+$0x70]  }
0x1b2: {  	s17 =	simm.s32 $0x1;
	v6 =	vld [tilespmem:s4+$0xFFFFFF00]  }
0x1b3: {  	v4 =	vmov s17;
	v7 =	vld [tilespmem:s4+$0xFFFFFF10]  }
0x1b4: {  	v4 =	vand.u32 $0xFFFFFFFD, v4;
	v8 =	vld [tilespmem:s4+$0xFFFFFF20]  }
0x1b5: {  	v4 =	vbroadcast v4, $0x0;
	v3 =	vld.idx.msk [tilespmem:v3+s10+$0x0], $0xffff  }
0x1b6: {  	v9 =	vld [tilespmem:s4+$0xFFFFFF30]  }
0x1b7: {  	v10 =	vld [tilespmem:s4+$0xFFFFFF40]  }
0x1b8: {  	v11 =	vld [tilespmem:s4+$0xFFFFFF50]  }
0x1b9: {  	v12 =	vld [tilespmem:s4+$0xFFFFFF60];
	v6 =	vmul.f32 v6, v2  }
0x1ba: {  	v14 =	vld [tilespmem:s4+$0x40];
	v5 =	vmul.f32 v5, v3  }
0x1bb: {  	v4 =	vld.idx.msk [tilespmem:v4+s10+$0x0], $0xffff;
	[tilespmem:s4+$0xFFFFFF00] =	vst v6;
	v6 =	vmul.f32 v7, v2  }
0x1bc: {  	v7 =	vld [tilespmem:s4+$0xFFFFFF70];
	[tilespmem:s4+$0x70] =	vst v5;
	v5 =	vmul.f32 v8, v2  }
0x1bd: {  	v8 =	vld [tilespmem:s4+$0xFFFFFF80];
	[tilespmem:s4+$0xFFFFFF10] =	vst v6;
	v6 =	vmul.f32 v9, v2  }
0x1be: {  	v9 =	vld [tilespmem:s4+$0xFFFFFF90];
	[tilespmem:s4+$0xFFFFFF20] =	vst v5;
	v5 =	vmul.f32 v10, v2  }
0x1bf: {  	v10 =	vld [tilespmem:s4+$0xFFFFFFA0];
	[tilespmem:s4+$0xFFFFFF30] =	vst v6;
	v6 =	vmul.f32 v11, v2  }
0x1c0: {  	v11 =	vld [tilespmem:s4+$0xFFFFFFB0];
	[tilespmem:s4+$0xFFFFFF40] =	vst v5;
	v5 =	vmul.f32 v12, v2  }
0x1c1: {  	v12 =	vld [tilespmem:s4+$0xFFFFFFC0];
	v7 =	vmul.f32 v7, v2;
	[tilespmem:s4+$0xFFFFFF50] =	vst v6  }
0x1c2: {  	v6 =	vmul.f32 v8, v4;
	v8 =	vld [tilespmem:s4+$0xFFFFFFD0];
	[tilespmem:s4+$0xFFFFFF60] =	vst v5  }
0x1c3: {  	s29 =	simm.s32 $0x3;
	v5 =	vld [tilespmem:s4+$0xFFFFFFE0];
	v9 =	vmul.f32 v9, v4;
	[tilespmem:s4+$0xFFFFFF70] =	vst v7  }
0x1c4: {  	v13 =	vmov s29;
	v7 =	vld [tilespmem:s4+$0xFFFFFFF0];
	[tilespmem:s4+$0xFFFFFF80] =	vst v6;
	v6 =	vmul.f32 v10, v4  }
0x1c5: {  	v10 =	vld [tilespmem:s4+$0x0];
	[tilespmem:s4+$0xFFFFFF90] =	vst v9;
	v9 =	vmul.f32 v11, v4  }
0x1c6: {  	v11 =	vld [tilespmem:s4+$0x10];
	[tilespmem:s4+$0xFFFFFFA0] =	vst v6;
	v6 =	vmul.f32 v12, v4  }
0x1c7: {  	[tilespmem:s4+$0xFFFFFFB0] =	vst v9;
	v8 =	vmul.f32 v8, v4;
	v9 =	vld [tilespmem:s4+$0x20]  }
0x1c8: {  	v12 =	vld [tilespmem:s4+$0x30];
	[tilespmem:s4+$0xFFFFFFC0] =	vst v6;
	v5 =	vmul.f32 v5, v4  }
0x1c9: {  	v2 =	vld.idx.msk [tilespmem:v13+s10+$0x0], $0xffff;
	v4 =	vmul.f32 v7, v4;
	[tilespmem:s4+$0xFFFFFFD0] =	vst v8  }
0x1ca: {  	v6 =	vmul.f32 v10, v3;
	[tilespmem:s4+$0xFFFFFFE0] =	vst v5;
	v5 =	vld [tilespmem:s4+$0x50]  }
0x1cb: {  	s6 =	simm.s32 $0x4;
	[tilespmem:s4+$0xFFFFFFF0] =	vst v4;
	v7 =	vmul.f32 v11, v3;
	v4 =	vld [tilespmem:s4+$0x60]  }
0x1cc: {  	s17 =	simm.s32 $0x7;
	v8 =	vmov s6;
	[tilespmem:s4+$0x0] =	vst v6;
	v10 =	vmul.f32 v9, v3;
	v9 =	vld [tilespmem:s4+$0x80]  }
0x1cd: {  	s29 =	simm.s32 $0x5;
	v13 =	vand.u32 $0xFFFFFFFC, v8;
	v8 =	vld [tilespmem:s4+$0x90];
	v6 =	vmov s17;
	v11 =	vmul.f32 v12, v3;
	[tilespmem:s4+$0x10] =	vst v7  }
0x1ce: {  	s5 =	simm.s32 $0x8;
	s6 =	simm.s32 $0x6;
	v12 =	vmul.f32 v14, v3;
	s17 =	simm.s32 $0x19D80;
	v7 =	vbroadcast v13, $0x0;
	v13 =	vmov s29;
	[tilespmem:s4+$0x20] =	vst v10;
	v10 =	vld [tilespmem:s4+$0xA0]  }
.LBB2_12:
0x1cf: {  	p2 =	slt.u32 s5, $0x4C;
	v13 =	vand.u32 $0xFFFFFFFD, v13;
	v14 =	vmov s6;
	[tilespmem:s4+$0x30] =	vst v11;
	v5 =	vmul.f32 v5, v3;
	v11 =	vld [tilespmem:s4+$0xB0]  }
0x1d0: {  	v13 =	vbroadcast v13, $0x0;
	v14 =	vand.u32 $0xFFFFFFFE, v14;
	[tilespmem:s4+$0x40] =	vst v12;
	v3 =	vmul.f32 v4, v3;
	v4 =	vld [tilespmem:s4+$0xC0]  }
0x1d1: {  	v12 =	vbroadcast v14, $0x0;
	[tilespmem:s4+$0x50] =	vst v5;
	v5 =	vmul.f32 v9, v2;
	v9 =	vld [tilespmem:s4+$0xD0]  }
0x1d2: {  	[tilespmem:s4+$0x60] =	vst v3;
	v3 =	vmul.f32 v8, v2;
	v8 =	vld [tilespmem:s4+$0xE0]  }
0x1d3: {  	[tilespmem:s4+$0x80] =	vst v5;
	v5 =	vmul.f32 v10, v2;
	v10 =	vld [tilespmem:s4+$0xF0]  }
0x1d4: {  	v6 =	vld.idx.msk [tilespmem:v6+s10+$0x0], $0xffff;
	[tilespmem:s4+$0x90] =	vst v3;
	v3 =	vmul.f32 v11, v2  }
0x1d5: {  	v7 =	vld.idx.msk [tilespmem:v7+s10+$0x0], $0xffff;
	[tilespmem:s4+$0xA0] =	vst v5;
	v4 =	vmul.f32 v4, v2  }
0x1d6: {  	v5 =	vld.idx.msk [tilespmem:v13+s10+$0x0], $0xffff;
	[tilespmem:s4+$0xB0] =	vst v3;
	v9 =	vmul.f32 v9, v2  }
0x1d7: {  	s4 =	sadd.s32 $0x200, s4;
	v3 =	vld.idx.msk [tilespmem:v12+s10+$0x0], $0xffff;
	[tilespmem:s17+$0xC0] =	vst v4;
	v4 =	vmul.f32 v8, v2  }
0x1d8: {  	v8 =	vld [tilespmem:s4+$0x70];
	[tilespmem:s17+$0xD0] =	vst v9;
	v10 =	vmul.f32 v10, v2  }
0x1d9: {  	v9 =	vld [tilespmem:s4+$0xFFFFFF00];
	[tilespmem:s17+$0xE0] =	vst v4  }
0x1da: {  	v2 =	vmov v6;
	v4 =	vld [tilespmem:s4+$0xFFFFFF10];
	[tilespmem:s17+$0xF0] =	vst v10;
	s17 =	smov.u32 s4  }
0x1db: {  	v6 =	vld [tilespmem:s4+$0xFFFFFF20]  }
0x1dc: {  	v10 =	vld [tilespmem:s4+$0xFFFFFF30]  }
0x1dd: {  	v11 =	vld [tilespmem:s4+$0xFFFFFF40];
	v8 =	vmul.f32 v8, v3  }
0x1de: {  	v9 =	vmul.f32 v9, v7;
	v12 =	vld [tilespmem:s4+$0xFFFFFF50]  }
0x1df: {  	v4 =	vmul.f32 v4, v7;
	v13 =	vld [tilespmem:s4+$0xFFFFFF60];
	[tilespmem:s4+$0x70] =	vst v8  }
0x1e0: {  	[tilespmem:s4+$0xFFFFFF00] =	vst v9;
	v6 =	vmul.f32 v6, v7;
	v8 =	vld [tilespmem:s4+$0xFFFFFF70]  }
0x1e1: {  	[tilespmem:s4+$0xFFFFFF10] =	vst v4;
	v4 =	vmul.f32 v10, v7;
	v9 =	vld [tilespmem:s4+$0xFFFFFF80]  }
0x1e2: {  	[tilespmem:s4+$0xFFFFFF20] =	vst v6;
	v6 =	vmul.f32 v11, v7;
	v10 =	vld [tilespmem:s4+$0xFFFFFF90]  }
0x1e3: {  	[tilespmem:s4+$0xFFFFFF30] =	vst v4;
	v4 =	vmul.f32 v12, v7;
	v11 =	vld [tilespmem:s4+$0xFFFFFFA0]  }
0x1e4: {  	[tilespmem:s4+$0xFFFFFF40] =	vst v6;
	v6 =	vmul.f32 v13, v7;
	v12 =	vld [tilespmem:s4+$0xFFFFFFB0]  }
0x1e5: {  	[tilespmem:s4+$0xFFFFFF50] =	vst v4;
	v4 =	vmul.f32 v8, v7;
	v7 =	vld [tilespmem:s4+$0xFFFFFFC0]  }
0x1e6: {  	[tilespmem:s4+$0xFFFFFF60] =	vst v6;
	v6 =	vmul.f32 v9, v5;
	v8 =	vld [tilespmem:s4+$0xFFFFFFD0]  }
0x1e7: {  	[tilespmem:s4+$0xFFFFFF70] =	vst v4;
	v4 =	vmul.f32 v10, v5;
	v9 =	vld [tilespmem:s4+$0xFFFFFFE0]  }
0x1e8: {  	[tilespmem:s4+$0xFFFFFF80] =	vst v6;
	v6 =	vmul.f32 v11, v5;
	v10 =	vld [tilespmem:s4+$0xFFFFFFF0]  }
0x1e9: {  	[tilespmem:s4+$0xFFFFFF90] =	vst v4;
	v4 =	vmul.f32 v12, v5;
	v11 =	vld [tilespmem:s4+$0x0]  }
0x1ea: {  	[tilespmem:s4+$0xFFFFFFA0] =	vst v6;
	v6 =	vmul.f32 v7, v5;
	v7 =	vld [tilespmem:s4+$0x10]  }
0x1eb: {  	[tilespmem:s4+$0xFFFFFFB0] =	vst v4;
	v4 =	vmul.f32 v8, v5;
	v8 =	vld [tilespmem:s4+$0x20]  }
0x1ec: {  	[tilespmem:s4+$0xFFFFFFC0] =	vst v6;
	v6 =	vmul.f32 v9, v5;
	v12 =	vld [tilespmem:s4+$0x30]  }
0x1ed: {  	[tilespmem:s4+$0xFFFFFFD0] =	vst v4;
	v4 =	vmul.f32 v10, v5;
	v10 =	vld [tilespmem:s4+$0x40]  }
.Ltmp5:
0x1ee: {  	[tilespmem:s4+$0xFFFFFFE0] =	vst v6;
	v6 =	vmul.f32 v11, v3;
	v5 =	vld [tilespmem:s4+$0x50];
	(pc) =	sbr.rel @p2 .LBB2_12-.Ltmp5, $4  }
0x1ef: {  	[tilespmem:s4+$0xFFFFFFF0] =	vst v4;
	v7 =	vmul.f32 v7, v3;
	v4 =	vld [tilespmem:s4+$0x60]  }
0x1f0: {  	s6 =	sadd.s32 $0x3, s5;
	v11 =	vmov s5;
	[tilespmem:s4+$0x0] =	vst v6;
	v14 =	vmul.f32 v8, v3;
	v9 =	vld [tilespmem:s4+$0x80]  }
0x1f1: {  	s29 =	sadd.s32 $0x1, s5;
	v13 =	vand.u32 $0xFFFFFFFC, v11;
	v6 =	vmov s6;
	[tilespmem:s4+$0x10] =	vst v7;
	v11 =	vmul.f32 v12, v3;
	v8 =	vld [tilespmem:s4+$0x90]  }
0x1f2: {  	s6 =	sadd.s32 $0x2, s5;
	s5 =	sadd.s32 $0x4, s5;
	v7 =	vbroadcast v13, $0x0;
	v13 =	vmov s29;
	[tilespmem:s4+$0x20] =	vst v14;
	v12 =	vmul.f32 v10, v3;
	v10 =	vld [tilespmem:s4+$0xA0]  }
0x1f3: {  	v14 =	vld [tilespmem:s4+$0xB0]  }
0x1f4: {  	v16 =	vld [tilespmem:s4+$0xC0]  }
0x1f5: {  	v15 =	vmov s6;
	v17 =	vld [tilespmem:s4+$0xD0]  }
0x1f6: {  	v18 =	vld [tilespmem:s4+$0xE0];
	[tilespmem:s4+$0x30] =	vst v11;
	v5 =	vmul.f32 v5, v3;
	v15 =	vand.u32 $0xFFFFFFFE, v15  }
0x1f7: {  	v13 =	vand.u32 $0xFFFFFFFD, v13;
	v6 =	vld.idx.msk [tilespmem:v6+s10+$0x0], $0xffff;
	[tilespmem:s4+$0x40] =	vst v12;
	v3 =	vmul.f32 v4, v3;
	v15 =	vbroadcast v15, $0x0  }
0x1f8: {  	s5 =	sadd.s32 $0x200, s4;
	v13 =	vbroadcast v13, $0x0;
	v4 =	vld.idx.msk [tilespmem:v7+s10+$0x0], $0xffff;
	v9 =	vmul.f32 v9, v2;
	[tilespmem:s4+$0x50] =	vst v5  }
0x1f9: {  	v11 =	vld [tilespmem:s5+$0xFFFFFF00];
	v5 =	vmul.f32 v8, v2;
	[tilespmem:s4+$0x60] =	vst v3  }
0x1fa: {  	[tilespmem:s4+$0x80] =	vst v9;
	v9 =	vld [tilespmem:s4+$0xF0];
	v3 =	vmul.f32 v10, v2  }
0x1fb: {  	v12 =	vld [tilespmem:s5+$0xFFFFFF10];
	[tilespmem:s4+$0x90] =	vst v5;
	v5 =	vmul.f32 v14, v2  }
0x1fc: {  	v10 =	vld [tilespmem:s5+$0x70];
	[tilespmem:s4+$0xA0] =	vst v3;
	v3 =	vmul.f32 v16, v2  }
0x1fd: {  	[tilespmem:s4+$0xB0] =	vst v5;
	v5 =	vmul.f32 v17, v2;
	v8 =	vld.idx.msk [tilespmem:v15+s10+$0x0], $0xffff  }
0x1fe: {  	v7 =	vld.idx.msk [tilespmem:v13+s10+$0x0], $0xffff;
	[tilespmem:s17+$0xC0] =	vst v3;
	v3 =	vmul.f32 v18, v2  }
0x1ff: {  	v13 =	vld [tilespmem:s5+$0xFFFFFF20];
	[tilespmem:s17+$0xD0] =	vst v5;
	v2 =	vmul.f32 v9, v2  }
0x200: {  	v5 =	vld [tilespmem:s5+$0xFFFFFF30];
	[tilespmem:s17+$0xE0] =	vst v3  }
0x201: {  	v3 =	vld [tilespmem:s5+$0xFFFFFF40];
	[tilespmem:s17+$0xF0] =	vst v2;
	v2 =	vmul.f32 v11, v4  }
0x202: {  	v9 =	vmul.f32 v10, v8;
	v10 =	vld [tilespmem:s5+$0xFFFFFF50]  }
0x203: {  	v11 =	vmul.f32 v12, v4;
	v12 =	vld [tilespmem:s5+$0xFFFFFF60];
	[tilespmem:s5+$0xFFFFFF00] =	vst v2  }
0x204: {  	v2 =	vmul.f32 v13, v4;
	[tilespmem:s5+$0x70] =	vst v9;
	v9 =	vld [tilespmem:s5+$0xFFFFFF70]  }
0x205: {  	[tilespmem:s5+$0xFFFFFF10] =	vst v11;
	v11 =	vld [tilespmem:s5+$0xFFFFFF80];
	v5 =	vmul.f32 v5, v4  }
0x206: {  	[tilespmem:s5+$0xFFFFFF20] =	vst v2;
	v2 =	vmul.f32 v3, v4;
	v3 =	vld [tilespmem:s5+$0xFFFFFF90]  }
0x207: {  	[tilespmem:s5+$0xFFFFFF30] =	vst v5;
	v5 =	vmul.f32 v10, v4;
	v10 =	vld [tilespmem:s5+$0xFFFFFFA0]  }
0x208: {  	[tilespmem:s5+$0xFFFFFF40] =	vst v2;
	v2 =	vmul.f32 v12, v4;
	v12 =	vld [tilespmem:s5+$0xFFFFFFB0]  }
0x209: {  	[tilespmem:s5+$0xFFFFFF50] =	vst v5;
	v4 =	vmul.f32 v9, v4;
	v5 =	vld [tilespmem:s5+$0xFFFFFFC0]  }
0x20a: {  	[tilespmem:s5+$0xFFFFFF60] =	vst v2;
	v2 =	vmul.f32 v11, v7;
	v9 =	vld [tilespmem:s5+$0xFFFFFFD0]  }
0x20b: {  	v3 =	vmul.f32 v3, v7;
	[tilespmem:s5+$0xFFFFFF70] =	vst v4;
	v4 =	vld [tilespmem:s5+$0xFFFFFFE0]  }
0x20c: {  	[tilespmem:s5+$0xFFFFFF80] =	vst v2;
	v2 =	vmul.f32 v10, v7;
	v10 =	vld [tilespmem:s5+$0xFFFFFFF0]  }
0x20d: {  	v11 =	vld [tilespmem:s5+$0x0];
	[tilespmem:s5+$0xFFFFFF90] =	vst v3;
	v3 =	vmul.f32 v12, v7  }
0x20e: {  	[tilespmem:s5+$0xFFFFFFA0] =	vst v2;
	v2 =	vmul.f32 v5, v7;
	v5 =	vld [tilespmem:s5+$0x10]  }
0x20f: {  	[tilespmem:s5+$0xFFFFFFB0] =	vst v3;
	v3 =	vmul.f32 v9, v7;
	v9 =	vld [tilespmem:s5+$0x20]  }
0x210: {  	[tilespmem:s5+$0xFFFFFFC0] =	vst v2;
	v2 =	vmul.f32 v4, v7;
	v4 =	vld [tilespmem:s5+$0x30]  }
0x211: {  	[tilespmem:s5+$0xFFFFFFD0] =	vst v3;
	v3 =	vmul.f32 v10, v7;
	v7 =	vld [tilespmem:s5+$0x40]  }
0x212: {  	v10 =	vld [tilespmem:s5+$0x50];
	[tilespmem:s5+$0xFFFFFFE0] =	vst v2;
	v2 =	vmul.f32 v11, v8  }
0x213: {  	[tilespmem:s5+$0xFFFFFFF0] =	vst v3;
	v3 =	vmul.f32 v5, v8;
	v5 =	vld [tilespmem:s5+$0x60]  }
0x214: {  	[tilespmem:s5+$0x0] =	vst v2;
	v2 =	vmul.f32 v9, v8;
	v9 =	vld [tilespmem:s5+$0x80]  }
0x215: {  	[tilespmem:s5+$0x10] =	vst v3;
	v3 =	vmul.f32 v4, v8;
	v4 =	vld [tilespmem:s5+$0x90]  }
0x216: {  	[tilespmem:s5+$0x20] =	vst v2;
	v2 =	vmul.f32 v7, v8;
	v7 =	vld [tilespmem:s5+$0xA0]  }
0x217: {  	[tilespmem:s5+$0x30] =	vst v3;
	v3 =	vmul.f32 v10, v8;
	v10 =	vld [tilespmem:s5+$0xB0]  }
0x218: {  	[tilespmem:s5+$0x40] =	vst v2;
	v2 =	vmul.f32 v5, v8;
	v5 =	vld [tilespmem:s5+$0xC0]  }
0x219: {  	v8 =	vld [tilespmem:s5+$0xD0];
	[tilespmem:s5+$0x50] =	vst v3;
	v3 =	vmul.f32 v9, v6  }
0x21a: {  	[tilespmem:s5+$0x60] =	vst v2;
	v2 =	vmul.f32 v4, v6;
	v4 =	vld [tilespmem:s5+$0xE0]  }
0x21b: {  	[tilespmem:s5+$0x80] =	vst v3;
	v3 =	vmul.f32 v7, v6;
	v7 =	vld [tilespmem:s5+$0xF0]  }
0x21c: {  	[tilespmem:s5+$0x90] =	vst v2;
	v2 =	vmul.f32 v10, v6  }
0x21d: {  	[tilespmem:s5+$0xA0] =	vst v3;
	v3 =	vmul.f32 v5, v6  }
0x21e: {  	[tilespmem:s5+$0xB0] =	vst v2;
	v2 =	vmul.f32 v8, v6  }
0x21f: {  	[tilespmem:s5+$0xC0] =	vst v3;
	v3 =	vmul.f32 v4, v6  }
0x220: {  	[tilespmem:s5+$0xD0] =	vst v2;
	v2 =	vmul.f32 v7, v6  }
0x221: {  	[tilespmem:s5+$0xE0] =	vst v3  }
0x222: {  	[tilespmem:s5+$0xF0] =	vst v2  }
0x223: {  	s6 =	sld [smem:$0x7FC]  }
0x224: {  	s29 =	simm.s32 $0x16C80;
	s17 =	simm.s32 $0x19C80  }
0x225: {  	[spmem:s1] =	stream.indirect.scatter.add.f32 [tilespmem:s17], [sflag:$0x8], $0x80, s29, s30, $0xb8;
	[tilespmem:$0x1F980] =	vst v63  }
0x226: {  	_ =	swait.ge [sflag:s24], $0x2800;
	s4 =	sadd.s32 s0, s6  }
0x227: {  	[sflag:s24] =	ssyncset.done $0x0;
	s4 =	sshll.u32 s4, $0x6  }
0x228: {  	s17 =	simm.s32 $0x0;
	[sflag:s24] =	ssyncadd.s32 $0xFFFFD800;
	s4 =	sadd.s32 s4, s21  }
0x229: {  	[tilespmem:s31], [sflag:$0x1] =	stream.linear.gather [hbm4b:s4+s17], $0x180, $0x38;
	[tilespmem:$0x1F980] =	vst v63  }
0x22a: {  	_ =	swait.ge [sflag:s8], $0x180  }
0x22b: {  	[sflag:s8] =	ssyncset.done $0x0  }
0x22c: {  	[sflag:s8] =	ssyncadd.s32 $0xFFFFFE80  }
0x22d: {  	[tilespmem:s9], [sflag:$0x4] =	stream.indirect.gather [hbm4b:s20+s30], $0x80, s31, s30, $0xb8;
	[tilespmem:$0x1F980] =	vst v63  }
0x22e: {  	s29 =	simm.s32 $0x16A00  }
0x22f: {  	[tilespmem:s26], [sflag:$0xA] =	stream.indirect.gather [spmem:s15], $0x1, s29, s30, $0xb8;
	[tilespmem:$0x1F980] =	vst v63  }
0x230: {  	_ =	swait.ge [sflag:s28], $0x50  }
0x231: {  	[sflag:s28] =	ssyncset.done $0x0  }
0x232: {  	[sflag:s28] =	ssyncadd.s32 $0xFFFFFFB0  }
0x233: {  	v2 =	vld [tilespmem:$0x17280]  }
0x234: {  	v3 =	vld [tilespmem:$0x17290]  }
0x235: {  	v4 =	vld [tilespmem:$0x172A0]  }
0x236: {  	v5 =	vld [tilespmem:$0x172B0]  }
0x237: {  	v6 =	vld [tilespmem:$0x172C0]  }
0x238: {  	v2 =	vmax.f32 v2, $1.000000000e+00  }
0x239: {  	(erf) = vrcp.f32 v2;
	v2 =	vmax.f32 v3, $1.000000000e+00  }
0x23a: {  	(erf) = vrcp.f32 v2;
	v2 =	vmax.f32 v4, $1.000000000e+00  }
0x23b: {  	(erf) = vrcp.f32 v2;
	v2 =	vmax.f32 v5, $1.000000000e+00  }
0x23c: {  	(erf) = vrcp.f32 v2;
	v2 =	vmax.f32 v6, $1.000000000e+00  }
0x23d: {  	(erf) = vrcp.f32 v2;
	_ =	sdelay $0x4  }
0x23e: {  	v2 =	vpop (erf)  }
0x23f: {  	v3 =	vpop (erf);
	[tilespmem:$0x17300] =	vst v2;
	v2 =	vmov s17  }
0x240: {  	v4 =	vpop (erf);
	[tilespmem:$0x17310] =	vst v3;
	v2 =	vand.u32 $0xFFFFFFFC, v2  }
0x241: {  	v5 =	vpop (erf);
	[tilespmem:$0x17320] =	vst v4;
	v2 =	vbroadcast v2, $0x0  }
0x242: {  	[tilespmem:$0x17330] =	vst v5;
	v4 =	vpop (erf)  }
0x243: {  	s6 =	simm.s32 $0x2;
	[tilespmem:$0x17340] =	vst v4  }
0x244: {  	v3 =	vmov s6;
	_ =	swait.ge [sflag:s25], $0x2800  }
0x245: {  	v3 =	vand.u32 $0xFFFFFFFE, v3;
	[sflag:s25] =	ssyncset.done $0x0  }
0x246: {  	v3 =	vbroadcast v3, $0x0;
	[sflag:s25] =	ssyncadd.s32 $0xFFFFD800  }
0x247: {  	s4 =	simm.s32 $0x1C580;
	v2 =	vld.idx.msk [tilespmem:v2+s11+$0x0], $0xffff  }
0x248: {  	v5 =	vld [tilespmem:s4+$0x70]  }
0x249: {  	s17 =	simm.s32 $0x1;
	v6 =	vld [tilespmem:s4+$0xFFFFFF00]  }
0x24a: {  	v4 =	vmov s17;
	v7 =	vld [tilespmem:s4+$0xFFFFFF10]  }
0x24b: {  	v4 =	vand.u32 $0xFFFFFFFD, v4;
	v8 =	vld [tilespmem:s4+$0xFFFFFF20]  }
0x24c: {  	v4 =	vbroadcast v4, $0x0;
	v3 =	vld.idx.msk [tilespmem:v3+s11+$0x0], $0xffff  }
0x24d: {  	v9 =	vld [tilespmem:s4+$0xFFFFFF30]  }
0x24e: {  	v10 =	vld [tilespmem:s4+$0xFFFFFF40]  }
0x24f: {  	v11 =	vld [tilespmem:s4+$0xFFFFFF50]  }
0x250: {  	v12 =	vld [tilespmem:s4+$0xFFFFFF60];
	v6 =	vmul.f32 v6, v2  }
0x251: {  	v14 =	vld [tilespmem:s4+$0x40];
	v5 =	vmul.f32 v5, v3  }
0x252: {  	v4 =	vld.idx.msk [tilespmem:v4+s11+$0x0], $0xffff;
	[tilespmem:s4+$0xFFFFFF00] =	vst v6;
	v6 =	vmul.f32 v7, v2  }
0x253: {  	v7 =	vld [tilespmem:s4+$0xFFFFFF70];
	[tilespmem:s4+$0x70] =	vst v5;
	v5 =	vmul.f32 v8, v2  }
0x254: {  	v8 =	vld [tilespmem:s4+$0xFFFFFF80];
	[tilespmem:s4+$0xFFFFFF10] =	vst v6;
	v6 =	vmul.f32 v9, v2  }
0x255: {  	v9 =	vld [tilespmem:s4+$0xFFFFFF90];
	[tilespmem:s4+$0xFFFFFF20] =	vst v5;
	v5 =	vmul.f32 v10, v2  }
0x256: {  	v10 =	vld [tilespmem:s4+$0xFFFFFFA0];
	[tilespmem:s4+$0xFFFFFF30] =	vst v6;
	v6 =	vmul.f32 v11, v2  }
0x257: {  	v11 =	vld [tilespmem:s4+$0xFFFFFFB0];
	[tilespmem:s4+$0xFFFFFF40] =	vst v5;
	v5 =	vmul.f32 v12, v2  }
0x258: {  	v12 =	vld [tilespmem:s4+$0xFFFFFFC0];
	v7 =	vmul.f32 v7, v2;
	[tilespmem:s4+$0xFFFFFF50] =	vst v6  }
0x259: {  	v6 =	vmul.f32 v8, v4;
	v8 =	vld [tilespmem:s4+$0xFFFFFFD0];
	[tilespmem:s4+$0xFFFFFF60] =	vst v5  }
0x25a: {  	s29 =	simm.s32 $0x3;
	v5 =	vld [tilespmem:s4+$0xFFFFFFE0];
	v9 =	vmul.f32 v9, v4;
	[tilespmem:s4+$0xFFFFFF70] =	vst v7  }
0x25b: {  	v13 =	vmov s29;
	v7 =	vld [tilespmem:s4+$0xFFFFFFF0];
	[tilespmem:s4+$0xFFFFFF80] =	vst v6;
	v6 =	vmul.f32 v10, v4  }
0x25c: {  	v10 =	vld [tilespmem:s4+$0x0];
	[tilespmem:s4+$0xFFFFFF90] =	vst v9;
	v9 =	vmul.f32 v11, v4  }
0x25d: {  	v11 =	vld [tilespmem:s4+$0x10];
	[tilespmem:s4+$0xFFFFFFA0] =	vst v6;
	v6 =	vmul.f32 v12, v4  }
0x25e: {  	[tilespmem:s4+$0xFFFFFFB0] =	vst v9;
	v8 =	vmul.f32 v8, v4;
	v9 =	vld [tilespmem:s4+$0x20]  }
0x25f: {  	v12 =	vld [tilespmem:s4+$0x30];
	[tilespmem:s4+$0xFFFFFFC0] =	vst v6;
	v5 =	vmul.f32 v5, v4  }
0x260: {  	v2 =	vld.idx.msk [tilespmem:v13+s11+$0x0], $0xffff;
	v4 =	vmul.f32 v7, v4;
	[tilespmem:s4+$0xFFFFFFD0] =	vst v8  }
0x261: {  	v6 =	vmul.f32 v10, v3;
	[tilespmem:s4+$0xFFFFFFE0] =	vst v5;
	v5 =	vld [tilespmem:s4+$0x50]  }
0x262: {  	s6 =	simm.s32 $0x4;
	[tilespmem:s4+$0xFFFFFFF0] =	vst v4;
	v7 =	vmul.f32 v11, v3;
	v4 =	vld [tilespmem:s4+$0x60]  }
0x263: {  	s17 =	simm.s32 $0x7;
	v8 =	vmov s6;
	[tilespmem:s4+$0x0] =	vst v6;
	v10 =	vmul.f32 v9, v3;
	v9 =	vld [tilespmem:s4+$0x80]  }
0x264: {  	s29 =	simm.s32 $0x5;
	v13 =	vand.u32 $0xFFFFFFFC, v8;
	v8 =	vld [tilespmem:s4+$0x90];
	v6 =	vmov s17;
	v11 =	vmul.f32 v12, v3;
	[tilespmem:s4+$0x10] =	vst v7  }
0x265: {  	s5 =	simm.s32 $0x8;
	s6 =	simm.s32 $0x6;
	v12 =	vmul.f32 v14, v3;
	s17 =	simm.s32 $0x1C580;
	v7 =	vbroadcast v13, $0x0;
	v13 =	vmov s29;
	[tilespmem:s4+$0x20] =	vst v10;
	v10 =	vld [tilespmem:s4+$0xA0]  }
.LBB2_14:
0x266: {  	p2 =	slt.u32 s5, $0x4C;
	v13 =	vand.u32 $0xFFFFFFFD, v13;
	v14 =	vmov s6;
	[tilespmem:s4+$0x30] =	vst v11;
	v5 =	vmul.f32 v5, v3;
	v11 =	vld [tilespmem:s4+$0xB0]  }
0x267: {  	v13 =	vbroadcast v13, $0x0;
	v14 =	vand.u32 $0xFFFFFFFE, v14;
	[tilespmem:s4+$0x40] =	vst v12;
	v3 =	vmul.f32 v4, v3;
	v4 =	vld [tilespmem:s4+$0xC0]  }
0x268: {  	v12 =	vbroadcast v14, $0x0;
	[tilespmem:s4+$0x50] =	vst v5;
	v5 =	vmul.f32 v9, v2;
	v9 =	vld [tilespmem:s4+$0xD0]  }
0x269: {  	[tilespmem:s4+$0x60] =	vst v3;
	v3 =	vmul.f32 v8, v2;
	v8 =	vld [tilespmem:s4+$0xE0]  }
0x26a: {  	[tilespmem:s4+$0x80] =	vst v5;
	v5 =	vmul.f32 v10, v2;
	v10 =	vld [tilespmem:s4+$0xF0]  }
0x26b: {  	v6 =	vld.idx.msk [tilespmem:v6+s11+$0x0], $0xffff;
	[tilespmem:s4+$0x90] =	vst v3;
	v3 =	vmul.f32 v11, v2  }
0x26c: {  	v7 =	vld.idx.msk [tilespmem:v7+s11+$0x0], $0xffff;
	[tilespmem:s4+$0xA0] =	vst v5;
	v4 =	vmul.f32 v4, v2  }
0x26d: {  	v5 =	vld.idx.msk [tilespmem:v13+s11+$0x0], $0xffff;
	[tilespmem:s4+$0xB0] =	vst v3;
	v9 =	vmul.f32 v9, v2  }
0x26e: {  	s4 =	sadd.s32 $0x200, s4;
	v3 =	vld.idx.msk [tilespmem:v12+s11+$0x0], $0xffff;
	[tilespmem:s17+$0xC0] =	vst v4;
	v4 =	vmul.f32 v8, v2  }
0x26f: {  	v8 =	vld [tilespmem:s4+$0x70];
	[tilespmem:s17+$0xD0] =	vst v9;
	v10 =	vmul.f32 v10, v2  }
0x270: {  	v9 =	vld [tilespmem:s4+$0xFFFFFF00];
	[tilespmem:s17+$0xE0] =	vst v4  }
0x271: {  	v2 =	vmov v6;
	v4 =	vld [tilespmem:s4+$0xFFFFFF10];
	[tilespmem:s17+$0xF0] =	vst v10;
	s17 =	smov.u32 s4  }
0x272: {  	v6 =	vld [tilespmem:s4+$0xFFFFFF20]  }
0x273: {  	v10 =	vld [tilespmem:s4+$0xFFFFFF30]  }
0x274: {  	v11 =	vld [tilespmem:s4+$0xFFFFFF40];
	v8 =	vmul.f32 v8, v3  }
0x275: {  	v9 =	vmul.f32 v9, v7;
	v12 =	vld [tilespmem:s4+$0xFFFFFF50]  }
0x276: {  	v4 =	vmul.f32 v4, v7;
	v13 =	vld [tilespmem:s4+$0xFFFFFF60];
	[tilespmem:s4+$0x70] =	vst v8  }
0x277: {  	[tilespmem:s4+$0xFFFFFF00] =	vst v9;
	v6 =	vmul.f32 v6, v7;
	v8 =	vld [tilespmem:s4+$0xFFFFFF70]  }
0x278: {  	[tilespmem:s4+$0xFFFFFF10] =	vst v4;
	v4 =	vmul.f32 v10, v7;
	v9 =	vld [tilespmem:s4+$0xFFFFFF80]  }
0x279: {  	[tilespmem:s4+$0xFFFFFF20] =	vst v6;
	v6 =	vmul.f32 v11, v7;
	v10 =	vld [tilespmem:s4+$0xFFFFFF90]  }
0x27a: {  	[tilespmem:s4+$0xFFFFFF30] =	vst v4;
	v4 =	vmul.f32 v12, v7;
	v11 =	vld [tilespmem:s4+$0xFFFFFFA0]  }
0x27b: {  	[tilespmem:s4+$0xFFFFFF40] =	vst v6;
	v6 =	vmul.f32 v13, v7;
	v12 =	vld [tilespmem:s4+$0xFFFFFFB0]  }
0x27c: {  	[tilespmem:s4+$0xFFFFFF50] =	vst v4;
	v4 =	vmul.f32 v8, v7;
	v7 =	vld [tilespmem:s4+$0xFFFFFFC0]  }
0x27d: {  	[tilespmem:s4+$0xFFFFFF60] =	vst v6;
	v6 =	vmul.f32 v9, v5;
	v8 =	vld [tilespmem:s4+$0xFFFFFFD0]  }
0x27e: {  	[tilespmem:s4+$0xFFFFFF70] =	vst v4;
	v4 =	vmul.f32 v10, v5;
	v9 =	vld [tilespmem:s4+$0xFFFFFFE0]  }
0x27f: {  	[tilespmem:s4+$0xFFFFFF80] =	vst v6;
	v6 =	vmul.f32 v11, v5;
	v10 =	vld [tilespmem:s4+$0xFFFFFFF0]  }
0x280: {  	[tilespmem:s4+$0xFFFFFF90] =	vst v4;
	v4 =	vmul.f32 v12, v5;
	v11 =	vld [tilespmem:s4+$0x0]  }
0x281: {  	[tilespmem:s4+$0xFFFFFFA0] =	vst v6;
	v6 =	vmul.f32 v7, v5;
	v7 =	vld [tilespmem:s4+$0x10]  }
0x282: {  	[tilespmem:s4+$0xFFFFFFB0] =	vst v4;
	v4 =	vmul.f32 v8, v5;
	v8 =	vld [tilespmem:s4+$0x20]  }
0x283: {  	[tilespmem:s4+$0xFFFFFFC0] =	vst v6;
	v6 =	vmul.f32 v9, v5;
	v12 =	vld [tilespmem:s4+$0x30]  }
0x284: {  	[tilespmem:s4+$0xFFFFFFD0] =	vst v4;
	v4 =	vmul.f32 v10, v5;
	v10 =	vld [tilespmem:s4+$0x40]  }
.Ltmp6:
0x285: {  	[tilespmem:s4+$0xFFFFFFE0] =	vst v6;
	v6 =	vmul.f32 v11, v3;
	v5 =	vld [tilespmem:s4+$0x50];
	(pc) =	sbr.rel @p2 .LBB2_14-.Ltmp6, $4  }
0x286: {  	[tilespmem:s4+$0xFFFFFFF0] =	vst v4;
	v7 =	vmul.f32 v7, v3;
	v4 =	vld [tilespmem:s4+$0x60]  }
0x287: {  	s6 =	sadd.s32 $0x3, s5;
	v11 =	vmov s5;
	[tilespmem:s4+$0x0] =	vst v6;
	v14 =	vmul.f32 v8, v3;
	v9 =	vld [tilespmem:s4+$0x80]  }
0x288: {  	s29 =	sadd.s32 $0x1, s5;
	v13 =	vand.u32 $0xFFFFFFFC, v11;
	v6 =	vmov s6;
	[tilespmem:s4+$0x10] =	vst v7;
	v11 =	vmul.f32 v12, v3;
	v8 =	vld [tilespmem:s4+$0x90]  }
0x289: {  	s6 =	sadd.s32 $0x2, s5;
	s5 =	sadd.s32 $0x4, s5;
	v7 =	vbroadcast v13, $0x0;
	v13 =	vmov s29;
	[tilespmem:s4+$0x20] =	vst v14;
	v12 =	vmul.f32 v10, v3;
	v10 =	vld [tilespmem:s4+$0xA0]  }
0x28a: {  	v14 =	vld [tilespmem:s4+$0xB0]  }
0x28b: {  	v16 =	vld [tilespmem:s4+$0xC0]  }
0x28c: {  	v17 =	vld [tilespmem:s4+$0xD0]  }
0x28d: {  	v18 =	vld [tilespmem:s4+$0xE0]  }
0x28e: {  	v24 =	vld [tilespmem:s4+$0xF0];
	[tilespmem:s4+$0x30] =	vst v11;
	v5 =	vmul.f32 v5, v3  }
0x28f: {  	v6 =	vld.idx.msk [tilespmem:v6+s11+$0x0], $0xffff;
	[tilespmem:s4+$0x40] =	vst v12;
	v3 =	vmul.f32 v4, v3  }
0x290: {  	s5 =	sadd.s32 $0x200, s4;
	v25 =	vld.idx.msk [tilespmem:v7+s11+$0x0], $0xffff;
	v9 =	vmul.f32 v9, v2;
	[tilespmem:s4+$0x50] =	vst v5  }
0x291: {  	v30 =	vld [tilespmem:s5+$0x70];
	v26 =	vmul.f32 v8, v2;
	[tilespmem:s4+$0x60] =	vst v3  }
0x292: {  	v31 =	vld [tilespmem:s5+$0xFFFFFF00];
	[tilespmem:s4+$0x80] =	vst v9;
	v3 =	vmul.f32 v10, v2  }
0x293: {  	v15 =	vmov s6;
	v33 =	vld [tilespmem:s5+$0xFFFFFF10];
	[tilespmem:s4+$0x90] =	vst v26;
	v29 =	vmul.f32 v14, v2  }
0x294: {  	v15 =	vand.u32 $0xFFFFFFFE, v15;
	v34 =	vld [tilespmem:s5+$0xFFFFFF20];
	[tilespmem:s4+$0xA0] =	vst v3;
	v3 =	vmul.f32 v16, v2  }
0x295: {  	v13 =	vand.u32 $0xFFFFFFFD, v13;
	v35 =	vld [tilespmem:s5+$0xFFFFFF30];
	v15 =	vbroadcast v15, $0x0;
	v32 =	vmul.f32 v17, v2;
	[tilespmem:s4+$0xB0] =	vst v29  }
0x296: {  	v13 =	vbroadcast v13, $0x0;
	v37 =	vld [tilespmem:s5+$0xFFFFFF50];
	[tilespmem:s17+$0xC0] =	vst v3;
	v3 =	vmul.f32 v18, v2  }
0x297: {  	v39 =	vld [tilespmem:s5+$0xFFFFFF60];
	[tilespmem:s17+$0xD0] =	vst v32;
	v2 =	vmul.f32 v24, v2  }
0x298: {  	v38 =	vmul.f32 v33, v25;
	[tilespmem:s17+$0xE0] =	vst v3;
	v3 =	vld [tilespmem:s5+$0xFFFFFF40]  }
0x299: {  	v40 =	vld [tilespmem:s5+$0xFFFFFF70];
	[tilespmem:s17+$0xF0] =	vst v2;
	v2 =	vmul.f32 v31, v25  }
0x29a: {  	v41 =	vld [tilespmem:s5+$0xFFFFFF80];
	v5 =	vmul.f32 v35, v25;
	[tilespmem:s5+$0xFFFFFF10] =	vst v38  }
0x29b: {  	v28 =	vld.idx.msk [tilespmem:v15+s11+$0x0], $0xffff;
	[tilespmem:s5+$0xFFFFFF00] =	vst v2;
	v2 =	vmul.f32 v34, v25  }
0x29c: {  	v42 =	vmul.f32 v37, v25;
	v27 =	vld.idx.msk [tilespmem:v13+s11+$0x0], $0xffff;
	[tilespmem:s5+$0xFFFFFF30] =	vst v5  }
0x29d: {  	[tilespmem:s5+$0xFFFFFF20] =	vst v2;
	v2 =	vmul.f32 v3, v25;
	v3 =	vld [tilespmem:s5+$0xFFFFFF90]  }
0x29e: {  	v43 =	vld [tilespmem:s5+$0xFFFFFFA0];
	v4 =	vmul.f32 v40, v25;
	[tilespmem:s5+$0xFFFFFF50] =	vst v42  }
0x29f: {  	v44 =	vld [tilespmem:s5+$0xFFFFFFB0];
	[tilespmem:s5+$0xFFFFFF40] =	vst v2;
	v2 =	vmul.f32 v39, v25  }
0x2a0: {  	v45 =	vld [tilespmem:s5+$0xFFFFFFC0];
	[tilespmem:s5+$0xFFFFFF70] =	vst v4;
	v36 =	vmul.f32 v30, v28  }
0x2a1: {  	v46 =	vld [tilespmem:s5+$0xFFFFFFD0];
	[tilespmem:s5+$0xFFFFFF60] =	vst v2;
	v2 =	vmul.f32 v41, v27  }
0x2a2: {  	v47 =	vld [tilespmem:s5+$0xFFFFFFE0];
	[tilespmem:s5+$0x70] =	vst v36;
	v3 =	vmul.f32 v3, v27  }
0x2a3: {  	v48 =	vld [tilespmem:s5+$0xFFFFFFF0];
	[tilespmem:s5+$0xFFFFFF80] =	vst v2;
	v2 =	vmul.f32 v43, v27  }
0x2a4: {  	v49 =	vld [tilespmem:s5+$0x0];
	[tilespmem:s5+$0xFFFFFF90] =	vst v3;
	v3 =	vmul.f32 v44, v27  }
0x2a5: {  	v50 =	vld [tilespmem:s5+$0x10];
	[tilespmem:s5+$0xFFFFFFA0] =	vst v2;
	v2 =	vmul.f32 v45, v27  }
0x2a6: {  	v51 =	vld [tilespmem:s5+$0x20];
	[tilespmem:s5+$0xFFFFFFB0] =	vst v3;
	v3 =	vmul.f32 v46, v27  }
0x2a7: {  	v52 =	vld [tilespmem:s5+$0x30];
	[tilespmem:s5+$0xFFFFFFC0] =	vst v2;
	v2 =	vmul.f32 v47, v27  }
0x2a8: {  	v53 =	vld [tilespmem:s5+$0x40];
	[tilespmem:s5+$0xFFFFFFD0] =	vst v3;
	v3 =	vmul.f32 v48, v27  }
0x2a9: {  	v54 =	vld [tilespmem:s5+$0x50];
	[tilespmem:s5+$0xFFFFFFE0] =	vst v2;
	v2 =	vmul.f32 v49, v28  }
0x2aa: {  	v55 =	vld [tilespmem:s5+$0x60];
	[tilespmem:s5+$0xFFFFFFF0] =	vst v3;
	v3 =	vmul.f32 v50, v28  }
0x2ab: {  	v56 =	vld [tilespmem:s5+$0x80];
	[tilespmem:s5+$0x0] =	vst v2;
	v2 =	vmul.f32 v51, v28  }
0x2ac: {  	v57 =	vld [tilespmem:s5+$0x90];
	[tilespmem:s5+$0x10] =	vst v3;
	v3 =	vmul.f32 v52, v28  }
0x2ad: {  	v58 =	vld [tilespmem:s5+$0xA0];
	[tilespmem:s5+$0x20] =	vst v2;
	v2 =	vmul.f32 v53, v28  }
0x2ae: {  	v59 =	vld [tilespmem:s5+$0xB0];
	[tilespmem:s5+$0x30] =	vst v3;
	v3 =	vmul.f32 v54, v28  }
0x2af: {  	v60 =	vld [tilespmem:s5+$0xC0];
	[tilespmem:s5+$0x40] =	vst v2;
	v2 =	vmul.f32 v55, v28  }
0x2b0: {  	v61 =	vld [tilespmem:s5+$0xD0];
	[tilespmem:s5+$0x50] =	vst v3;
	v3 =	vmul.f32 v56, v6  }
0x2b1: {  	v62 =	vld [tilespmem:s5+$0xE0];
	[tilespmem:s5+$0x60] =	vst v2;
	v2 =	vmul.f32 v57, v6  }
0x2b2: {  	v63 =	vld [tilespmem:s5+$0xF0];
	[tilespmem:s5+$0x80] =	vst v3;
	v3 =	vmul.f32 v58, v6  }
0x2b3: {  	[tilespmem:s5+$0x90] =	vst v2;
	v2 =	vmul.f32 v59, v6  }
0x2b4: {  	[tilespmem:s5+$0xA0] =	vst v3;
	v3 =	vmul.f32 v60, v6  }
0x2b5: {  	[tilespmem:s5+$0xB0] =	vst v2;
	v2 =	vmul.f32 v61, v6  }
0x2b6: {  	[tilespmem:s5+$0xC0] =	vst v3;
	v3 =	vmul.f32 v62, v6  }
0x2b7: {  	[tilespmem:s5+$0xD0] =	vst v2;
	v2 =	vmul.f32 v63, v6  }
0x2b8: {  	[tilespmem:s5+$0xE0] =	vst v3  }
0x2b9: {  	[tilespmem:s5+$0xF0] =	vst v2  }
0x2ba: {  	s22 =	sadd.s32 $0x1, s22;
	s17 =	sld [smem:$0x7FD]  }
0x2bb: {  	s6 =	simm.s32 $0x16E80;
	p2 =	sne.s32 s22, $0x29;
	s5 =	simm.s32 $0x1C480  }
0x2bc: {  	[spmem:s1] =	stream.indirect.scatter.add.f32 [tilespmem:s5], [sflag:$0x9], $0x80, s6, s30, $0xb8;
	[tilespmem:$0x1F980] =	vst v63  }
.Ltmp7:
0x2bd: {  	_ =	swait.ge [sflag:s7], $0x2800;
	s0 =	sadd.s32 s0, s17;
	(pc) =	sbr.rel @p2 .LBB2_9-.Ltmp7, $4  }
0x2be: {  	[sflag:s7] =	ssyncset.done $0x0;
	s0 =	sshll.u32 s0, $0x6  }
0x2bf: {  	s29 =	simm.s32 $0x16B80;
	[sflag:s7] =	ssyncadd.s32 $0xFFFFD800;
	s0 =	sadd.s32 s0, s21  }
0x2c0: {  	[tilespmem:s29], [sflag:$0x2] =	stream.linear.gather [hbm4b:s0+s2], $0x180, $0x38;
	[tilespmem:$0x1F980] =	vst v63  }
0x2c1: {  	s0 =	simm.s32 $0x16B80  }
0x2c2: {  	_ =	swait.ge [sflag:s13], $0x180  }
0x2c3: {  	[sflag:s13] =	ssyncset.done $0x0  }
0x2c4: {  	s4 =	simm.s32 $0x19C80;
	[sflag:s13] =	ssyncadd.s32 $0xFFFFFE80  }
0x2c5: {  	[tilespmem:s4], [sflag:$0x5] =	stream.indirect.gather [hbm4b:s20+s30], $0x80, s0, s30, $0xb8;
	[tilespmem:$0x1F980] =	vst v63  }
0x2c6: {  	s4 =	simm.s32 $0x16C00  }
0x2c7: {  	[tilespmem:s26], [sflag:$0xA] =	stream.indirect.gather [spmem:s15], $0x1, s4, s30, $0xb8;
	[tilespmem:$0x1F980] =	vst v63  }
0x2c8: {  	_ =	swait.ge [sflag:s28], $0x50  }
0x2c9: {  	[sflag:s28] =	ssyncset.done $0x0  }
0x2ca: {  	[sflag:s28] =	ssyncadd.s32 $0xFFFFFFB0  }
0x2cb: {  	v2 =	vld [tilespmem:$0x17280]  }
0x2cc: {  	v3 =	vld [tilespmem:$0x17290]  }
0x2cd: {  	v4 =	vld [tilespmem:$0x172A0]  }
0x2ce: {  	v5 =	vld [tilespmem:$0x172B0]  }
0x2cf: {  	v6 =	vld [tilespmem:$0x172C0]  }
0x2d0: {  	v2 =	vmax.f32 v2, $1.000000000e+00  }
0x2d1: {  	(erf) = vrcp.f32 v2;
	v2 =	vmax.f32 v3, $1.000000000e+00  }
0x2d2: {  	(erf) = vrcp.f32 v2;
	v2 =	vmax.f32 v4, $1.000000000e+00  }
0x2d3: {  	(erf) = vrcp.f32 v2;
	v2 =	vmax.f32 v5, $1.000000000e+00  }
0x2d4: {  	(erf) = vrcp.f32 v2;
	v2 =	vmax.f32 v6, $1.000000000e+00  }
0x2d5: {  	(erf) = vrcp.f32 v2;
	_ =	sdelay $0x4  }
0x2d6: {  	s5 =	simm.s32 $0x0;
	v2 =	vpop (erf)  }
0x2d7: {  	v3 =	vpop (erf);
	[tilespmem:$0x17380] =	vst v2;
	v2 =	vmov s5  }
0x2d8: {  	v4 =	vpop (erf);
	[tilespmem:$0x17390] =	vst v3;
	v2 =	vand.u32 $0xFFFFFFFC, v2  }
0x2d9: {  	v5 =	vpop (erf);
	[tilespmem:$0x173A0] =	vst v4;
	v2 =	vbroadcast v2, $0x0  }
0x2da: {  	s6 =	simm.s32 $0x2;
	[tilespmem:$0x173B0] =	vst v5;
	v4 =	vpop (erf)  }
0x2db: {  	v3 =	vmov s6;
	[tilespmem:$0x173C0] =	vst v4  }
0x2dc: {  	v3 =	vand.u32 $0xFFFFFFFE, v3;
	_ =	swait.ge [sflag:s12], $0x2800  }
0x2dd: {  	v3 =	vbroadcast v3, $0x0;
	[sflag:s12] =	ssyncset.done $0x0  }
0x2de: {  	[sflag:s12] =	ssyncadd.s32 $0xFFFFD800  }
0x2df: {  	s0 =	simm.s32 $0x17580;
	v2 =	vld.idx.msk [tilespmem:v2+s16+$0x0], $0xffff  }
0x2e0: {  	s14 =	simm.s32 $0x1;
	v5 =	vld [tilespmem:s0+$0x70]  }
0x2e1: {  	v4 =	vmov s14;
	v6 =	vld [tilespmem:s0+$0xFFFFFF00]  }
0x2e2: {  	v4 =	vand.u32 $0xFFFFFFFD, v4;
	v7 =	vld [tilespmem:s0+$0xFFFFFF10]  }
0x2e3: {  	v4 =	vbroadcast v4, $0x0;
	v3 =	vld.idx.msk [tilespmem:v3+s16+$0x0], $0xffff  }
0x2e4: {  	v8 =	vld [tilespmem:s0+$0xFFFFFF20]  }
0x2e5: {  	v9 =	vld [tilespmem:s0+$0xFFFFFF30]  }
0x2e6: {  	v10 =	vld [tilespmem:s0+$0xFFFFFF40]  }
0x2e7: {  	v11 =	vld [tilespmem:s0+$0xFFFFFF50];
	v6 =	vmul.f32 v6, v2  }
0x2e8: {  	v12 =	vld [tilespmem:s0+$0xFFFFFF60];
	v5 =	vmul.f32 v5, v3  }
0x2e9: {  	v4 =	vld.idx.msk [tilespmem:v4+s16+$0x0], $0xffff;
	[tilespmem:s0+$0xFFFFFF00] =	vst v6;
	v6 =	vmul.f32 v7, v2  }
0x2ea: {  	v7 =	vld [tilespmem:s0+$0xFFFFFF70];
	[tilespmem:s0+$0x70] =	vst v5;
	v5 =	vmul.f32 v8, v2  }
0x2eb: {  	v8 =	vld [tilespmem:s0+$0xFFFFFF80];
	[tilespmem:s0+$0xFFFFFF10] =	vst v6;
	v6 =	vmul.f32 v9, v2  }
0x2ec: {  	v9 =	vld [tilespmem:s0+$0xFFFFFF90];
	[tilespmem:s0+$0xFFFFFF20] =	vst v5;
	v5 =	vmul.f32 v10, v2  }
0x2ed: {  	v10 =	vld [tilespmem:s0+$0xFFFFFFA0];
	[tilespmem:s0+$0xFFFFFF30] =	vst v6;
	v6 =	vmul.f32 v11, v2  }
0x2ee: {  	v11 =	vld [tilespmem:s0+$0xFFFFFFB0];
	[tilespmem:s0+$0xFFFFFF40] =	vst v5;
	v5 =	vmul.f32 v12, v2  }
0x2ef: {  	v12 =	vld [tilespmem:s0+$0xFFFFFFC0];
	v7 =	vmul.f32 v7, v2;
	[tilespmem:s0+$0xFFFFFF50] =	vst v6  }
0x2f0: {  	v6 =	vmul.f32 v8, v4;
	v8 =	vld [tilespmem:s0+$0xFFFFFFD0];
	[tilespmem:s0+$0xFFFFFF60] =	vst v5  }
0x2f1: {  	v5 =	vld [tilespmem:s0+$0xFFFFFFE0];
	v9 =	vmul.f32 v9, v4;
	[tilespmem:s0+$0xFFFFFF70] =	vst v7  }
0x2f2: {  	s17 =	simm.s32 $0x3;
	v7 =	vld [tilespmem:s0+$0xFFFFFFF0];
	[tilespmem:s0+$0xFFFFFF80] =	vst v6;
	v6 =	vmul.f32 v10, v4  }
0x2f3: {  	v13 =	vmov s17;
	v10 =	vld [tilespmem:s0+$0x0];
	[tilespmem:s0+$0xFFFFFF90] =	vst v9;
	v9 =	vmul.f32 v11, v4  }
0x2f4: {  	v11 =	vld [tilespmem:s0+$0x10];
	[tilespmem:s0+$0xFFFFFFA0] =	vst v6;
	v6 =	vmul.f32 v12, v4  }
0x2f5: {  	[tilespmem:s0+$0xFFFFFFB0] =	vst v9;
	v8 =	vmul.f32 v8, v4;
	v9 =	vld [tilespmem:s0+$0x20]  }
0x2f6: {  	v14 =	vld [tilespmem:s0+$0x40];
	[tilespmem:s0+$0xFFFFFFC0] =	vst v6;
	v5 =	vmul.f32 v5, v4  }
0x2f7: {  	v12 =	vld [tilespmem:s0+$0x30];
	v4 =	vmul.f32 v7, v4;
	[tilespmem:s0+$0xFFFFFFD0] =	vst v8  }
0x2f8: {  	v2 =	vld.idx.msk [tilespmem:v13+s16+$0x0], $0xffff;
	v6 =	vmul.f32 v10, v3;
	[tilespmem:s0+$0xFFFFFFE0] =	vst v5  }
0x2f9: {  	v5 =	vld [tilespmem:s0+$0x50];
	[tilespmem:s0+$0xFFFFFFF0] =	vst v4;
	v7 =	vmul.f32 v11, v3  }
0x2fa: {  	s22 =	simm.s32 $0x4;
	v4 =	vld [tilespmem:s0+$0x60];
	[tilespmem:s0+$0x0] =	vst v6;
	v10 =	vmul.f32 v9, v3  }
0x2fb: {  	s31 =	simm.s32 $0x7;
	v8 =	vmov s22;
	v9 =	vld [tilespmem:s0+$0x80];
	[tilespmem:s0+$0x10] =	vst v7  }
0x2fc: {  	s29 =	simm.s32 $0x17000;
	s4 =	simm.s32 $0x17580;
	s5 =	simm.s32 $0x5;
	v13 =	vand.u32 $0xFFFFFFFC, v8;
	v8 =	vld [tilespmem:s0+$0x90];
	v6 =	vmov s31;
	v11 =	vmul.f32 v12, v3;
	[tilespmem:s0+$0x20] =	vst v10  }
0x2fd: {  	s6 =	simm.s32 $0x6;
	v12 =	vmul.f32 v14, v3;
	v7 =	vbroadcast v13, $0x0;
	v13 =	vmov s5;
	s5 =	simm.s32 $0x8;
	v10 =	vld [tilespmem:s0+$0xA0];
	s22 =	rddreg [dreg:$0x18]  }
.LBB2_17:
0x2fe: {  	p2 =	slt.u32 s5, $0x4C;
	v13 =	vand.u32 $0xFFFFFFFD, v13;
	v14 =	vmov s6;
	[tilespmem:s0+$0x30] =	vst v11;
	v5 =	vmul.f32 v5, v3;
	v11 =	vld [tilespmem:s0+$0xB0]  }
0x2ff: {  	v13 =	vbroadcast v13, $0x0;
	v14 =	vand.u32 $0xFFFFFFFE, v14;
	[tilespmem:s0+$0x40] =	vst v12;
	v3 =	vmul.f32 v4, v3;
	v4 =	vld [tilespmem:s0+$0xC0]  }
0x300: {  	v12 =	vbroadcast v14, $0x0;
	[tilespmem:s0+$0x50] =	vst v5;
	v5 =	vmul.f32 v9, v2;
	v9 =	vld [tilespmem:s0+$0xD0]  }
0x301: {  	[tilespmem:s0+$0x60] =	vst v3;
	v3 =	vmul.f32 v8, v2;
	v8 =	vld [tilespmem:s0+$0xE0]  }
0x302: {  	[tilespmem:s0+$0x80] =	vst v5;
	v5 =	vmul.f32 v10, v2;
	v10 =	vld [tilespmem:s0+$0xF0]  }
0x303: {  	v6 =	vld.idx.msk [tilespmem:v6+s16+$0x0], $0xffff;
	[tilespmem:s0+$0x90] =	vst v3;
	v3 =	vmul.f32 v11, v2  }
0x304: {  	v7 =	vld.idx.msk [tilespmem:v7+s16+$0x0], $0xffff;
	[tilespmem:s0+$0xA0] =	vst v5;
	v4 =	vmul.f32 v4, v2  }
0x305: {  	v5 =	vld.idx.msk [tilespmem:v13+s16+$0x0], $0xffff;
	[tilespmem:s0+$0xB0] =	vst v3;
	v9 =	vmul.f32 v9, v2  }
0x306: {  	s0 =	sadd.s32 $0x200, s0;
	v3 =	vld.idx.msk [tilespmem:v12+s16+$0x0], $0xffff;
	[tilespmem:s4+$0xC0] =	vst v4;
	v4 =	vmul.f32 v8, v2  }
0x307: {  	v8 =	vld [tilespmem:s0+$0x70];
	[tilespmem:s4+$0xD0] =	vst v9;
	v10 =	vmul.f32 v10, v2  }
0x308: {  	v9 =	vld [tilespmem:s0+$0xFFFFFF00];
	[tilespmem:s4+$0xE0] =	vst v4  }
0x309: {  	v2 =	vmov v6;
	v4 =	vld [tilespmem:s0+$0xFFFFFF10];
	[tilespmem:s4+$0xF0] =	vst v10;
	s4 =	smov.u32 s0  }
0x30a: {  	v6 =	vld [tilespmem:s0+$0xFFFFFF20]  }
0x30b: {  	v10 =	vld [tilespmem:s0+$0xFFFFFF30]  }
0x30c: {  	v11 =	vld [tilespmem:s0+$0xFFFFFF40];
	v8 =	vmul.f32 v8, v3  }
0x30d: {  	v9 =	vmul.f32 v9, v7;
	v12 =	vld [tilespmem:s0+$0xFFFFFF50]  }
0x30e: {  	v4 =	vmul.f32 v4, v7;
	v13 =	vld [tilespmem:s0+$0xFFFFFF60];
	[tilespmem:s0+$0x70] =	vst v8  }
0x30f: {  	[tilespmem:s0+$0xFFFFFF00] =	vst v9;
	v6 =	vmul.f32 v6, v7;
	v8 =	vld [tilespmem:s0+$0xFFFFFF70]  }
0x310: {  	[tilespmem:s0+$0xFFFFFF10] =	vst v4;
	v4 =	vmul.f32 v10, v7;
	v9 =	vld [tilespmem:s0+$0xFFFFFF80]  }
0x311: {  	[tilespmem:s0+$0xFFFFFF20] =	vst v6;
	v6 =	vmul.f32 v11, v7;
	v10 =	vld [tilespmem:s0+$0xFFFFFF90]  }
0x312: {  	[tilespmem:s0+$0xFFFFFF30] =	vst v4;
	v4 =	vmul.f32 v12, v7;
	v11 =	vld [tilespmem:s0+$0xFFFFFFA0]  }
0x313: {  	[tilespmem:s0+$0xFFFFFF40] =	vst v6;
	v6 =	vmul.f32 v13, v7;
	v12 =	vld [tilespmem:s0+$0xFFFFFFB0]  }
0x314: {  	[tilespmem:s0+$0xFFFFFF50] =	vst v4;
	v4 =	vmul.f32 v8, v7;
	v7 =	vld [tilespmem:s0+$0xFFFFFFC0]  }
0x315: {  	[tilespmem:s0+$0xFFFFFF60] =	vst v6;
	v6 =	vmul.f32 v9, v5;
	v8 =	vld [tilespmem:s0+$0xFFFFFFD0]  }
0x316: {  	[tilespmem:s0+$0xFFFFFF70] =	vst v4;
	v4 =	vmul.f32 v10, v5;
	v9 =	vld [tilespmem:s0+$0xFFFFFFE0]  }
0x317: {  	[tilespmem:s0+$0xFFFFFF80] =	vst v6;
	v6 =	vmul.f32 v11, v5;
	v10 =	vld [tilespmem:s0+$0xFFFFFFF0]  }
0x318: {  	[tilespmem:s0+$0xFFFFFF90] =	vst v4;
	v4 =	vmul.f32 v12, v5;
	v11 =	vld [tilespmem:s0+$0x0]  }
0x319: {  	[tilespmem:s0+$0xFFFFFFA0] =	vst v6;
	v6 =	vmul.f32 v7, v5;
	v7 =	vld [tilespmem:s0+$0x10]  }
0x31a: {  	[tilespmem:s0+$0xFFFFFFB0] =	vst v4;
	v4 =	vmul.f32 v8, v5;
	v8 =	vld [tilespmem:s0+$0x20]  }
0x31b: {  	[tilespmem:s0+$0xFFFFFFC0] =	vst v6;
	v6 =	vmul.f32 v9, v5;
	v12 =	vld [tilespmem:s0+$0x30]  }
0x31c: {  	[tilespmem:s0+$0xFFFFFFD0] =	vst v4;
	v4 =	vmul.f32 v10, v5;
	v10 =	vld [tilespmem:s0+$0x40]  }
.Ltmp8:
0x31d: {  	[tilespmem:s0+$0xFFFFFFE0] =	vst v6;
	v6 =	vmul.f32 v11, v3;
	v5 =	vld [tilespmem:s0+$0x50];
	(pc) =	sbr.rel @p2 .LBB2_17-.Ltmp8, $4  }
0x31e: {  	[tilespmem:s0+$0xFFFFFFF0] =	vst v4;
	v7 =	vmul.f32 v7, v3;
	v4 =	vld [tilespmem:s0+$0x60]  }
0x31f: {  	s6 =	sadd.s32 $0x3, s5;
	v11 =	vmov s5;
	[tilespmem:s0+$0x0] =	vst v6;
	v14 =	vmul.f32 v8, v3;
	v9 =	vld [tilespmem:s0+$0x80]  }
0x320: {  	s17 =	sadd.s32 $0x1, s5;
	v13 =	vand.u32 $0xFFFFFFFC, v11;
	v6 =	vmov s6;
	[tilespmem:s0+$0x10] =	vst v7;
	v11 =	vmul.f32 v12, v3;
	v8 =	vld [tilespmem:s0+$0x90]  }
0x321: {  	s6 =	sadd.s32 $0x2, s5;
	s5 =	sadd.s32 $0x4, s5;
	v7 =	vbroadcast v13, $0x0;
	v13 =	vmov s17;
	[tilespmem:s0+$0x20] =	vst v14;
	v12 =	vmul.f32 v10, v3;
	v10 =	vld [tilespmem:s0+$0xA0]  }
0x322: {  	v14 =	vld [tilespmem:s0+$0xB0]  }
0x323: {  	v16 =	vld [tilespmem:s0+$0xC0]  }
0x324: {  	v15 =	vmov s6;
	v17 =	vld [tilespmem:s0+$0xD0]  }
0x325: {  	v18 =	vld [tilespmem:s0+$0xE0];
	[tilespmem:s0+$0x30] =	vst v11;
	v5 =	vmul.f32 v5, v3;
	v15 =	vand.u32 $0xFFFFFFFE, v15  }
0x326: {  	v13 =	vand.u32 $0xFFFFFFFD, v13;
	v6 =	vld.idx.msk [tilespmem:v6+s16+$0x0], $0xffff;
	[tilespmem:s0+$0x40] =	vst v12;
	v3 =	vmul.f32 v4, v3;
	v15 =	vbroadcast v15, $0x0  }
0x327: {  	s5 =	sadd.s32 $0x200, s0;
	v13 =	vbroadcast v13, $0x0;
	v4 =	vld.idx.msk [tilespmem:v7+s16+$0x0], $0xffff;
	v9 =	vmul.f32 v9, v2;
	[tilespmem:s0+$0x50] =	vst v5  }
0x328: {  	v11 =	vld [tilespmem:s5+$0xFFFFFF00];
	v5 =	vmul.f32 v8, v2;
	[tilespmem:s0+$0x60] =	vst v3  }
0x329: {  	[tilespmem:s0+$0x80] =	vst v9;
	v9 =	vld [tilespmem:s0+$0xF0];
	v3 =	vmul.f32 v10, v2  }
0x32a: {  	v12 =	vld [tilespmem:s5+$0xFFFFFF10];
	[tilespmem:s0+$0x90] =	vst v5;
	v5 =	vmul.f32 v14, v2  }
0x32b: {  	v10 =	vld [tilespmem:s5+$0x70];
	[tilespmem:s0+$0xA0] =	vst v3;
	v3 =	vmul.f32 v16, v2  }
0x32c: {  	[tilespmem:s0+$0xB0] =	vst v5;
	v5 =	vmul.f32 v17, v2;
	v8 =	vld.idx.msk [tilespmem:v15+s16+$0x0], $0xffff  }
0x32d: {  	v7 =	vld.idx.msk [tilespmem:v13+s16+$0x0], $0xffff;
	[tilespmem:s4+$0xC0] =	vst v3;
	v3 =	vmul.f32 v18, v2  }
0x32e: {  	v13 =	vld [tilespmem:s5+$0xFFFFFF20];
	[tilespmem:s4+$0xD0] =	vst v5;
	v2 =	vmul.f32 v9, v2  }
0x32f: {  	v5 =	vld [tilespmem:s5+$0xFFFFFF30];
	[tilespmem:s4+$0xE0] =	vst v3  }
0x330: {  	v3 =	vld [tilespmem:s5+$0xFFFFFF40];
	[tilespmem:s4+$0xF0] =	vst v2;
	v2 =	vmul.f32 v11, v4  }
0x331: {  	v9 =	vmul.f32 v10, v8;
	v10 =	vld [tilespmem:s5+$0xFFFFFF50]  }
0x332: {  	v11 =	vmul.f32 v12, v4;
	v12 =	vld [tilespmem:s5+$0xFFFFFF60];
	[tilespmem:s5+$0xFFFFFF00] =	vst v2  }
0x333: {  	v2 =	vmul.f32 v13, v4;
	[tilespmem:s5+$0x70] =	vst v9;
	v9 =	vld [tilespmem:s5+$0xFFFFFF70]  }
0x334: {  	[tilespmem:s5+$0xFFFFFF10] =	vst v11;
	v11 =	vld [tilespmem:s5+$0xFFFFFF80];
	v5 =	vmul.f32 v5, v4  }
0x335: {  	[tilespmem:s5+$0xFFFFFF20] =	vst v2;
	v2 =	vmul.f32 v3, v4;
	v3 =	vld [tilespmem:s5+$0xFFFFFF90]  }
0x336: {  	[tilespmem:s5+$0xFFFFFF30] =	vst v5;
	v5 =	vmul.f32 v10, v4;
	v10 =	vld [tilespmem:s5+$0xFFFFFFA0]  }
0x337: {  	[tilespmem:s5+$0xFFFFFF40] =	vst v2;
	v2 =	vmul.f32 v12, v4;
	v12 =	vld [tilespmem:s5+$0xFFFFFFB0]  }
0x338: {  	[tilespmem:s5+$0xFFFFFF50] =	vst v5;
	v4 =	vmul.f32 v9, v4;
	v5 =	vld [tilespmem:s5+$0xFFFFFFC0]  }
0x339: {  	[tilespmem:s5+$0xFFFFFF60] =	vst v2;
	v2 =	vmul.f32 v11, v7;
	v9 =	vld [tilespmem:s5+$0xFFFFFFD0]  }
0x33a: {  	v3 =	vmul.f32 v3, v7;
	[tilespmem:s5+$0xFFFFFF70] =	vst v4;
	v4 =	vld [tilespmem:s5+$0xFFFFFFE0]  }
0x33b: {  	[tilespmem:s5+$0xFFFFFF80] =	vst v2;
	v2 =	vmul.f32 v10, v7;
	v10 =	vld [tilespmem:s5+$0xFFFFFFF0]  }
0x33c: {  	v11 =	vld [tilespmem:s5+$0x0];
	[tilespmem:s5+$0xFFFFFF90] =	vst v3;
	v3 =	vmul.f32 v12, v7  }
0x33d: {  	[tilespmem:s5+$0xFFFFFFA0] =	vst v2;
	v2 =	vmul.f32 v5, v7;
	v5 =	vld [tilespmem:s5+$0x10]  }
0x33e: {  	[tilespmem:s5+$0xFFFFFFB0] =	vst v3;
	v3 =	vmul.f32 v9, v7;
	v9 =	vld [tilespmem:s5+$0x20]  }
0x33f: {  	[tilespmem:s5+$0xFFFFFFC0] =	vst v2;
	v2 =	vmul.f32 v4, v7;
	v4 =	vld [tilespmem:s5+$0x30]  }
0x340: {  	[tilespmem:s5+$0xFFFFFFD0] =	vst v3;
	v3 =	vmul.f32 v10, v7;
	v7 =	vld [tilespmem:s5+$0x40]  }
0x341: {  	v10 =	vld [tilespmem:s5+$0x50];
	[tilespmem:s5+$0xFFFFFFE0] =	vst v2;
	v2 =	vmul.f32 v11, v8  }
0x342: {  	[tilespmem:s5+$0xFFFFFFF0] =	vst v3;
	v3 =	vmul.f32 v5, v8;
	v5 =	vld [tilespmem:s5+$0x60]  }
0x343: {  	[tilespmem:s5+$0x0] =	vst v2;
	v2 =	vmul.f32 v9, v8;
	v9 =	vld [tilespmem:s5+$0x80]  }
0x344: {  	[tilespmem:s5+$0x10] =	vst v3;
	v3 =	vmul.f32 v4, v8;
	v4 =	vld [tilespmem:s5+$0x90]  }
0x345: {  	[tilespmem:s5+$0x20] =	vst v2;
	v2 =	vmul.f32 v7, v8;
	v7 =	vld [tilespmem:s5+$0xA0]  }
0x346: {  	[tilespmem:s5+$0x30] =	vst v3;
	v3 =	vmul.f32 v10, v8;
	v10 =	vld [tilespmem:s5+$0xB0]  }
0x347: {  	[tilespmem:s5+$0x40] =	vst v2;
	v2 =	vmul.f32 v5, v8;
	v5 =	vld [tilespmem:s5+$0xC0]  }
0x348: {  	v8 =	vld [tilespmem:s5+$0xD0];
	[tilespmem:s5+$0x50] =	vst v3;
	v3 =	vmul.f32 v9, v6  }
0x349: {  	[tilespmem:s5+$0x60] =	vst v2;
	v2 =	vmul.f32 v4, v6;
	v4 =	vld [tilespmem:s5+$0xE0]  }
0x34a: {  	[tilespmem:s5+$0x80] =	vst v3;
	v3 =	vmul.f32 v7, v6;
	v7 =	vld [tilespmem:s5+$0xF0]  }
0x34b: {  	[tilespmem:s5+$0x90] =	vst v2;
	v2 =	vmul.f32 v10, v6  }
0x34c: {  	[tilespmem:s5+$0xA0] =	vst v3;
	v3 =	vmul.f32 v5, v6  }
0x34d: {  	[tilespmem:s5+$0xB0] =	vst v2;
	v2 =	vmul.f32 v8, v6  }
0x34e: {  	[tilespmem:s5+$0xC0] =	vst v3;
	v3 =	vmul.f32 v4, v6  }
0x34f: {  	[tilespmem:s5+$0xD0] =	vst v2;
	v2 =	vmul.f32 v7, v6  }
0x350: {  	s14 =	simm.s32 $0x0;
	[tilespmem:s5+$0xE0] =	vst v3  }
0x351: {  	s17 =	simm.s32 $0x2;
	s31 =	simm.s32 $0x16A80;
	s4 =	simm.s32 $0x9;
	[tilespmem:s5+$0xF0] =	vst v2;
	v2 =	vmov s14  }
0x352: {  	v3 =	vmov s17;
	[spmem:s1] =	stream.indirect.scatter.add.f32 [tilespmem:s9], [sflag:$0x7], $0x80, s31, s30, $0xb8;
	v2 =	vand.u32 $0xFFFFFFFC, v2;
	[tilespmem:$0x1F980] =	vst v63  }
0x353: {  	v3 =	vand.u32 $0xFFFFFFFE, v3;
	_ =	swait.ge [sflag:s4], $0x2800;
	v2 =	vbroadcast v2, $0x0  }
0x354: {  	v3 =	vbroadcast v3, $0x0;
	[sflag:s4] =	ssyncset.done $0x0  }
0x355: {  	[sflag:s4] =	ssyncadd.s32 $0xFFFFD800  }
0x356: {  	_ =	swait.ge [sflag:s23], $0x2800  }
0x357: {  	[sflag:s23] =	ssyncset.done $0x0  }
0x358: {  	[sflag:s23] =	ssyncadd.s32 $0xFFFFD800  }
0x359: {  	v2 =	vld.idx.msk [tilespmem:v2+s10+$0x0], $0xffff  }
0x35a: {  	s0 =	simm.s32 $0x19D80;
	v3 =	vld.idx.msk [tilespmem:v3+s10+$0x0], $0xffff  }
0x35b: {  	s5 =	simm.s32 $0x1;
	v5 =	vld [tilespmem:s0+$0x70]  }
0x35c: {  	v4 =	vmov s5;
	v6 =	vld [tilespmem:s0+$0xFFFFFF00]  }
0x35d: {  	v4 =	vand.u32 $0xFFFFFFFD, v4;
	v7 =	vld [tilespmem:s0+$0xFFFFFF10]  }
0x35e: {  	v4 =	vbroadcast v4, $0x0;
	v8 =	vld [tilespmem:s0+$0xFFFFFF20]  }
0x35f: {  	v9 =	vld [tilespmem:s0+$0xFFFFFF30]  }
0x360: {  	v10 =	vld [tilespmem:s0+$0xFFFFFF40]  }
0x361: {  	v11 =	vld [tilespmem:s0+$0xFFFFFF50]  }
0x362: {  	v12 =	vld [tilespmem:s0+$0xFFFFFF60];
	v6 =	vmul.f32 v6, v2  }
0x363: {  	v14 =	vld [tilespmem:s0+$0x40];
	v5 =	vmul.f32 v5, v3  }
0x364: {  	v4 =	vld.idx.msk [tilespmem:v4+s10+$0x0], $0xffff;
	[tilespmem:s0+$0xFFFFFF00] =	vst v6;
	v6 =	vmul.f32 v7, v2  }
0x365: {  	v7 =	vld [tilespmem:s0+$0xFFFFFF70];
	[tilespmem:s0+$0x70] =	vst v5;
	v5 =	vmul.f32 v8, v2  }
0x366: {  	v8 =	vld [tilespmem:s0+$0xFFFFFF80];
	[tilespmem:s0+$0xFFFFFF10] =	vst v6;
	v6 =	vmul.f32 v9, v2  }
0x367: {  	v9 =	vld [tilespmem:s0+$0xFFFFFF90];
	[tilespmem:s0+$0xFFFFFF20] =	vst v5;
	v5 =	vmul.f32 v10, v2  }
0x368: {  	v10 =	vld [tilespmem:s0+$0xFFFFFFA0];
	[tilespmem:s0+$0xFFFFFF30] =	vst v6;
	v6 =	vmul.f32 v11, v2  }
0x369: {  	v11 =	vld [tilespmem:s0+$0xFFFFFFB0];
	[tilespmem:s0+$0xFFFFFF40] =	vst v5;
	v5 =	vmul.f32 v12, v2  }
0x36a: {  	v12 =	vld [tilespmem:s0+$0xFFFFFFC0];
	v7 =	vmul.f32 v7, v2;
	[tilespmem:s0+$0xFFFFFF50] =	vst v6  }
0x36b: {  	v6 =	vmul.f32 v8, v4;
	v8 =	vld [tilespmem:s0+$0xFFFFFFD0];
	[tilespmem:s0+$0xFFFFFF60] =	vst v5  }
0x36c: {  	s6 =	simm.s32 $0x3;
	v5 =	vld [tilespmem:s0+$0xFFFFFFE0];
	v9 =	vmul.f32 v9, v4;
	[tilespmem:s0+$0xFFFFFF70] =	vst v7  }
0x36d: {  	v13 =	vmov s6;
	v7 =	vld [tilespmem:s0+$0xFFFFFFF0];
	[tilespmem:s0+$0xFFFFFF80] =	vst v6;
	v6 =	vmul.f32 v10, v4  }
0x36e: {  	v10 =	vld [tilespmem:s0+$0x0];
	[tilespmem:s0+$0xFFFFFF90] =	vst v9;
	v9 =	vmul.f32 v11, v4  }
0x36f: {  	v11 =	vld [tilespmem:s0+$0x10];
	[tilespmem:s0+$0xFFFFFFA0] =	vst v6;
	v6 =	vmul.f32 v12, v4  }
0x370: {  	[tilespmem:s0+$0xFFFFFFB0] =	vst v9;
	v8 =	vmul.f32 v8, v4;
	v9 =	vld [tilespmem:s0+$0x20]  }
0x371: {  	v12 =	vld [tilespmem:s0+$0x30];
	v5 =	vmul.f32 v5, v4;
	[tilespmem:s0+$0xFFFFFFC0] =	vst v6  }
0x372: {  	v2 =	vld.idx.msk [tilespmem:v13+s10+$0x0], $0xffff;
	v4 =	vmul.f32 v7, v4;
	[tilespmem:s0+$0xFFFFFFD0] =	vst v8  }
0x373: {  	[tilespmem:s0+$0xFFFFFFE0] =	vst v5;
	v6 =	vmul.f32 v10, v3;
	v5 =	vld [tilespmem:s0+$0x50]  }
0x374: {  	s14 =	simm.s32 $0x4;
	[tilespmem:s0+$0xFFFFFFF0] =	vst v4;
	v7 =	vmul.f32 v11, v3;
	v4 =	vld [tilespmem:s0+$0x60]  }
0x375: {  	s17 =	simm.s32 $0x7;
	v8 =	vmov s14;
	[tilespmem:s0+$0x0] =	vst v6;
	v10 =	vmul.f32 v9, v3;
	v9 =	vld [tilespmem:s0+$0x80]  }
0x376: {  	s31 =	simm.s32 $0x5;
	v13 =	vand.u32 $0xFFFFFFFC, v8;
	v8 =	vld [tilespmem:s0+$0x90];
	v6 =	vmov s17;
	v11 =	vmul.f32 v12, v3;
	[tilespmem:s0+$0x10] =	vst v7  }
0x377: {  	s6 =	simm.s32 $0x6;
	s5 =	simm.s32 $0x8;
	s4 =	simm.s32 $0x19D80;
	v12 =	vmul.f32 v14, v3;
	v7 =	vbroadcast v13, $0x0;
	v13 =	vmov s31;
	[tilespmem:s0+$0x20] =	vst v10;
	v10 =	vld [tilespmem:s0+$0xA0]  }
.LBB2_19:
0x378: {  	p2 =	slt.u32 s5, $0x4C;
	v13 =	vand.u32 $0xFFFFFFFD, v13;
	v14 =	vmov s6;
	[tilespmem:s0+$0x30] =	vst v11;
	v5 =	vmul.f32 v5, v3;
	v11 =	vld [tilespmem:s0+$0xB0]  }
0x379: {  	v13 =	vbroadcast v13, $0x0;
	v14 =	vand.u32 $0xFFFFFFFE, v14;
	[tilespmem:s0+$0x40] =	vst v12;
	v3 =	vmul.f32 v4, v3;
	v4 =	vld [tilespmem:s0+$0xC0]  }
0x37a: {  	v12 =	vbroadcast v14, $0x0;
	[tilespmem:s0+$0x50] =	vst v5;
	v5 =	vmul.f32 v9, v2;
	v9 =	vld [tilespmem:s0+$0xD0]  }
0x37b: {  	[tilespmem:s0+$0x60] =	vst v3;
	v3 =	vmul.f32 v8, v2;
	v8 =	vld [tilespmem:s0+$0xE0]  }
0x37c: {  	[tilespmem:s0+$0x80] =	vst v5;
	v5 =	vmul.f32 v10, v2;
	v10 =	vld [tilespmem:s0+$0xF0]  }
0x37d: {  	v6 =	vld.idx.msk [tilespmem:v6+s10+$0x0], $0xffff;
	[tilespmem:s0+$0x90] =	vst v3;
	v3 =	vmul.f32 v11, v2  }
0x37e: {  	v7 =	vld.idx.msk [tilespmem:v7+s10+$0x0], $0xffff;
	[tilespmem:s0+$0xA0] =	vst v5;
	v4 =	vmul.f32 v4, v2  }
0x37f: {  	v5 =	vld.idx.msk [tilespmem:v13+s10+$0x0], $0xffff;
	[tilespmem:s0+$0xB0] =	vst v3;
	v9 =	vmul.f32 v9, v2  }
0x380: {  	s0 =	sadd.s32 $0x200, s0;
	v3 =	vld.idx.msk [tilespmem:v12+s10+$0x0], $0xffff;
	[tilespmem:s4+$0xC0] =	vst v4;
	v4 =	vmul.f32 v8, v2  }
0x381: {  	v8 =	vld [tilespmem:s0+$0x70];
	[tilespmem:s4+$0xD0] =	vst v9;
	v10 =	vmul.f32 v10, v2  }
0x382: {  	v9 =	vld [tilespmem:s0+$0xFFFFFF00];
	[tilespmem:s4+$0xE0] =	vst v4  }
0x383: {  	v2 =	vmov v6;
	v4 =	vld [tilespmem:s0+$0xFFFFFF10];
	[tilespmem:s4+$0xF0] =	vst v10;
	s4 =	smov.u32 s0  }
0x384: {  	v6 =	vld [tilespmem:s0+$0xFFFFFF20]  }
0x385: {  	v10 =	vld [tilespmem:s0+$0xFFFFFF30]  }
0x386: {  	v11 =	vld [tilespmem:s0+$0xFFFFFF40];
	v8 =	vmul.f32 v8, v3  }
0x387: {  	v9 =	vmul.f32 v9, v7;
	v12 =	vld [tilespmem:s0+$0xFFFFFF50]  }
0x388: {  	v4 =	vmul.f32 v4, v7;
	v13 =	vld [tilespmem:s0+$0xFFFFFF60];
	[tilespmem:s0+$0x70] =	vst v8  }
0x389: {  	[tilespmem:s0+$0xFFFFFF00] =	vst v9;
	v6 =	vmul.f32 v6, v7;
	v8 =	vld [tilespmem:s0+$0xFFFFFF70]  }
0x38a: {  	[tilespmem:s0+$0xFFFFFF10] =	vst v4;
	v4 =	vmul.f32 v10, v7;
	v9 =	vld [tilespmem:s0+$0xFFFFFF80]  }
0x38b: {  	[tilespmem:s0+$0xFFFFFF20] =	vst v6;
	v6 =	vmul.f32 v11, v7;
	v10 =	vld [tilespmem:s0+$0xFFFFFF90]  }
0x38c: {  	[tilespmem:s0+$0xFFFFFF30] =	vst v4;
	v4 =	vmul.f32 v12, v7;
	v11 =	vld [tilespmem:s0+$0xFFFFFFA0]  }
0x38d: {  	[tilespmem:s0+$0xFFFFFF40] =	vst v6;
	v6 =	vmul.f32 v13, v7;
	v12 =	vld [tilespmem:s0+$0xFFFFFFB0]  }
0x38e: {  	[tilespmem:s0+$0xFFFFFF50] =	vst v4;
	v4 =	vmul.f32 v8, v7;
	v7 =	vld [tilespmem:s0+$0xFFFFFFC0]  }
0x38f: {  	[tilespmem:s0+$0xFFFFFF60] =	vst v6;
	v6 =	vmul.f32 v9, v5;
	v8 =	vld [tilespmem:s0+$0xFFFFFFD0]  }
0x390: {  	[tilespmem:s0+$0xFFFFFF70] =	vst v4;
	v4 =	vmul.f32 v10, v5;
	v9 =	vld [tilespmem:s0+$0xFFFFFFE0]  }
0x391: {  	[tilespmem:s0+$0xFFFFFF80] =	vst v6;
	v6 =	vmul.f32 v11, v5;
	v10 =	vld [tilespmem:s0+$0xFFFFFFF0]  }
0x392: {  	[tilespmem:s0+$0xFFFFFF90] =	vst v4;
	v4 =	vmul.f32 v12, v5;
	v11 =	vld [tilespmem:s0+$0x0]  }
0x393: {  	[tilespmem:s0+$0xFFFFFFA0] =	vst v6;
	v6 =	vmul.f32 v7, v5;
	v7 =	vld [tilespmem:s0+$0x10]  }
0x394: {  	[tilespmem:s0+$0xFFFFFFB0] =	vst v4;
	v4 =	vmul.f32 v8, v5;
	v8 =	vld [tilespmem:s0+$0x20]  }
0x395: {  	[tilespmem:s0+$0xFFFFFFC0] =	vst v6;
	v6 =	vmul.f32 v9, v5;
	v12 =	vld [tilespmem:s0+$0x30]  }
0x396: {  	[tilespmem:s0+$0xFFFFFFD0] =	vst v4;
	v4 =	vmul.f32 v10, v5;
	v10 =	vld [tilespmem:s0+$0x40]  }
.Ltmp9:
0x397: {  	[tilespmem:s0+$0xFFFFFFE0] =	vst v6;
	v6 =	vmul.f32 v11, v3;
	v5 =	vld [tilespmem:s0+$0x50];
	(pc) =	sbr.rel @p2 .LBB2_19-.Ltmp9, $4  }
0x398: {  	[tilespmem:s0+$0xFFFFFFF0] =	vst v4;
	v7 =	vmul.f32 v7, v3;
	v4 =	vld [tilespmem:s0+$0x60]  }
0x399: {  	s6 =	sadd.s32 $0x3, s5;
	v11 =	vmov s5;
	[tilespmem:s0+$0x0] =	vst v6;
	v14 =	vmul.f32 v8, v3;
	v9 =	vld [tilespmem:s0+$0x80]  }
0x39a: {  	s17 =	sadd.s32 $0x1, s5;
	v13 =	vand.u32 $0xFFFFFFFC, v11;
	v6 =	vmov s6;
	[tilespmem:s0+$0x10] =	vst v7;
	v11 =	vmul.f32 v12, v3;
	v8 =	vld [tilespmem:s0+$0x90]  }
0x39b: {  	s6 =	sadd.s32 $0x2, s5;
	s5 =	sadd.s32 $0x4, s5;
	v7 =	vbroadcast v13, $0x0;
	v13 =	vmov s17;
	[tilespmem:s0+$0x20] =	vst v14;
	v12 =	vmul.f32 v10, v3;
	v10 =	vld [tilespmem:s0+$0xA0]  }
0x39c: {  	v14 =	vld [tilespmem:s0+$0xB0]  }
0x39d: {  	v16 =	vld [tilespmem:s0+$0xC0]  }
0x39e: {  	v17 =	vld [tilespmem:s0+$0xD0]  }
0x39f: {  	v18 =	vld [tilespmem:s0+$0xE0]  }
0x3a0: {  	v24 =	vld [tilespmem:s0+$0xF0];
	[tilespmem:s0+$0x30] =	vst v11;
	v5 =	vmul.f32 v5, v3  }
0x3a1: {  	v6 =	vld.idx.msk [tilespmem:v6+s10+$0x0], $0xffff;
	[tilespmem:s0+$0x40] =	vst v12;
	v3 =	vmul.f32 v4, v3  }
0x3a2: {  	s5 =	sadd.s32 $0x200, s0;
	v25 =	vld.idx.msk [tilespmem:v7+s10+$0x0], $0xffff;
	v9 =	vmul.f32 v9, v2;
	[tilespmem:s0+$0x50] =	vst v5  }
0x3a3: {  	v30 =	vld [tilespmem:s5+$0x70];
	v26 =	vmul.f32 v8, v2;
	[tilespmem:s0+$0x60] =	vst v3  }
0x3a4: {  	v31 =	vld [tilespmem:s5+$0xFFFFFF00];
	[tilespmem:s0+$0x80] =	vst v9;
	v3 =	vmul.f32 v10, v2  }
0x3a5: {  	v15 =	vmov s6;
	v33 =	vld [tilespmem:s5+$0xFFFFFF10];
	[tilespmem:s0+$0x90] =	vst v26;
	v29 =	vmul.f32 v14, v2  }
0x3a6: {  	v15 =	vand.u32 $0xFFFFFFFE, v15;
	v34 =	vld [tilespmem:s5+$0xFFFFFF20];
	[tilespmem:s0+$0xA0] =	vst v3;
	v3 =	vmul.f32 v16, v2  }
0x3a7: {  	v13 =	vand.u32 $0xFFFFFFFD, v13;
	v35 =	vld [tilespmem:s5+$0xFFFFFF30];
	v15 =	vbroadcast v15, $0x0;
	v32 =	vmul.f32 v17, v2;
	[tilespmem:s0+$0xB0] =	vst v29  }
0x3a8: {  	v13 =	vbroadcast v13, $0x0;
	v37 =	vld [tilespmem:s5+$0xFFFFFF50];
	[tilespmem:s4+$0xC0] =	vst v3;
	v3 =	vmul.f32 v18, v2  }
0x3a9: {  	v39 =	vld [tilespmem:s5+$0xFFFFFF60];
	[tilespmem:s4+$0xD0] =	vst v32;
	v2 =	vmul.f32 v24, v2  }
0x3aa: {  	v38 =	vmul.f32 v33, v25;
	[tilespmem:s4+$0xE0] =	vst v3;
	v3 =	vld [tilespmem:s5+$0xFFFFFF40]  }
0x3ab: {  	v40 =	vld [tilespmem:s5+$0xFFFFFF70];
	[tilespmem:s4+$0xF0] =	vst v2;
	v2 =	vmul.f32 v31, v25  }
0x3ac: {  	v41 =	vld [tilespmem:s5+$0xFFFFFF80];
	v5 =	vmul.f32 v35, v25;
	[tilespmem:s5+$0xFFFFFF10] =	vst v38  }
0x3ad: {  	v28 =	vld.idx.msk [tilespmem:v15+s10+$0x0], $0xffff;
	[tilespmem:s5+$0xFFFFFF00] =	vst v2;
	v2 =	vmul.f32 v34, v25  }
0x3ae: {  	v42 =	vmul.f32 v37, v25;
	v27 =	vld.idx.msk [tilespmem:v13+s10+$0x0], $0xffff;
	[tilespmem:s5+$0xFFFFFF30] =	vst v5  }
0x3af: {  	[tilespmem:s5+$0xFFFFFF20] =	vst v2;
	v2 =	vmul.f32 v3, v25;
	v3 =	vld [tilespmem:s5+$0xFFFFFF90]  }
0x3b0: {  	v43 =	vld [tilespmem:s5+$0xFFFFFFA0];
	v4 =	vmul.f32 v40, v25;
	[tilespmem:s5+$0xFFFFFF50] =	vst v42  }
0x3b1: {  	v44 =	vld [tilespmem:s5+$0xFFFFFFB0];
	[tilespmem:s5+$0xFFFFFF40] =	vst v2;
	v2 =	vmul.f32 v39, v25  }
0x3b2: {  	v45 =	vld [tilespmem:s5+$0xFFFFFFC0];
	[tilespmem:s5+$0xFFFFFF70] =	vst v4;
	v36 =	vmul.f32 v30, v28  }
0x3b3: {  	v46 =	vld [tilespmem:s5+$0xFFFFFFD0];
	[tilespmem:s5+$0xFFFFFF60] =	vst v2;
	v2 =	vmul.f32 v41, v27  }
0x3b4: {  	v47 =	vld [tilespmem:s5+$0xFFFFFFE0];
	[tilespmem:s5+$0x70] =	vst v36;
	v3 =	vmul.f32 v3, v27  }
0x3b5: {  	v48 =	vld [tilespmem:s5+$0xFFFFFFF0];
	[tilespmem:s5+$0xFFFFFF80] =	vst v2;
	v2 =	vmul.f32 v43, v27  }
0x3b6: {  	v49 =	vld [tilespmem:s5+$0x0];
	[tilespmem:s5+$0xFFFFFF90] =	vst v3;
	v3 =	vmul.f32 v44, v27  }
0x3b7: {  	v50 =	vld [tilespmem:s5+$0x10];
	[tilespmem:s5+$0xFFFFFFA0] =	vst v2;
	v2 =	vmul.f32 v45, v27  }
0x3b8: {  	v51 =	vld [tilespmem:s5+$0x20];
	[tilespmem:s5+$0xFFFFFFB0] =	vst v3;
	v3 =	vmul.f32 v46, v27  }
0x3b9: {  	v52 =	vld [tilespmem:s5+$0x30];
	[tilespmem:s5+$0xFFFFFFC0] =	vst v2;
	v2 =	vmul.f32 v47, v27  }
0x3ba: {  	v53 =	vld [tilespmem:s5+$0x40];
	[tilespmem:s5+$0xFFFFFFD0] =	vst v3;
	v3 =	vmul.f32 v48, v27  }
0x3bb: {  	v54 =	vld [tilespmem:s5+$0x50];
	[tilespmem:s5+$0xFFFFFFE0] =	vst v2;
	v2 =	vmul.f32 v49, v28  }
0x3bc: {  	v55 =	vld [tilespmem:s5+$0x60];
	[tilespmem:s5+$0xFFFFFFF0] =	vst v3;
	v3 =	vmul.f32 v50, v28  }
0x3bd: {  	v56 =	vld [tilespmem:s5+$0x80];
	[tilespmem:s5+$0x0] =	vst v2;
	v2 =	vmul.f32 v51, v28  }
0x3be: {  	v57 =	vld [tilespmem:s5+$0x90];
	[tilespmem:s5+$0x10] =	vst v3;
	v3 =	vmul.f32 v52, v28  }
0x3bf: {  	v58 =	vld [tilespmem:s5+$0xA0];
	[tilespmem:s5+$0x20] =	vst v2;
	v2 =	vmul.f32 v53, v28  }
0x3c0: {  	v59 =	vld [tilespmem:s5+$0xB0];
	[tilespmem:s5+$0x30] =	vst v3;
	v3 =	vmul.f32 v54, v28  }
0x3c1: {  	v60 =	vld [tilespmem:s5+$0xC0];
	[tilespmem:s5+$0x40] =	vst v2;
	v2 =	vmul.f32 v55, v28  }
0x3c2: {  	v61 =	vld [tilespmem:s5+$0xD0];
	[tilespmem:s5+$0x50] =	vst v3;
	v3 =	vmul.f32 v56, v6  }
0x3c3: {  	v62 =	vld [tilespmem:s5+$0xE0];
	[tilespmem:s5+$0x60] =	vst v2;
	v2 =	vmul.f32 v57, v6  }
0x3c4: {  	v63 =	vld [tilespmem:s5+$0xF0];
	[tilespmem:s5+$0x80] =	vst v3;
	v3 =	vmul.f32 v58, v6  }
0x3c5: {  	[tilespmem:s5+$0x90] =	vst v2;
	v2 =	vmul.f32 v59, v6  }
0x3c6: {  	[tilespmem:s5+$0xA0] =	vst v3;
	v3 =	vmul.f32 v60, v6  }
0x3c7: {  	[tilespmem:s5+$0xB0] =	vst v2;
	v2 =	vmul.f32 v61, v6  }
0x3c8: {  	[tilespmem:s5+$0xC0] =	vst v3;
	v3 =	vmul.f32 v62, v6  }
0x3c9: {  	[tilespmem:s5+$0xD0] =	vst v2;
	v2 =	vmul.f32 v63, v6  }
0x3ca: {  	[tilespmem:s5+$0xE0] =	vst v3  }
0x3cb: {  	s6 =	simm.s32 $0x16C80;
	[tilespmem:s5+$0xF0] =	vst v2;
	s5 =	simm.s32 $0x19C80  }
0x3cc: {  	[spmem:s1] =	stream.indirect.scatter.add.f32 [tilespmem:s5], [sflag:$0x8], $0x80, s6, s30, $0xb8;
	[tilespmem:$0x1F980] =	vst v63  }
0x3cd: {  	_ =	swait.ge [sflag:s24], $0x2800  }
0x3ce: {  	[sflag:s24] =	ssyncset.done $0x0  }
0x3cf: {  	[sflag:s24] =	ssyncadd.s32 $0xFFFFD800  }
0x3d0: {  	_ =	swait.ge [sflag:s7], $0x2800  }
0x3d1: {  	[sflag:s7] =	ssyncset.done $0x0  }
0x3d2: {  	[sflag:s7] =	ssyncadd.s32 $0xFFFFD800  }
0x3d3: {  	s14 =	stileid.u32;
	[bflag:$0x0] =	sbarrier.arrive $0xFFFF  }
0x3d4: {  	s0 =	sshll.u32 s14, $0x6;
	s17 =	rddreg [dreg:$0x15]  }
0x3d5: {  	s0 =	sor.u32 $0x1C01, s0;
	s31 =	rddreg [dreg:$0x6];
	s4 =	sshrl.u32 s17, $0x3  }
0x3d6: {  	[hbm:s31], [sflag:s0] =	dma.local [spmem:s4], $0x500  }
0x3d7: {  	_ =	swait.ge [sflag:s8], $0x500  }
0x3d8: {  	[sflag:s8] =	ssyncset.done $0x0;
	s6 =	rddreg [dreg:$0x16]  }
0x3d9: {  	s14 =	rddreg [dreg:$0x7];
	[sflag:s8] =	ssyncadd.s32 $0xFFFFFB00;
	s4 =	sshrl.u32 s6, $0x3  }
0x3da: {  	[hbm:s14], [sflag:s0] =	dma.local [spmem:s4], $0x500  }
0x3db: {  	_ =	swait.ge [sflag:s8], $0x500  }
0x3dc: {  	[sflag:s8] =	ssyncset.done $0x0;
	s17 =	rddreg [dreg:$0x17]  }
0x3dd: {  	s31 =	rddreg [dreg:$0x8];
	[sflag:s8] =	ssyncadd.s32 $0xFFFFFB00;
	s4 =	sshrl.u32 s17, $0x3  }
0x3de: {  	[hbm:s31], [sflag:s0] =	dma.local [spmem:s4], $0x500  }
0x3df: {  	_ =	swait.ge [sflag:s8], $0x500  }
0x3e0: {  	[sflag:s8] =	ssyncset.done $0x0  }
0x3e1: {  	s6 =	sshrl.u32 s22, $0x3;
	s14 =	rddreg [dreg:$0x9];
	[sflag:s8] =	ssyncadd.s32 $0xFFFFFB00  }
0x3e2: {  	[hbm:s14], [sflag:s0] =	dma.local [spmem:s6], $0x500  }
0x3e3: {  	_ =	swait.ge [sflag:s8], $0x500  }
0x3e4: {  	[sflag:s8] =	ssyncset.done $0x0;
	s17 =	rddreg [dreg:$0x19]  }
0x3e5: {  	s31 =	rddreg [dreg:$0xa];
	[sflag:s8] =	ssyncadd.s32 $0xFFFFFB00;
	s4 =	sshrl.u32 s17, $0x3  }
0x3e6: {  	[hbm:s31], [sflag:s0] =	dma.local [spmem:s4], $0x500  }
0x3e7: {  	_ =	swait.ge [sflag:s8], $0x500  }
0x3e8: {  	[sflag:s8] =	ssyncset.done $0x0;
	s5 =	rddreg [dreg:$0x1a]  }
0x3e9: {  	s6 =	rddreg [dreg:$0xb];
	[sflag:s8] =	ssyncadd.s32 $0xFFFFFB00;
	s4 =	sshrl.u32 s5, $0x3  }
0x3ea: {  	[hbm:s6], [sflag:s0] =	dma.local [spmem:s4], $0x500  }
0x3eb: {  	_ =	swait.ge [sflag:s8], $0x500  }
0x3ec: {  	[sflag:s8] =	ssyncset.done $0x0;
	s6 =	rddreg [dreg:$0x1b]  }
0x3ed: {  	s17 =	rddreg [dreg:$0xc];
	[sflag:s8] =	ssyncadd.s32 $0xFFFFFB00;
	s14 =	sshrl.u32 s6, $0x3  }
0x3ee: {  	[hbm:s17], [sflag:s0] =	dma.local [spmem:s14], $0x500  }
0x3ef: {  	_ =	swait.ge [sflag:s8], $0x500  }
0x3f0: {  	[sflag:s8] =	ssyncset.done $0x0;
	s4 =	rddreg [dreg:$0x1c]  }
0x3f1: {  	s5 =	rddreg [dreg:$0xd];
	[sflag:s8] =	ssyncadd.s32 $0xFFFFFB00;
	s4 =	sshrl.u32 @!p0 s4, $0x3  }
0x3f2: {  	[hbm:s5], [sflag:s0] =	dma.local @!p0 [spmem:s4], $0x500  }
0x3f3: {  	s0 =	simm.s32 @!p0 $0x1  }
0x3f4: {  	_ =	swait.ge @!p0 [sflag:s0], $0x500  }
0x3f5: {  	s14 =	sld [smem:$0x7FA];
	_ =	sdelay $0x2  }
0x3f6: {  	s31 =	rddreg [dreg:$0x14];
	s14 =	sadd.s32 $0x1, s14  }
0x3f7: {  	p2 =	sne.s32 s14, s31  }
.Ltmp10:
0x3f8: {  	_ = 	snop;
	(pc) =	sbr.rel @p2 .LBB2_1-.Ltmp10, $3  }
0x3f9: {  	_ =	sdelay $0x1  }
0x3fa: {  	[sflag:s0] =	ssyncset.done @!p0 $0x0  }
0x3fb: {  	s5 =	simm.s32 $0x16F80;
	s17 =	rddreg [dreg:$0xf];
	[sflag:s0] =	ssyncadd.s32 @!p0 $0xFFFFFB00  }
0x3fc: {  	_ =	sfence.sel $0x180000  }
0x3fd: {  	[bflag:$0x0] =	sbarrier.arrive $0xFFFF  }
0x3fe: {  	_ =	strace $0x90000047  }
0x3ff: {  	s0 =	stileid.u32;
	[bflag:$0x2] =	sbarrier.arrive $0xFFFF  }
0x400: {  	p0 =	sne.s32 s0, $0x0;
	s0 =	rddreg [dreg:$0x4]  }
0x401: {  	s0 =	sadd.s32 @!p0 $0x100000, s0  }
0x402: {  	[sflag:s0] =	ssyncadd.tile.s32 @!p0 $0x1;
	_ =	shalt  }
.Lfunc_end2:
_tile_overlayer_lowered:
.L_overlay_start_2:
0x403: {  	(tag) =	ssettag $0x2  }
0x404: {  	s0 =	rddreg [dreg:$0x0];
	s2 =	stileid.u32  }
0x405: {  	s1 =	rddreg [dreg:$0x1];
	p0 =	sne.s32 s2, $0x0  }
0x406: {  	s3 =	rddreg [dreg:$0x2];
	[bflag:$0x3] =	sbarrier.arrive $0xFFFF;
	s2 =	simm.s32 @!p0 $0x1C01  }
0x407: {  	[timem:s3], [sflag:s2] =	dma.local @!p0 [hbm:s0], s1  }
0x408: {  	s0 =	simm.s32 @!p0 $0x1  }
0x409: {  	_ =	swait.ge @!p0 [sflag:s0], s1  }
0x40a: {  	s1 =	ssub.s32 @!p0 $0x0, s1;
	[sflag:s0] =	ssyncset.done @!p0 $0x0  }
0x40b: {  	[sflag:s0] =	ssyncadd.s32 @!p0 s1  }
0x40c: {  	[bflag:$0x3] =	sbarrier.arrive $0xFFFF  }
0x40d: {  	_ =	shalt  }

</sc_bundles>
